<compile_context>
chip_gen: v7x
topology: tpu7x:2x2x1
jax: 0.10.2.dev20260603
libtpu: 0.0.44.dev20260713+nightly
codegen_flags: <defaults>
</compile_context>

<pallas_src>
import jax
import jax.numpy as jnp
from jax import lax
from jax.experimental import pallas as pl
from jax.experimental.pallas import tpu as pltpu
from jax.experimental.pallas import tpu_sc as plsc

N_USERS = 25000
N_ITEMS = 25000
N_NODES = N_USERS + N_ITEMS
EDIM = 64
HDIM = 32
NNZ = 800000
B = 4096

NC = 2
NS = 16
CHUNK = 192
TILE_CHUNKS = 264
NNZ_PAD = NS * TILE_CHUNKS * CHUNK

N_PAD = 50048
STRIPE = N_PAD // NS
DRING = 4
MRING = 6


def _spmm_body(cols_c, rows_c, vals_c, zeros, ego_l, ego_r, side_l, side_r,
               cols_b, rows_b, vals_b, data_b, sem_g, sem_s, sem_ld, acc_sh):
    c = lax.axis_index("c")
    s = lax.axis_index("s")

    pltpu.sync_copy(zeros.at[pl.ds(s * STRIPE, STRIPE)],
                    acc_sh.at[pl.ds(s * STRIPE, STRIPE)])
    plsc.subcore_barrier()

    def chunk_of(g):
        return s * TILE_CHUNKS + g

    def issue_loads(g, m):
        e0 = chunk_of(g) * CHUNK
        pltpu.async_copy(cols_c.at[pl.ds(e0, CHUNK)], cols_b.at[m],
                         sem_ld.at[m])
        pltpu.async_copy(rows_c.at[pl.ds(e0, CHUNK)], rows_b.at[m],
                         sem_ld.at[m])
        pltpu.async_copy(vals_c.at[pl.ds(e0, CHUNK)], vals_b.at[m],
                         sem_ld.at[m])

    def wait_loads(g, m):
        e0 = chunk_of(g) * CHUNK
        pltpu.make_async_copy(cols_c.at[pl.ds(e0, CHUNK)], cols_b.at[m],
                              sem_ld.at[m]).wait()
        pltpu.make_async_copy(rows_c.at[pl.ds(e0, CHUNK)], rows_b.at[m],
                              sem_ld.at[m]).wait()
        pltpu.make_async_copy(vals_c.at[pl.ds(e0, CHUNK)], vals_b.at[m],
                              sem_ld.at[m]).wait()

    def run_half(ego_hbm, side_hbm):
        def issue_gather(p, m):
            pltpu.async_copy(ego_hbm.at[cols_b.at[m]], data_b.at[p],
                             sem_g.at[p])

        def wait_gather(p, m):
            pltpu.make_async_copy(ego_hbm.at[cols_b.at[m]],
                                  data_b.at[p], sem_g.at[p]).wait()

        def issue_scatter(p, m):
            pltpu.async_copy(data_b.at[p], acc_sh.at[rows_b.at[m]],
                             sem_s.at[p], add=True)

        def wait_scatter(p, m):
            pltpu.make_async_copy(data_b.at[p], acc_sh.at[rows_b.at[m]],
                                  sem_s.at[p]).wait()

        def compute(p, m):
            def edge_body(e16, carry2):
                vv = vals_b[m, pl.ds(e16 * 16, 16)]
                for t in range(16):
                    e = e16 * 16 + t
                    v = vv[t]
                    d0 = data_b[p, e, pl.ds(0, 16)]
                    data_b[p, e, pl.ds(0, 16)] = d0 * v
                    d1 = data_b[p, e, pl.ds(16, 16)]
                    data_b[p, e, pl.ds(16, 16)] = d1 * v
                return carry2

            lax.fori_loop(0, CHUNK // 16, edge_body, 0)

        for m in range(4):
            issue_loads(m, m)
        wait_loads(0, 0)
        issue_gather(0, 0)
        wait_loads(1, 1)
        issue_gather(1, 1)

        def body(g, carry):
            p4 = lax.rem(g, DRING)
            p6 = lax.rem(g, MRING)
            p4n = lax.rem(g + 2, DRING)
            p6n = lax.rem(g + 2, MRING)

            @pl.when(jnp.logical_and(g >= 2, g + 2 < TILE_CHUNKS))
            def _():
                wait_scatter(p4n, p6n)

            @pl.when(g + 2 < TILE_CHUNKS)
            def _():
                wait_loads(g + 2, p6n)
                issue_gather(p4n, p6n)

            @pl.when(g + 4 < TILE_CHUNKS)
            def _():
                issue_loads(g + 4, lax.rem(g + 4, MRING))

            wait_gather(p4, p6)
            compute(p4, p6)
            issue_scatter(p4, p6)
            return carry

        lax.fori_loop(0, TILE_CHUNKS, body, 0)
        for q in range(4):
            g = TILE_CHUNKS - 4 + q
            wait_scatter(g % DRING, g % MRING)

    @pl.when(c == 0)
    def _():
        run_half(ego_l, side_l)

    @pl.when(c == 1)
    def _():
        run_half(ego_r, side_r)

    plsc.subcore_barrier()

    @pl.when(c == 0)
    def _():
        pltpu.sync_copy(acc_sh.at[pl.ds(s * STRIPE, STRIPE)],
                        side_l.at[pl.ds(s * STRIPE, STRIPE)])

    @pl.when(c == 1)
    def _():
        pltpu.sync_copy(acc_sh.at[pl.ds(s * STRIPE, STRIPE)],
                        side_r.at[pl.ds(s * STRIPE, STRIPE)])


@jax.jit
def _sc_spmm(cols_c, rows_c, vals_c, zeros, ego_l, ego_r):
    mesh = plsc.VectorSubcoreMesh(core_axis_name="c", subcore_axis_name="s")
    f = pl.kernel(
        _spmm_body,
        out_type=(
            jax.ShapeDtypeStruct((N_PAD, HDIM), jnp.float32),
            jax.ShapeDtypeStruct((N_PAD, HDIM), jnp.float32),
        ),
        mesh=mesh,
        scratch_types=[
            pltpu.VMEM((MRING, CHUNK), jnp.int32),
            pltpu.VMEM((MRING, CHUNK), jnp.int32),
            pltpu.VMEM((MRING, CHUNK), jnp.float32),
            pltpu.VMEM((DRING, CHUNK, HDIM), jnp.float32),
            pltpu.SemaphoreType.DMA((DRING,)),
            pltpu.SemaphoreType.DMA((DRING,)),
            pltpu.SemaphoreType.DMA((MRING,)),
            pltpu.VMEM_SHARED((N_PAD, HDIM), jnp.float32),
        ],
        compiler_params=pltpu.CompilerParams(use_tc_tiling_on_sc=False),
    )
    return f(cols_c, rows_c, vals_c, zeros, ego_l, ego_r)


N_Q = N_PAD // 4


def _dense_body(sl, sr, el, er, al, ar, wl, wr, b4l, b4r, s32, s32t,
                nl, nr, aol, aor):
    x = jnp.concatenate([sl[...], sr[...]], axis=1)
    e = jnp.concatenate([el[...], er[...]], axis=1)
    xx = jnp.concatenate([x, e * x], axis=1)
    dn = (((1,), (0,)), ((), ()))
    hl = lax.dot_general(xx, wl[...], dn,
                         preferred_element_type=jnp.float32) + b4l[...]
    hr = lax.dot_general(xx, wr[...], dn,
                         preferred_element_type=jnp.float32) + b4r[...]
    gl = jnp.where(hl >= 0, hl, 0.2 * hl)
    gr = jnp.where(hr >= 0, hr, 0.2 * hr)
    n2 = (lax.dot_general(gl * gl, s32[...], dn,
                          preferred_element_type=jnp.float32) +
          lax.dot_general(gr * gr, s32[...], dn,
                          preferred_element_type=jnp.float32))
    inv = 1.0 / jnp.maximum(jnp.sqrt(n2), 1e-12)
    inv128 = lax.dot_general(inv, s32t[...], dn,
                             preferred_element_type=jnp.float32)
    nl[...] = gl
    nr[...] = gr
    aol[...] = al[...] + gl * inv128
    aor[...] = ar[...] + gr * inv128


@jax.jit
def _tc_dense(sl, sr, el, er, al, ar, wl, wr, b4l, b4r, s32, s32t):
    R = 3128
    grid = N_Q // R
    blk = pl.BlockSpec((R, 128), lambda i: (i, 0))
    wspec = pl.BlockSpec((512, 128), lambda i: (0, 0))
    bspec = pl.BlockSpec((1, 128), lambda i: (0, 0))
    s32spec = pl.BlockSpec((128, 4), lambda i: (0, 0))
    s32tspec = pl.BlockSpec((4, 128), lambda i: (0, 0))
    out = jax.ShapeDtypeStruct((N_Q, 128), jnp.float32)
    return pl.pallas_call(
        _dense_body,
        grid=(grid,),
        in_specs=[blk, blk, blk, blk, blk, blk, wspec, wspec, bspec, bspec,
                  s32spec, s32tspec],
        out_specs=[blk, blk, blk, blk],
        out_shape=[out, out, out, out],
    )(sl, sr, el, er, al, ar, wl, wr, b4l, b4r, s32, s32t)


PER_W = B // (NC * NS)


def _lane_perm(v, mask_xor):
    idx = (jnp.arange(16, dtype=jnp.int32) ^ mask_xor)[:, None]
    dn = lax.GatherDimensionNumbers(offset_dims=(),
                                    collapsed_slice_dims=(0,),
                                    start_index_map=(0,))
    return lax.gather(v, idx, dn, slice_sizes=(1,),
                      mode=lax.GatherScatterMode.PROMISE_IN_BOUNDS)


def _final_body(acc_l, acc_r, ego0_l, ego0_r, user, item,
                pred, ul_out, ur_out, il_out, ir_out,
                uidx, iidx, aul, aur, ail, air, tul, tur, til, tir, pred_b):
    c = lax.axis_index("c")
    s = lax.axis_index("s")
    wid = s * NC + c
    base = wid * PER_W
    pltpu.sync_copy(user.at[pl.ds(base, PER_W)], uidx)
    pltpu.sync_copy(item.at[pl.ds(base, PER_W)], iidx)
    pltpu.sync_copy(ego0_l.at[uidx], tul)
    pltpu.sync_copy(ego0_r.at[uidx], tur)
    pltpu.sync_copy(acc_l.at[uidx], aul)
    pltpu.sync_copy(acc_r.at[uidx], aur)
    for k in range(PER_W // 16):
        iidx[pl.ds(k * 16, 16)] = iidx[pl.ds(k * 16, 16)] + N_USERS
    pltpu.sync_copy(ego0_l.at[iidx], til)
    pltpu.sync_copy(ego0_r.at[iidx], tir)
    pltpu.sync_copy(acc_l.at[iidx], ail)
    pltpu.sync_copy(acc_r.at[iidx], air)
    pltpu.sync_copy(tul, ul_out.at[pl.ds(base, PER_W)])
    pltpu.sync_copy(tur, ur_out.at[pl.ds(base, PER_W)])
    pltpu.sync_copy(til, il_out.at[pl.ds(base, PER_W)])
    pltpu.sync_copy(tir, ir_out.at[pl.ds(base, PER_W)])

    lanes = jnp.arange(16, dtype=jnp.int32)

    def group_body(p16, carry):
        dots = jnp.zeros((16,), jnp.float32)
        for t in range(16):
            p = p16 * 16 + t
            sv = aul[p, pl.ds(0, 16)] * ail[p, pl.ds(0, 16)]
            sv = sv + aul[p, pl.ds(16, 16)] * ail[p, pl.ds(16, 16)]
            sv = sv + aur[p, pl.ds(0, 16)] * air[p, pl.ds(0, 16)]
            sv = sv + aur[p, pl.ds(16, 16)] * air[p, pl.ds(16, 16)]
            for k in (1, 2, 4, 8):
                sv = sv + _lane_perm(sv, k)
            dots = jnp.where(lanes == t, sv, dots)
        pred_b[pl.ds(p16 * 16, 16)] = dots * (1.0 / 16.0)
        return carry

    lax.fori_loop(0, PER_W // 16, group_body, 0)
    pltpu.sync_copy(pred_b, pred.at[pl.ds(base, PER_W)])


@jax.jit
def _sc_final(acc_l, acc_r, ego0_l, ego0_r, user, item):
    mesh = plsc.VectorSubcoreMesh(core_axis_name="c", subcore_axis_name="s")
    hbuf = pltpu.VMEM((PER_W, HDIM), jnp.float32)
    f = pl.kernel(
        _final_body,
        out_type=(
            jax.ShapeDtypeStruct((B,), jnp.float32),
            jax.ShapeDtypeStruct((B, HDIM), jnp.float32),
            jax.ShapeDtypeStruct((B, HDIM), jnp.float32),
            jax.ShapeDtypeStruct((B, HDIM), jnp.float32),
            jax.ShapeDtypeStruct((B, HDIM), jnp.float32),
        ),
        mesh=mesh,
        scratch_types=[
            pltpu.VMEM((PER_W,), jnp.int32),
            pltpu.VMEM((PER_W,), jnp.int32),
            hbuf, hbuf, hbuf, hbuf, hbuf, hbuf, hbuf, hbuf,
            pltpu.VMEM((PER_W,), jnp.float32),
        ],
        compiler_params=pltpu.CompilerParams(use_tc_tiling_on_sc=False),
    )
    return f(acc_l, acc_r, ego0_l, ego0_r, user, item)


def kernel(user_table, item_table, W_gc_0, b_gc_0, W_bi_0, b_bi_0,
           W_gc_1, b_gc_1, W_bi_1, b_bi_1, W_gc_2, b_gc_2, W_bi_2, b_bi_2,
           vals, rows, cols, user, u_ir, nbr, item, rate):
    gc = [(W_gc_0, b_gc_0), (W_gc_1, b_gc_1), (W_gc_2, b_gc_2)]
    bi = [(W_bi_0, b_bi_0), (W_bi_1, b_bi_1), (W_bi_2, b_bi_2)]

    ego = jnp.concatenate([user_table, item_table], axis=0)
    ego_p = jnp.pad(ego, ((0, N_PAD - N_NODES), (0, 0)))
    ego_l = ego0_l = ego_p[:, :HDIM]
    ego_r = ego0_r = ego_p[:, HDIM:]
    el_p = ego_l.reshape(N_Q, 128)
    er_p = ego_r.reshape(N_Q, 128)
    al_p = el_p
    ar_p = er_p

    epad = NNZ_PAD - NNZ
    cols1 = jnp.pad(cols, (0, epad))
    rows1 = jnp.pad(rows, (0, epad))
    vals1 = jnp.pad(vals, (0, epad))
    zeros = jnp.zeros((N_PAD, HDIM), jnp.float32)

    eye4 = jnp.eye(4, dtype=jnp.float32)
    s32 = jnp.kron(eye4, jnp.ones((HDIM, 1), jnp.float32))
    s32t = jnp.kron(eye4, jnp.ones((1, HDIM), jnp.float32))

    for l in range(3):
        side_l, side_r = _sc_spmm(cols1, rows1, vals1, zeros, ego_l, ego_r)
        a = gc[l][0].T
        b = bi[l][0].T
        wl = jnp.concatenate([
            jnp.kron(eye4, a[:HDIM, :HDIM]),
            jnp.kron(eye4, a[HDIM:, :HDIM]),
            jnp.kron(eye4, b[:HDIM, :HDIM]),
            jnp.kron(eye4, b[HDIM:, :HDIM]),
        ], axis=0)
        wr = jnp.concatenate([
            jnp.kron(eye4, a[:HDIM, HDIM:]),
            jnp.kron(eye4, a[HDIM:, HDIM:]),
            jnp.kron(eye4, b[:HDIM, HDIM:]),
            jnp.kron(eye4, b[HDIM:, HDIM:]),
        ], axis=0)
        bsum = gc[l][1] + bi[l][1]
        b4l = jnp.tile(bsum[:HDIM], 4).reshape(1, 128)
        b4r = jnp.tile(bsum[HDIM:], 4).reshape(1, 128)
        el_p, er_p, al_p, ar_p = _tc_dense(
            side_l.reshape(N_Q, 128), side_r.reshape(N_Q, 128),
            el_p, er_p, al_p, ar_p, wl, wr, b4l, b4r, s32, s32t)
        ego_l = el_p.reshape(N_PAD, HDIM)
        ego_r = er_p.reshape(N_PAD, HDIM)

    pred, ul, ur, il, ir = _sc_final(al_p.reshape(N_PAD, HDIM),
                                     ar_p.reshape(N_PAD, HDIM),
                                     ego0_l, ego0_r, user, item)
    users_ego = jnp.concatenate([ul, ur], axis=1)
    items_ego = jnp.concatenate([il, ir], axis=1)
    return (pred, users_ego, items_ego)

# --- scband reference (transcript-rebuilt; emitter-appended) ---
"""Pipeline reference for scband-ngcf-rate-61203283968780 (READ-ONLY COPY).

The authoritative reference and input builder live on the scoring server;
editing this copy changes nothing except your own understanding.
"""

import jax, jax.numpy as jnp
import numpy as np

N_USERS = 25000
N_ITEMS = 25000
N_NODES = N_USERS + N_ITEMS
EDIM = 64
NNZ = 800000
N_LAYERS = 3
B = 4096


def setup_inputs(seed: int = 0) -> dict:
    key = jax.random.key(seed)
    ks = jax.random.split(key, 32)
    inp = {}
    inp["user_table"] = jax.random.uniform(ks[0], (N_USERS, EDIM), dtype=jnp.float32, minval=-0.5 / N_USERS, maxval=0.5 / N_USERS)
    inp["item_table"] = jax.random.uniform(ks[1], (N_ITEMS, EDIM), dtype=jnp.float32, minval=-0.5 / N_ITEMS, maxval=0.5 / N_ITEMS)
    i = 2
    for l in range(N_LAYERS):
        inp[f"W_gc_{l}"] = jax.random.normal(ks[i], (EDIM, EDIM), dtype=jnp.float32) * 0.05; i += 1
        inp[f"b_gc_{l}"] = jnp.zeros((EDIM,), dtype=jnp.float32)
        inp[f"W_bi_{l}"] = jax.random.normal(ks[i], (EDIM, EDIM), dtype=jnp.float32) * 0.05; i += 1
        inp[f"b_bi_{l}"] = jnp.zeros((EDIM,), dtype=jnp.float32)
    inp["vals"] = jax.random.uniform(ks[i], (NNZ,), dtype=jnp.float32) * (1.0 / 16.0); i += 1
    inp["rows"] = jax.random.randint(ks[i], (NNZ,), 0, N_NODES, dtype=jnp.int32); i += 1
    inp["cols"] = jax.random.randint(ks[i], (NNZ,), 0, N_NODES, dtype=jnp.int32); i += 1
    inp["user"] = jax.random.randint(ks[i], (B,), 0, N_USERS, dtype=jnp.int32); i += 1
    inp["u_ir"] = jax.random.randint(ks[i], (B,), 0, N_USERS, dtype=jnp.int32); i += 1
    inp["nbr"] = jax.random.randint(ks[i], (B,), 0, N_ITEMS, dtype=jnp.int32); i += 1
    inp["item"] = jax.random.randint(ks[i], (B,), 0, N_ITEMS, dtype=jnp.int32); i += 1
    inp["rate"] = jax.random.uniform(ks[i], (B,), dtype=jnp.float32); i += 1
    return inp


def reference(user_table, item_table, W_gc_0, b_gc_0, W_bi_0, b_bi_0, W_gc_1, b_gc_1, W_bi_1, b_bi_1, W_gc_2, b_gc_2, W_bi_2, b_bi_2, vals, rows, cols, user, u_ir, nbr, item, rate):
    gc = [(W_gc_0, b_gc_0), (W_gc_1, b_gc_1), (W_gc_2, b_gc_2)]
    bi = [(W_bi_0, b_bi_0), (W_bi_1, b_bi_1), (W_bi_2, b_bi_2)]
    ego = jnp.concatenate([user_table, item_table], axis=0)
    embs = [ego]
    for l in range(N_LAYERS):
        # torch.sparse.mm(Graph, ego) as gather + scatter-add over COO entries
        side = jax.ops.segment_sum(vals[:, None] * ego[cols], rows, num_segments=N_NODES)
        sum_emb = side @ gc[l][0].T + gc[l][1]
        bi_emb = (ego * side) @ bi[l][0].T + bi[l][1]
        ego = jax.nn.leaky_relu(sum_emb + bi_emb, negative_slope=0.2)
        # dropout is identity in eval mode
        norm_emb = ego / jnp.maximum(jnp.linalg.norm(ego, axis=-1, keepdims=True), 1e-12)
        embs.append(norm_emb)
    ngcf_out = jnp.mean(jnp.stack(embs, axis=1), axis=1)
    all_users = ngcf_out[:N_USERS]
    all_items = ngcf_out[N_USERS:]
    users_emb = all_users[user]
    items_emb = all_items[item]
    users_emb_ego = user_table[user]
    items_emb_ego = item_table[item]
    pred_rate = jnp.sum(users_emb * items_emb, axis=-1)
    return (pred_rate, users_emb_ego, items_emb_ego)

if __name__ == "__main__":
    import jax
    _d = setup_inputs()
    print(jax.jit(kernel)(*tuple(_d.values())))

</pallas_src>

<mosaic_0001>
#map = affine_map<(d0, d1) -> (0)>
#map1 = affine_map<(d0, d1) -> (0, 0)>
module attributes {stable_mosaic.version = 14 : i64} {
  func.func @_spmm_body(%arg0: i32, %arg1: i32, %arg2: memref<811008xi32, #tpu.memory_space<hbm>>, %arg3: memref<811008xi32, #tpu.memory_space<hbm>>, %arg4: memref<811008xf32, #tpu.memory_space<hbm>>, %arg5: memref<50048x32xf32, #tpu.memory_space<hbm>>, %arg6: memref<50048x32xf32, #tpu.memory_space<hbm>>, %arg7: memref<50048x32xf32, #tpu.memory_space<hbm>>, %arg8: memref<50048x32xf32, #tpu.memory_space<hbm>>, %arg9: memref<50048x32xf32, #tpu.memory_space<hbm>>, %arg10: memref<6x192xi32, #tpu.memory_space<vmem>>, %arg11: memref<6x192xi32, #tpu.memory_space<vmem>>, %arg12: memref<6x192xf32, #tpu.memory_space<vmem>>, %arg13: memref<4x192x32xf32, #tpu.memory_space<vmem>>, %arg14: memref<4x!tpu.dma_semaphore, #tpu.memory_space<semaphore_mem>>, %arg15: memref<4x!tpu.dma_semaphore, #tpu.memory_space<semaphore_mem>>, %arg16: memref<6x!tpu.dma_semaphore, #tpu.memory_space<semaphore_mem>>, %arg17: memref<50048x32xf32, #tpu.memory_space<vmem_shared>>) attributes {dimension_semantics = [#tpu.dimension_semantics<core_parallel>, #tpu.dimension_semantics<subcore_parallel>], iteration_bounds = array<i64: 2, 16>, scalar_prefetch = 0 : i64, scratch_operands = 8 : i64, tpu.core_type = #tpu.core_type<sc_vector_subcore>, window_params = [{transform_indices = #map}, {transform_indices = #map}, {transform_indices = #map}, {transform_indices = #map1}, {transform_indices = #map1}, {transform_indices = #map1}, {transform_indices = #map1}, {transform_indices = #map1}]} {
    %mul3A = arith.constant 3128 : i32
    %mul3A_0 = arith.muli %arg1, %mul3A : i32
    %mul3A_1 = arith.constant 3128 : i32
    %mul3A_2 = arith.muli %arg1, %mul3A_1 : i32
    "tpu.region"() ({
      %run_scoped3A = tpu.sem_alloc : memref<!tpu.dma_semaphore, #tpu.memory_space<semaphore_mem>>
      %dma_start3A = arith.constant 0 : i32
      %dma_start3A_21 = tpu.memref_slice %arg17[%mul3A_2, %dma_start3A] : memref<50048x32xf32, #tpu.memory_space<vmem_shared>> -> memref<3128x32xf32, #tpu.memory_space<vmem_shared>>
      %dma_start3A_22 = arith.constant 0 : i32
      %dma_start3A_23 = tpu.memref_slice %arg5[%mul3A_0, %dma_start3A_22] : memref<50048x32xf32, #tpu.memory_space<hbm>> -> memref<3128x32xf32, #tpu.memory_space<hbm>>
      tpu.enqueue_dma source(%dma_start3A_23 : memref<3128x32xf32, #tpu.memory_space<hbm>>) target(%dma_start3A_21 : memref<3128x32xf32, #tpu.memory_space<vmem_shared>>) target_semaphore(%run_scoped3A : memref<!tpu.dma_semaphore, #tpu.memory_space<semaphore_mem>>)
      %dma_wait3A = arith.constant 0 : i32
      %dma_wait3A_24 = tpu.memref_slice %arg17[%mul3A_2, %dma_wait3A] : memref<50048x32xf32, #tpu.memory_space<vmem_shared>> -> memref<3128x32xf32, #tpu.memory_space<vmem_shared>>
      %dma_wait3A_25 = arith.constant 0 : i32
      %dma_wait3A_26 = tpu.memref_slice %arg5[%mul3A_0, %dma_wait3A_25] : memref<50048x32xf32, #tpu.memory_space<hbm>> -> memref<3128x32xf32, #tpu.memory_space<hbm>>
      tpu.wait_dma2 semaphore(%run_scoped3A : memref<!tpu.dma_semaphore, #tpu.memory_space<semaphore_mem>>) src(%dma_wait3A_26 : memref<3128x32xf32, #tpu.memory_space<hbm>>) dst(%dma_wait3A_24 : memref<3128x32xf32, #tpu.memory_space<vmem_shared>>)
      tpu.yield
    }) : () -> ()
    %barrier3A = arith.constant 0 : index
    tpu.barrier barrier_id(%barrier3A)
    %eq3A = arith.constant 0 : i32
    %eq3A_3 = arith.cmpi eq, %arg0, %eq3A : i32
    %convert_element_type3A = arith.extui %eq3A_3 : i1 to i32
    %cond3A = arith.constant 0 : i32
    %cond3A_4 = arith.cmpi ne, %convert_element_type3A, %cond3A : i32
    scf.if %cond3A_4 {
      %mul3A_21 = arith.constant 264 : i32
      %mul3A_22 = arith.muli %arg1, %mul3A_21 : i32
      %add3A = arith.constant 0 : i32
      %add3A_23 = arith.addi %mul3A_22, %add3A : i32
      %mul3A_24 = arith.constant 192 : i32
      %mul3A_25 = arith.muli %add3A_23, %mul3A_24 : i32
      %dma_start3A = arith.constant 0 : i32
      %dma_start3A_26 = arith.constant 0 : i32
      %dma_start3A_27 = arith.constant 0 : i32
      %dma_start3A_28 = tpu.memref_slice %arg10[%dma_start3A, %dma_start3A_27] : memref<6x192xi32, #tpu.memory_space<vmem>> -> memref<1x192xi32, #tpu.memory_space<vmem>>
      %dma_start3A_29 = tpu.memref_squeeze %dma_start3A_28 : memref<1x192xi32, #tpu.memory_space<vmem>> -> memref<192xi32, #tpu.memory_space<vmem>>
      %dma_start3A_30 = tpu.memref_slice %arg2[%mul3A_25] : memref<811008xi32, #tpu.memory_space<hbm>> -> memref<192xi32, #tpu.memory_space<hbm>>
      %dma_start3A_31 = tpu.memref_slice %arg16[%dma_start3A_26] : memref<6x!tpu.dma_semaphore, #tpu.memory_space<semaphore_mem>> -> memref<1x!tpu.dma_semaphore, #tpu.memory_space<semaphore_mem>>
      %dma_start3A_32 = tpu.memref_squeeze %dma_start3A_31 : memref<1x!tpu.dma_semaphore, #tpu.memory_space<semaphore_mem>> -> memref<!tpu.dma_semaphore, #tpu.memory_space<semaphore_mem>>
      %dma_start3A_33 = arith.constant 0 : i32
      %dma_start3A_34 = tpu.memref_slice %arg10[%dma_start3A, %dma_start3A_33] : memref<6x192xi32, #tpu.memory_space<vmem>> -> memref<1x192xi32, #tpu.memory_space<vmem>>
      %dma_start3A_35 = tpu.memref_squeeze %dma_start3A_34 : memref<1x192xi32, #tpu.memory_space<vmem>> -> memref<192xi32, #tpu.memory_space<vmem>>
      %dma_start3A_36 = tpu.memref_slice %arg2[%mul3A_25] : memref<811008xi32, #tpu.memory_space<hbm>> -> memref<192xi32, #tpu.memory_space<hbm>>
      tpu.enqueue_dma source(%dma_start3A_36 : memref<192xi32, #tpu.memory_space<hbm>>) target(%dma_start3A_35 : memref<192xi32, #tpu.memory_space<vmem>>) target_semaphore(%dma_start3A_32 : memref<!tpu.dma_semaphore, #tpu.memory_space<semaphore_mem>>)
      %dma_start3A_37 = arith.constant 0 : i32
      %dma_start3A_38 = arith.constant 0 : i32
      %dma_start3A_39 = arith.constant 0 : i32
      %dma_start3A_40 = tpu.memref_slice %arg11[%dma_start3A_37, %dma_start3A_39] : memref<6x192xi32, #tpu.memory_space<vmem>> -> memref<1x192xi32, #tpu.memory_space<vmem>>
      %dma_start3A_41 = tpu.memref_squeeze %dma_start3A_40 : memref<1x192xi32, #tpu.memory_space<vmem>> -> memref<192xi32, #tpu.memory_space<vmem>>
      %dma_start3A_42 = tpu.memref_slice %arg3[%mul3A_25] : memref<811008xi32, #tpu.memory_space<hbm>> -> memref<192xi32, #tpu.memory_space<hbm>>
      %dma_start3A_43 = tpu.memref_slice %arg16[%dma_start3A_38] : memref<6x!tpu.dma_semaphore, #tpu.memory_space<semaphore_mem>> -> memref<1x!tpu.dma_semaphore, #tpu.memory_space<semaphore_mem>>
      %dma_start3A_44 = tpu.memref_squeeze %dma_start3A_43 : memref<1x!tpu.dma_semaphore, #tpu.memory_space<semaphore_mem>> -> memref<!tpu.dma_semaphore, #tpu.memory_space<semaphore_mem>>
      %dma_start3A_45 = arith.constant 0 : i32
      %dma_start3A_46 = tpu.memref_slice %arg11[%dma_start3A_37, %dma_start3A_45] : memref<6x192xi32, #tpu.memory_space<vmem>> -> memref<1x192xi32, #tpu.memory_space<vmem>>
      %dma_start3A_47 = tpu.memref_squeeze %dma_start3A_46 : memref<1x192xi32, #tpu.memory_space<vmem>> -> memref<192xi32, #tpu.memory_space<vmem>>
      %dma_start3A_48 = tpu.memref_slice %arg3[%mul3A_25] : memref<811008xi32, #tpu.memory_space<hbm>> -> memref<192xi32, #tpu.memory_space<hbm>>
      tpu.enqueue_dma source(%dma_start3A_48 : memref<192xi32, #tpu.memory_space<hbm>>) target(%dma_start3A_47 : memref<192xi32, #tpu.memory_space<vmem>>) target_semaphore(%dma_start3A_44 : memref<!tpu.dma_semaphore, #tpu.memory_space<semaphore_mem>>)
      %dma_start3A_49 = arith.constant 0 : i32
      %dma_start3A_50 = arith.constant 0 : i32
      %dma_start3A_51 = arith.constant 0 : i32
      %dma_start3A_52 = tpu.memref_slice %arg12[%dma_start3A_49, %dma_start3A_51] : memref<6x192xf32, #tpu.memory_space<vmem>> -> memref<1x192xf32, #tpu.memory_space<vmem>>
      %dma_start3A_53 = tpu.memref_squeeze %dma_start3A_52 : memref<1x192xf32, #tpu.memory_space<vmem>> -> memref<192xf32, #tpu.memory_space<vmem>>
      %dma_start3A_54 = tpu.memref_slice %arg4[%mul3A_25] : memref<811008xf32, #tpu.memory_space<hbm>> -> memref<192xf32, #tpu.memory_space<hbm>>
      %dma_start3A_55 = tpu.memref_slice %arg16[%dma_start3A_50] : memref<6x!tpu.dma_semaphore, #tpu.memory_space<semaphore_mem>> -> memref<1x!tpu.dma_semaphore, #tpu.memory_space<semaphore_mem>>
      %dma_start3A_56 = tpu.memref_squeeze %dma_start3A_55 : memref<1x!tpu.dma_semaphore, #tpu.memory_space<semaphore_mem>> -> memref<!tpu.dma_semaphore, #tpu.memory_space<semaphore_mem>>
      %dma_start3A_57 = arith.constant 0 : i32
      %dma_start3A_58 = tpu.memref_slice %arg12[%dma_start3A_49, %dma_start3A_57] : memref<6x192xf32, #tpu.memory_space<vmem>> -> memref<1x192xf32, #tpu.memory_space<vmem>>
      %dma_start3A_59 = tpu.memref_squeeze %dma_start3A_58 : memref<1x192xf32, #tpu.memory_space<vmem>> -> memref<192xf32, #tpu.memory_space<vmem>>
      %dma_start3A_60 = tpu.memref_slice %arg4[%mul3A_25] : memref<811008xf32, #tpu.memory_space<hbm>> -> memref<192xf32, #tpu.memory_space<hbm>>
      tpu.enqueue_dma source(%dma_start3A_60 : memref<192xf32, #tpu.memory_space<hbm>>) target(%dma_start3A_59 : memref<192xf32, #tpu.memory_space<vmem>>) target_semaphore(%dma_start3A_56 : memref<!tpu.dma_semaphore, #tpu.memory_space<semaphore_mem>>)
      %mul3A_61 = arith.constant 264 : i32
      %mul3A_62 = arith.muli %arg1, %mul3A_61 : i32
      %add3A_63 = arith.constant 1 : i32
      %add3A_64 = arith.addi %mul3A_62, %add3A_63 : i32
      %mul3A_65 = arith.constant 192 : i32
      %mul3A_66 = arith.muli %add3A_64, %mul3A_65 : i32
      %dma_start3A_67 = arith.constant 1 : i32
      %dma_start3A_68 = arith.constant 1 : i32
      %dma_start3A_69 = arith.constant 0 : i32
      %dma_start3A_70 = tpu.memref_slice %arg10[%dma_start3A_67, %dma_start3A_69] : memref<6x192xi32, #tpu.memory_space<vmem>> -> memref<1x192xi32, #tpu.memory_space<vmem>>
      %dma_start3A_71 = tpu.memref_squeeze %dma_start3A_70 : memref<1x192xi32, #tpu.memory_space<vmem>> -> memref<192xi32, #tpu.memory_space<vmem>>
      %dma_start3A_72 = tpu.memref_slice %arg2[%mul3A_66] : memref<811008xi32, #tpu.memory_space<hbm>> -> memref<192xi32, #tpu.memory_space<hbm>>
      %dma_start3A_73 = tpu.memref_slice %arg16[%dma_start3A_68] : memref<6x!tpu.dma_semaphore, #tpu.memory_space<semaphore_mem>> -> memref<1x!tpu.dma_semaphore, #tpu.memory_space<semaphore_mem>>
      %dma_start3A_74 = tpu.memref_squeeze %dma_start3A_73 : memref<1x!tpu.dma_semaphore, #tpu.memory_space<semaphore_mem>> -> memref<!tpu.dma_semaphore, #tpu.memory_space<semaphore_mem>>
      %dma_start3A_75 = arith.constant 0 : i32
      %dma_start3A_76 = tpu.memref_slice %arg10[%dma_start3A_67, %dma_start3A_75] : memref<6x192xi32, #tpu.memory_space<vmem>> -> memref<1x192xi32, #tpu.memory_space<vmem>>
      %dma_start3A_77 = tpu.memref_squeeze %dma_start3A_76 : memref<1x192xi32, #tpu.memory_space<vmem>> -> memref<192xi32, #tpu.memory_space<vmem>>
      %dma_start3A_78 = tpu.memref_slice %arg2[%mul3A_66] : memref<811008xi32, #tpu.memory_space<hbm>> -> memref<192xi32, #tpu.memory_space<hbm>>
      tpu.enqueue_dma source(%dma_start3A_78 : memref<192xi32, #tpu.memory_space<hbm>>) target(%dma_start3A_77 : memref<192xi32, #tpu.memory_space<vmem>>) target_semaphore(%dma_start3A_74 : memref<!tpu.dma_semaphore, #tpu.memory_space<semaphore_mem>>)
      %dma_start3A_79 = arith.constant 1 : i32
      %dma_start3A_80 = arith.constant 1 : i32
      %dma_start3A_81 = arith.constant 0 : i32
      %dma_start3A_82 = tpu.memref_slice %arg11[%dma_start3A_79, %dma_start3A_81] : memref<6x192xi32, #tpu.memory_space<vmem>> -> memref<1x192xi32, #tpu.memory_space<vmem>>
      %dma_start3A_83 = tpu.memref_squeeze %dma_start3A_82 : memref<1x192xi32, #tpu.memory_space<vmem>> -> memref<192xi32, #tpu.memory_space<vmem>>
      %dma_start3A_84 = tpu.memref_slice %arg3[%mul3A_66] : memref<811008xi32, #tpu.memory_space<hbm>> -> memref<192xi32, #tpu.memory_space<hbm>>
      %dma_start3A_85 = tpu.memref_slice %arg16[%dma_start3A_80] : memref<6x!tpu.dma_semaphore, #tpu.memory_space<semaphore_mem>> -> memref<1x!tpu.dma_semaphore, #tpu.memory_space<semaphore_mem>>
      %dma_start3A_86 = tpu.memref_squeeze %dma_start3A_85 : memref<1x!tpu.dma_semaphore, #tpu.memory_space<semaphore_mem>> -> memref<!tpu.dma_semaphore, #tpu.memory_space<semaphore_mem>>
      %dma_start3A_87 = arith.constant 0 : i32
      %dma_start3A_88 = tpu.memref_slice %arg11[%dma_start3A_79, %dma_start3A_87] : memref<6x192xi32, #tpu.memory_space<vmem>> -> memref<1x192xi32, #tpu.memory_space<vmem>>
      %dma_start3A_89 = tpu.memref_squeeze %dma_start3A_88 : memref<1x192xi32, #tpu.memory_space<vmem>> -> memref<192xi32, #tpu.memory_space<vmem>>
      %dma_start3A_90 = tpu.memref_slice %arg3[%mul3A_66] : memref<811008xi32, #tpu.memory_space<hbm>> -> memref<192xi32, #tpu.memory_space<hbm>>
      tpu.enqueue_dma source(%dma_start3A_90 : memref<192xi32, #tpu.memory_space<hbm>>) target(%dma_start3A_89 : memref<192xi32, #tpu.memory_space<vmem>>) target_semaphore(%dma_start3A_86 : memref<!tpu.dma_semaphore, #tpu.memory_space<semaphore_mem>>)
      %dma_start3A_91 = arith.constant 1 : i32
      %dma_start3A_92 = arith.constant 1 : i32
      %dma_start3A_93 = arith.constant 0 : i32
      %dma_start3A_94 = tpu.memref_slice %arg12[%dma_start3A_91, %dma_start3A_93] : memref<6x192xf32, #tpu.memory_space<vmem>> -> memref<1x192xf32, #tpu.memory_space<vmem>>
      %dma_start3A_95 = tpu.memref_squeeze %dma_start3A_94 : memref<1x192xf32, #tpu.memory_space<vmem>> -> memref<192xf32, #tpu.memory_space<vmem>>
      %dma_start3A_96 = tpu.memref_slice %arg4[%mul3A_66] : memref<811008xf32, #tpu.memory_space<hbm>> -> memref<192xf32, #tpu.memory_space<hbm>>
      %dma_start3A_97 = tpu.memref_slice %arg16[%dma_start3A_92] : memref<6x!tpu.dma_semaphore, #tpu.memory_space<semaphore_mem>> -> memref<1x!tpu.dma_semaphore, #tpu.memory_space<semaphore_mem>>
      %dma_start3A_98 = tpu.memref_squeeze %dma_start3A_97 : memref<1x!tpu.dma_semaphore, #tpu.memory_space<semaphore_mem>> -> memref<!tpu.dma_semaphore, #tpu.memory_space<semaphore_mem>>
      %dma_start3A_99 = arith.constant 0 : i32
      %dma_start3A_100 = tpu.memref_slice %arg12[%dma_start3A_91, %dma_start3A_99] : memref<6x192xf32, #tpu.memory_space<vmem>> -> memref<1x192xf32, #tpu.memory_space<vmem>>
      %dma_start3A_101 = tpu.memref_squeeze %dma_start3A_100 : memref<1x192xf32, #tpu.memory_space<vmem>> -> memref<192xf32, #tpu.memory_space<vmem>>
      %dma_start3A_102 = tpu.memref_slice %arg4[%mul3A_66] : memref<811008xf32, #tpu.memory_space<hbm>> -> memref<192xf32, #tpu.memory_space<hbm>>
      tpu.enqueue_dma source(%dma_start3A_102 : memref<192xf32, #tpu.memory_space<hbm>>) target(%dma_start3A_101 : memref<192xf32, #tpu.memory_space<vmem>>) target_semaphore(%dma_start3A_98 : memref<!tpu.dma_semaphore, #tpu.memory_space<semaphore_mem>>)
      %mul3A_103 = arith.constant 264 : i32
      %mul3A_104 = arith.muli %arg1, %mul3A_103 : i32
      %add3A_105 = arith.constant 2 : i32
      %add3A_106 = arith.addi %mul3A_104, %add3A_105 : i32
      %mul3A_107 = arith.constant 192 : i32
      %mul3A_108 = arith.muli %add3A_106, %mul3A_107 : i32
      %dma_start3A_109 = arith.constant 2 : i32
      %dma_start3A_110 = arith.constant 2 : i32
      %dma_start3A_111 = arith.constant 0 : i32
      %dma_start3A_112 = tpu.memref_slice %arg10[%dma_start3A_109, %dma_start3A_111] : memref<6x192xi32, #tpu.memory_space<vmem>> -> memref<1x192xi32, #tpu.memory_space<vmem>>
      %dma_start3A_113 = tpu.memref_squeeze %dma_start3A_112 : memref<1x192xi32, #tpu.memory_space<vmem>> -> memref<192xi32, #tpu.memory_space<vmem>>
      %dma_start3A_114 = tpu.memref_slice %arg2[%mul3A_108] : memref<811008xi32, #tpu.memory_space<hbm>> -> memref<192xi32, #tpu.memory_space<hbm>>
      %dma_start3A_115 = tpu.memref_slice %arg16[%dma_start3A_110] : memref<6x!tpu.dma_semaphore, #tpu.memory_space<semaphore_mem>> -> memref<1x!tpu.dma_semaphore, #tpu.memory_space<semaphore_mem>>
      %dma_start3A_116 = tpu.memref_squeeze %dma_start3A_115 : memref<1x!tpu.dma_semaphore, #tpu.memory_space<semaphore_mem>> -> memref<!tpu.dma_semaphore, #tpu.memory_space<semaphore_mem>>
      %dma_start3A_117 = arith.constant 0 : i32
      %dma_start3A_118 = tpu.memref_slice %arg10[%dma_start3A_109, %dma_start3A_117] : memref<6x192xi32, #tpu.memory_space<vmem>> -> memref<1x192xi32, #tpu.memory_space<vmem>>
      %dma_start3A_119 = tpu.memref_squeeze %dma_start3A_118 : memref<1x192xi32, #tpu.memory_space<vmem>> -> memref<192xi32, #tpu.memory_space<vmem>>
      %dma_start3A_120 = tpu.memref_slice %arg2[%mul3A_108] : memref<811008xi32, #tpu.memory_space<hbm>> -> memref<192xi32, #tpu.memory_space<hbm>>
      tpu.enqueue_dma source(%dma_start3A_120 : memref<192xi32, #tpu.memory_space<hbm>>) target(%dma_start3A_119 : memref<192xi32, #tpu.memory_space<vmem>>) target_semaphore(%dma_start3A_116 : memref<!tpu.dma_semaphore, #tpu.memory_space<semaphore_mem>>)
      %dma_start3A_121 = arith.constant 2 : i32
      %dma_start3A_122 = arith.constant 2 : i32
      %dma_start3A_123 = arith.constant 0 : i32
      %dma_start3A_124 = tpu.memref_slice %arg11[%dma_start3A_121, %dma_start3A_123] : memref<6x192xi32, #tpu.memory_space<vmem>> -> memref<1x192xi32, #tpu.memory_space<vmem>>
      %dma_start3A_125 = tpu.memref_squeeze %dma_start3A_124 : memref<1x192xi32, #tpu.memory_space<vmem>> -> memref<192xi32, #tpu.memory_space<vmem>>
      %dma_start3A_126 = tpu.memref_slice %arg3[%mul3A_108] : memref<811008xi32, #tpu.memory_space<hbm>> -> memref<192xi32, #tpu.memory_space<hbm>>
      %dma_start3A_127 = tpu.memref_slice %arg16[%dma_start3A_122] : memref<6x!tpu.dma_semaphore, #tpu.memory_space<semaphore_mem>> -> memref<1x!tpu.dma_semaphore, #tpu.memory_space<semaphore_mem>>
      %dma_start3A_128 = tpu.memref_squeeze %dma_start3A_127 : memref<1x!tpu.dma_semaphore, #tpu.memory_space<semaphore_mem>> -> memref<!tpu.dma_semaphore, #tpu.memory_space<semaphore_mem>>
      %dma_start3A_129 = arith.constant 0 : i32
      %dma_start3A_130 = tpu.memref_slice %arg11[%dma_start3A_121, %dma_start3A_129] : memref<6x192xi32, #tpu.memory_space<vmem>> -> memref<1x192xi32, #tpu.memory_space<vmem>>
      %dma_start3A_131 = tpu.memref_squeeze %dma_start3A_130 : memref<1x192xi32, #tpu.memory_space<vmem>> -> memref<192xi32, #tpu.memory_space<vmem>>
      %dma_start3A_132 = tpu.memref_slice %arg3[%mul3A_108] : memref<811008xi32, #tpu.memory_space<hbm>> -> memref<192xi32, #tpu.memory_space<hbm>>
      tpu.enqueue_dma source(%dma_start3A_132 : memref<192xi32, #tpu.memory_space<hbm>>) target(%dma_start3A_131 : memref<192xi32, #tpu.memory_space<vmem>>) target_semaphore(%dma_start3A_128 : memref<!tpu.dma_semaphore, #tpu.memory_space<semaphore_mem>>)
      %dma_start3A_133 = arith.constant 2 : i32
      %dma_start3A_134 = arith.constant 2 : i32
      %dma_start3A_135 = arith.constant 0 : i32
      %dma_start3A_136 = tpu.memref_slice %arg12[%dma_start3A_133, %dma_start3A_135] : memref<6x192xf32, #tpu.memory_space<vmem>> -> memref<1x192xf32, #tpu.memory_space<vmem>>
      %dma_start3A_137 = tpu.memref_squeeze %dma_start3A_136 : memref<1x192xf32, #tpu.memory_space<vmem>> -> memref<192xf32, #tpu.memory_space<vmem>>
      %dma_start3A_138 = tpu.memref_slice %arg4[%mul3A_108] : memref<811008xf32, #tpu.memory_space<hbm>> -> memref<192xf32, #tpu.memory_space<hbm>>
      %dma_start3A_139 = tpu.memref_slice %arg16[%dma_start3A_134] : memref<6x!tpu.dma_semaphore, #tpu.memory_space<semaphore_mem>> -> memref<1x!tpu.dma_semaphore, #tpu.memory_space<semaphore_mem>>
      %dma_start3A_140 = tpu.memref_squeeze %dma_start3A_139 : memref<1x!tpu.dma_semaphore, #tpu.memory_space<semaphore_mem>> -> memref<!tpu.dma_semaphore, #tpu.memory_space<semaphore_mem>>
      %dma_start3A_141 = arith.constant 0 : i32
      %dma_start3A_142 = tpu.memref_slice %arg12[%dma_start3A_133, %dma_start3A_141] : memref<6x192xf32, #tpu.memory_space<vmem>> -> memref<1x192xf32, #tpu.memory_space<vmem>>
      %dma_start3A_143 = tpu.memref_squeeze %dma_start3A_142 : memref<1x192xf32, #tpu.memory_space<vmem>> -> memref<192xf32, #tpu.memory_space<vmem>>
      %dma_start3A_144 = tpu.memref_slice %arg4[%mul3A_108] : memref<811008xf32, #tpu.memory_space<hbm>> -> memref<192xf32, #tpu.memory_space<hbm>>
      tpu.enqueue_dma source(%dma_start3A_144 : memref<192xf32, #tpu.memory_space<hbm>>) target(%dma_start3A_143 : memref<192xf32, #tpu.memory_space<vmem>>) target_semaphore(%dma_start3A_140 : memref<!tpu.dma_semaphore, #tpu.memory_space<semaphore_mem>>)
      %mul3A_145 = arith.constant 264 : i32
      %mul3A_146 = arith.muli %arg1, %mul3A_145 : i32
      %add3A_147 = arith.constant 3 : i32
      %add3A_148 = arith.addi %mul3A_146, %add3A_147 : i32
      %mul3A_149 = arith.constant 192 : i32
      %mul3A_150 = arith.muli %add3A_148, %mul3A_149 : i32
      %dma_start3A_151 = arith.constant 3 : i32
      %dma_start3A_152 = arith.constant 3 : i32
      %dma_start3A_153 = arith.constant 0 : i32
      %dma_start3A_154 = tpu.memref_slice %arg10[%dma_start3A_151, %dma_start3A_153] : memref<6x192xi32, #tpu.memory_space<vmem>> -> memref<1x192xi32, #tpu.memory_space<vmem>>
      %dma_start3A_155 = tpu.memref_squeeze %dma_start3A_154 : memref<1x192xi32, #tpu.memory_space<vmem>> -> memref<192xi32, #tpu.memory_space<vmem>>
      %dma_start3A_156 = tpu.memref_slice %arg2[%mul3A_150] : memref<811008xi32, #tpu.memory_space<hbm>> -> memref<192xi32, #tpu.memory_space<hbm>>
      %dma_start3A_157 = tpu.memref_slice %arg16[%dma_start3A_152] : memref<6x!tpu.dma_semaphore, #tpu.memory_space<semaphore_mem>> -> memref<1x!tpu.dma_semaphore, #tpu.memory_space<semaphore_mem>>
      %dma_start3A_158 = tpu.memref_squeeze %dma_start3A_157 : memref<1x!tpu.dma_semaphore, #tpu.memory_space<semaphore_mem>> -> memref<!tpu.dma_semaphore, #tpu.memory_space<semaphore_mem>>
      %dma_start3A_159 = arith.constant 0 : i32
      %dma_start3A_160 = tpu.memref_slice %arg10[%dma_start3A_151, %dma_start3A_159] : memref<6x192xi32, #tpu.memory_space<vmem>> -> memref<1x192xi32, #tpu.memory_space<vmem>>
      %dma_start3A_161 = tpu.memref_squeeze %dma_start3A_160 : memref<1x192xi32, #tpu.memory_space<vmem>> -> memref<192xi32, #tpu.memory_space<vmem>>
      %dma_start3A_162 = tpu.memref_slice %arg2[%mul3A_150] : memref<811008xi32, #tpu.memory_space<hbm>> -> memref<192xi32, #tpu.memory_space<hbm>>
      tpu.enqueue_dma source(%dma_start3A_162 : memref<192xi32, #tpu.memory_space<hbm>>) target(%dma_start3A_161 : memref<192xi32, #tpu.memory_space<vmem>>) target_semaphore(%dma_start3A_158 : memref<!tpu.dma_semaphore, #tpu.memory_space<semaphore_mem>>)
      %dma_start3A_163 = arith.constant 3 : i32
      %dma_start3A_164 = arith.constant 3 : i32
      %dma_start3A_165 = arith.constant 0 : i32
      %dma_start3A_166 = tpu.memref_slice %arg11[%dma_start3A_163, %dma_start3A_165] : memref<6x192xi32, #tpu.memory_space<vmem>> -> memref<1x192xi32, #tpu.memory_space<vmem>>
      %dma_start3A_167 = tpu.memref_squeeze %dma_start3A_166 : memref<1x192xi32, #tpu.memory_space<vmem>> -> memref<192xi32, #tpu.memory_space<vmem>>
      %dma_start3A_168 = tpu.memref_slice %arg3[%mul3A_150] : memref<811008xi32, #tpu.memory_space<hbm>> -> memref<192xi32, #tpu.memory_space<hbm>>
      %dma_start3A_169 = tpu.memref_slice %arg16[%dma_start3A_164] : memref<6x!tpu.dma_semaphore, #tpu.memory_space<semaphore_mem>> -> memref<1x!tpu.dma_semaphore, #tpu.memory_space<semaphore_mem>>
      %dma_start3A_170 = tpu.memref_squeeze %dma_start3A_169 : memref<1x!tpu.dma_semaphore, #tpu.memory_space<semaphore_mem>> -> memref<!tpu.dma_semaphore, #tpu.memory_space<semaphore_mem>>
      %dma_start3A_171 = arith.constant 0 : i32
      %dma_start3A_172 = tpu.memref_slice %arg11[%dma_start3A_163, %dma_start3A_171] : memref<6x192xi32, #tpu.memory_space<vmem>> -> memref<1x192xi32, #tpu.memory_space<vmem>>
      %dma_start3A_173 = tpu.memref_squeeze %dma_start3A_172 : memref<1x192xi32, #tpu.memory_space<vmem>> -> memref<192xi32, #tpu.memory_space<vmem>>
      %dma_start3A_174 = tpu.memref_slice %arg3[%mul3A_150] : memref<811008xi32, #tpu.memory_space<hbm>> -> memref<192xi32, #tpu.memory_space<hbm>>
      tpu.enqueue_dma source(%dma_start3A_174 : memref<192xi32, #tpu.memory_space<hbm>>) target(%dma_start3A_173 : memref<192xi32, #tpu.memory_space<vmem>>) target_semaphore(%dma_start3A_170 : memref<!tpu.dma_semaphore, #tpu.memory_space<semaphore_mem>>)
      %dma_start3A_175 = arith.constant 3 : i32
      %dma_start3A_176 = arith.constant 3 : i32
      %dma_start3A_177 = arith.constant 0 : i32
      %dma_start3A_178 = tpu.memref_slice %arg12[%dma_start3A_175, %dma_start3A_177] : memref<6x192xf32, #tpu.memory_space<vmem>> -> memref<1x192xf32, #tpu.memory_space<vmem>>
      %dma_start3A_179 = tpu.memref_squeeze %dma_start3A_178 : memref<1x192xf32, #tpu.memory_space<vmem>> -> memref<192xf32, #tpu.memory_space<vmem>>
      %dma_start3A_180 = tpu.memref_slice %arg4[%mul3A_150] : memref<811008xf32, #tpu.memory_space<hbm>> -> memref<192xf32, #tpu.memory_space<hbm>>
      %dma_start3A_181 = tpu.memref_slice %arg16[%dma_start3A_176] : memref<6x!tpu.dma_semaphore, #tpu.memory_space<semaphore_mem>> -> memref<1x!tpu.dma_semaphore, #tpu.memory_space<semaphore_mem>>
      %dma_start3A_182 = tpu.memref_squeeze %dma_start3A_181 : memref<1x!tpu.dma_semaphore, #tpu.memory_space<semaphore_mem>> -> memref<!tpu.dma_semaphore, #tpu.memory_space<semaphore_mem>>
      %dma_start3A_183 = arith.constant 0 : i32
      %dma_start3A_184 = tpu.memref_slice %arg12[%dma_start3A_175, %dma_start3A_183] : memref<6x192xf32, #tpu.memory_space<vmem>> -> memref<1x192xf32, #tpu.memory_space<vmem>>
      %dma_start3A_185 = tpu.memref_squeeze %dma_start3A_184 : memref<1x192xf32, #tpu.memory_space<vmem>> -> memref<192xf32, #tpu.memory_space<vmem>>
      %dma_start3A_186 = tpu.memref_slice %arg4[%mul3A_150] : memref<811008xf32, #tpu.memory_space<hbm>> -> memref<192xf32, #tpu.memory_space<hbm>>
      tpu.enqueue_dma source(%dma_start3A_186 : memref<192xf32, #tpu.memory_space<hbm>>) target(%dma_start3A_185 : memref<192xf32, #tpu.memory_space<vmem>>) target_semaphore(%dma_start3A_182 : memref<!tpu.dma_semaphore, #tpu.memory_space<semaphore_mem>>)
      %mul3A_187 = arith.constant 264 : i32
      %mul3A_188 = arith.muli %arg1, %mul3A_187 : i32
      %add3A_189 = arith.constant 0 : i32
      %add3A_190 = arith.addi %mul3A_188, %add3A_189 : i32
      %mul3A_191 = arith.constant 192 : i32
      %mul3A_192 = arith.muli %add3A_190, %mul3A_191 : i32
      %dma_wait3A = arith.constant 0 : i32
      %dma_wait3A_193 = arith.constant 0 : i32
      %dma_wait3A_194 = arith.constant 0 : i32
      %dma_wait3A_195 = tpu.memref_slice %arg10[%dma_wait3A, %dma_wait3A_194] : memref<6x192xi32, #tpu.memory_space<vmem>> -> memref<1x192xi32, #tpu.memory_space<vmem>>
      %dma_wait3A_196 = tpu.memref_squeeze %dma_wait3A_195 : memref<1x192xi32, #tpu.memory_space<vmem>> -> memref<192xi32, #tpu.memory_space<vmem>>
      %dma_wait3A_197 = tpu.memref_slice %arg2[%mul3A_192] : memref<811008xi32, #tpu.memory_space<hbm>> -> memref<192xi32, #tpu.memory_space<hbm>>
      %dma_wait3A_198 = tpu.memref_slice %arg16[%dma_wait3A_193] : memref<6x!tpu.dma_semaphore, #tpu.memory_space<semaphore_mem>> -> memref<1x!tpu.dma_semaphore, #tpu.memory_space<semaphore_mem>>
      %dma_wait3A_199 = tpu.memref_squeeze %dma_wait3A_198 : memref<1x!tpu.dma_semaphore, #tpu.memory_space<semaphore_mem>> -> memref<!tpu.dma_semaphore, #tpu.memory_space<semaphore_mem>>
      %dma_wait3A_200 = arith.constant 0 : i32
      %dma_wait3A_201 = tpu.memref_slice %arg10[%dma_wait3A, %dma_wait3A_200] : memref<6x192xi32, #tpu.memory_space<vmem>> -> memref<1x192xi32, #tpu.memory_space<vmem>>
      %dma_wait3A_202 = tpu.memref_squeeze %dma_wait3A_201 : memref<1x192xi32, #tpu.memory_space<vmem>> -> memref<192xi32, #tpu.memory_space<vmem>>
      %dma_wait3A_203 = tpu.memref_slice %arg2[%mul3A_192] : memref<811008xi32, #tpu.memory_space<hbm>> -> memref<192xi32, #tpu.memory_space<hbm>>
      tpu.wait_dma2 semaphore(%dma_wait3A_199 : memref<!tpu.dma_semaphore, #tpu.memory_space<semaphore_mem>>) src(%dma_wait3A_203 : memref<192xi32, #tpu.memory_space<hbm>>) dst(%dma_wait3A_202 : memref<192xi32, #tpu.memory_space<vmem>>)
      %dma_wait3A_204 = arith.constant 0 : i32
      %dma_wait3A_205 = arith.constant 0 : i32
      %dma_wait3A_206 = arith.constant 0 : i32
      %dma_wait3A_207 = tpu.memref_slice %arg11[%dma_wait3A_204, %dma_wait3A_206] : memref<6x192xi32, #tpu.memory_space<vmem>> -> memref<1x192xi32, #tpu.memory_space<vmem>>
      %dma_wait3A_208 = tpu.memref_squeeze %dma_wait3A_207 : memref<1x192xi32, #tpu.memory_space<vmem>> -> memref<192xi32, #tpu.memory_space<vmem>>
      %dma_wait3A_209 = tpu.memref_slice %arg3[%mul3A_192] : memref<811008xi32, #tpu.memory_space<hbm>> -> memref<192xi32, #tpu.memory_space<hbm>>
      %dma_wait3A_210 = tpu.memref_slice %arg16[%dma_wait3A_205] : memref<6x!tpu.dma_semaphore, #tpu.memory_space<semaphore_mem>> -> memref<1x!tpu.dma_semaphore, #tpu.memory_space<semaphore_mem>>
      %dma_wait3A_211 = tpu.memref_squeeze %dma_wait3A_210 : memref<1x!tpu.dma_semaphore, #tpu.memory_space<semaphore_mem>> -> memref<!tpu.dma_semaphore, #tpu.memory_space<semaphore_mem>>
      %dma_wait3A_212 = arith.constant 0 : i32
      %dma_wait3A_213 = tpu.memref_slice %arg11[%dma_wait3A_204, %dma_wait3A_212] : memref<6x192xi32, #tpu.memory_space<vmem>> -> memref<1x192xi32, #tpu.memory_space<vmem>>
      %dma_wait3A_214 = tpu.memref_squeeze %dma_wait3A_213 : memref<1x192xi32, #tpu.memory_space<vmem>> -> memref<192xi32, #tpu.memory_space<vmem>>
      %dma_wait3A_215 = tpu.memref_slice %arg3[%mul3A_192] : memref<811008xi32, #tpu.memory_space<hbm>> -> memref<192xi32, #tpu.memory_space<hbm>>
      tpu.wait_dma2 semaphore(%dma_wait3A_211 : memref<!tpu.dma_semaphore, #tpu.memory_space<semaphore_mem>>) src(%dma_wait3A_215 : memref<192xi32, #tpu.memory_space<hbm>>) dst(%dma_wait3A_214 : memref<192xi32, #tpu.memory_space<vmem>>)
      %dma_wait3A_216 = arith.constant 0 : i32
      %dma_wait3A_217 = arith.constant 0 : i32
      %dma_wait3A_218 = arith.constant 0 : i32
      %dma_wait3A_219 = tpu.memref_slice %arg12[%dma_wait3A_216, %dma_wait3A_218] : memref<6x192xf32, #tpu.memory_space<vmem>> -> memref<1x192xf32, #tpu.memory_space<vmem>>
      %dma_wait3A_220 = tpu.memref_squeeze %dma_wait3A_219 : memref<1x192xf32, #tpu.memory_space<vmem>> -> memref<192xf32, #tpu.memory_space<vmem>>
      %dma_wait3A_221 = tpu.memref_slice %arg4[%mul3A_192] : memref<811008xf32, #tpu.memory_space<hbm>> -> memref<192xf32, #tpu.memory_space<hbm>>
      %dma_wait3A_222 = tpu.memref_slice %arg16[%dma_wait3A_217] : memref<6x!tpu.dma_semaphore, #tpu.memory_space<semaphore_mem>> -> memref<1x!tpu.dma_semaphore, #tpu.memory_space<semaphore_mem>>
      %dma_wait3A_223 = tpu.memref_squeeze %dma_wait3A_222 : memref<1x!tpu.dma_semaphore, #tpu.memory_space<semaphore_mem>> -> memref<!tpu.dma_semaphore, #tpu.memory_space<semaphore_mem>>
      %dma_wait3A_224 = arith.constant 0 : i32
      %dma_wait3A_225 = tpu.memref_slice %arg12[%dma_wait3A_216, %dma_wait3A_224] : memref<6x192xf32, #tpu.memory_space<vmem>> -> memref<1x192xf32, #tpu.memory_space<vmem>>
      %dma_wait3A_226 = tpu.memref_squeeze %dma_wait3A_225 : memref<1x192xf32, #tpu.memory_space<vmem>> -> memref<192xf32, #tpu.memory_space<vmem>>
      %dma_wait3A_227 = tpu.memref_slice %arg4[%mul3A_192] : memref<811008xf32, #tpu.memory_space<hbm>> -> memref<192xf32, #tpu.memory_space<hbm>>
      tpu.wait_dma2 semaphore(%dma_wait3A_223 : memref<!tpu.dma_semaphore, #tpu.memory_space<semaphore_mem>>) src(%dma_wait3A_227 : memref<192xf32, #tpu.memory_space<hbm>>) dst(%dma_wait3A_226 : memref<192xf32, #tpu.memory_space<vmem>>)
      %dma_start3A_228 = arith.constant 0 : i32
      %dma_start3A_229 = arith.constant 0 : i32
      %dma_start3A_230 = arith.constant 0 : i32
      %dma_start3A_231 = arith.constant 0 : i32
      %dma_start3A_232 = arith.constant 0 : i32
      %dma_start3A_233 = tpu.memref_slice %arg13[%dma_start3A_229, %dma_start3A_231, %dma_start3A_232] : memref<4x192x32xf32, #tpu.memory_space<vmem>> -> memref<1x192x32xf32, #tpu.memory_space<vmem>>
      %dma_start3A_234 = tpu.memref_squeeze %dma_start3A_233 : memref<1x192x32xf32, #tpu.memory_space<vmem>> -> memref<192x32xf32, #tpu.memory_space<vmem>>
      %dma_start3A_235 = arith.constant 0 : i32
      %dma_start3A_236 = tpu.memref_slice %arg10[%dma_start3A_228, %dma_start3A_235] : memref<6x192xi32, #tpu.memory_space<vmem>> -> memref<1x192xi32, #tpu.memory_space<vmem>>
      %dma_start3A_237 = tpu.memref_squeeze %dma_start3A_236 : memref<1x192xi32, #tpu.memory_space<vmem>> -> memref<192xi32, #tpu.memory_space<vmem>>
      %dma_start3A_238 = arith.constant 0 : i32
      %dma_start3A_239 = arith.constant 0 : i32
      %dma_start3A_240 = tpu.memref_slice %arg6[%dma_start3A_238, %dma_start3A_239] : memref<50048x32xf32, #tpu.memory_space<hbm>> -> memref<50048x32xf32, #tpu.memory_space<hbm>>
      %dma_start3A_241 = tpu.memref_slice %arg14[%dma_start3A_230] : memref<4x!tpu.dma_semaphore, #tpu.memory_space<semaphore_mem>> -> memref<1x!tpu.dma_semaphore, #tpu.memory_space<semaphore_mem>>
      %dma_start3A_242 = tpu.memref_squeeze %dma_start3A_241 : memref<1x!tpu.dma_semaphore, #tpu.memory_space<semaphore_mem>> -> memref<!tpu.dma_semaphore, #tpu.memory_space<semaphore_mem>>
      tpu.enqueue_indirect_dma source(%dma_start3A_240 : memref<50048x32xf32, #tpu.memory_space<hbm>>) target(%dma_start3A_234 : memref<192x32xf32, #tpu.memory_space<vmem>>) offsets(%dma_start3A_237 : memref<192xi32, #tpu.memory_space<vmem>>) semaphore(%dma_start3A_242 : memref<!tpu.dma_semaphore, #tpu.memory_space<semaphore_mem>>)
      %mul3A_243 = arith.constant 264 : i32
      %mul3A_244 = arith.muli %arg1, %mul3A_243 : i32
      %add3A_245 = arith.constant 1 : i32
      %add3A_246 = arith.addi %mul3A_244, %add3A_245 : i32
      %mul3A_247 = arith.constant 192 : i32
      %mul3A_248 = arith.muli %add3A_246, %mul3A_247 : i32
      %dma_wait3A_249 = arith.constant 1 : i32
      %dma_wait3A_250 = arith.constant 1 : i32
      %dma_wait3A_251 = arith.constant 0 : i32
      %dma_wait3A_252 = tpu.memref_slice %arg10[%dma_wait3A_249, %dma_wait3A_251] : memref<6x192xi32, #tpu.memory_space<vmem>> -> memref<1x192xi32, #tpu.memory_space<vmem>>
      %dma_wait3A_253 = tpu.memref_squeeze %dma_wait3A_252 : memref<1x192xi32, #tpu.memory_space<vmem>> -> memref<192xi32, #tpu.memory_space<vmem>>
      %dma_wait3A_254 = tpu.memref_slice %arg2[%mul3A_248] : memref<811008xi32, #tpu.memory_space<hbm>> -> memref<192xi32, #tpu.memory_space<hbm>>
      %dma_wait3A_255 = tpu.memref_slice %arg16[%dma_wait3A_250] : memref<6x!tpu.dma_semaphore, #tpu.memory_space<semaphore_mem>> -> memref<1x!tpu.dma_semaphore, #tpu.memory_space<semaphore_mem>>
      %dma_wait3A_256 = tpu.memref_squeeze %dma_wait3A_255 : memref<1x!tpu.dma_semaphore, #tpu.memory_space<semaphore_mem>> -> memref<!tpu.dma_semaphore, #tpu.memory_space<semaphore_mem>>
      %dma_wait3A_257 = arith.constant 0 : i32
      %dma_wait3A_258 = tpu.memref_slice %arg10[%dma_wait3A_249, %dma_wait3A_257] : memref<6x192xi32, #tpu.memory_space<vmem>> -> memref<1x192xi32, #tpu.memory_space<vmem>>
      %dma_wait3A_259 = tpu.memref_squeeze %dma_wait3A_258 : memref<1x192xi32, #tpu.memory_space<vmem>> -> memref<192xi32, #tpu.memory_space<vmem>>
      %dma_wait3A_260 = tpu.memref_slice %arg2[%mul3A_248] : memref<811008xi32, #tpu.memory_space<hbm>> -> memref<192xi32, #tpu.memory_space<hbm>>
      tpu.wait_dma2 semaphore(%dma_wait3A_256 : memref<!tpu.dma_semaphore, #tpu.memory_space<semaphore_mem>>) src(%dma_wait3A_260 : memref<192xi32, #tpu.memory_space<hbm>>) dst(%dma_wait3A_259 : memref<192xi32, #tpu.memory_space<vmem>>)
      %dma_wait3A_261 = arith.constant 1 : i32
      %dma_wait3A_262 = arith.constant 1 : i32
      %dma_wait3A_263 = arith.constant 0 : i32
      %dma_wait3A_264 = tpu.memref_slice %arg11[%dma_wait3A_261, %dma_wait3A_263] : memref<6x192xi32, #tpu.memory_space<vmem>> -> memref<1x192xi32, #tpu.memory_space<vmem>>
      %dma_wait3A_265 = tpu.memref_squeeze %dma_wait3A_264 : memref<1x192xi32, #tpu.memory_space<vmem>> -> memref<192xi32, #tpu.memory_space<vmem>>
      %dma_wait3A_266 = tpu.memref_slice %arg3[%mul3A_248] : memref<811008xi32, #tpu.memory_space<hbm>> -> memref<192xi32, #tpu.memory_space<hbm>>
      %dma_wait3A_267 = tpu.memref_slice %arg16[%dma_wait3A_262] : memref<6x!tpu.dma_semaphore, #tpu.memory_space<semaphore_mem>> -> memref<1x!tpu.dma_semaphore, #tpu.memory_space<semaphore_mem>>
      %dma_wait3A_268 = tpu.memref_squeeze %dma_wait3A_267 : memref<1x!tpu.dma_semaphore, #tpu.memory_space<semaphore_mem>> -> memref<!tpu.dma_semaphore, #tpu.memory_space<semaphore_mem>>
      %dma_wait3A_269 = arith.constant 0 : i32
      %dma_wait3A_270 = tpu.memref_slice %arg11[%dma_wait3A_261, %dma_wait3A_269] : memref<6x192xi32, #tpu.memory_space<vmem>> -> memref<1x192xi32, #tpu.memory_space<vmem>>
      %dma_wait3A_271 = tpu.memref_squeeze %dma_wait3A_270 : memref<1x192xi32, #tpu.memory_space<vmem>> -> memref<192xi32, #tpu.memory_space<vmem>>
      %dma_wait3A_272 = tpu.memref_slice %arg3[%mul3A_248] : memref<811008xi32, #tpu.memory_space<hbm>> -> memref<192xi32, #tpu.memory_space<hbm>>
      tpu.wait_dma2 semaphore(%dma_wait3A_268 : memref<!tpu.dma_semaphore, #tpu.memory_space<semaphore_mem>>) src(%dma_wait3A_272 : memref<192xi32, #tpu.memory_space<hbm>>) dst(%dma_wait3A_271 : memref<192xi32, #tpu.memory_space<vmem>>)
      %dma_wait3A_273 = arith.constant 1 : i32
      %dma_wait3A_274 = arith.constant 1 : i32
      %dma_wait3A_275 = arith.constant 0 : i32
      %dma_wait3A_276 = tpu.memref_slice %arg12[%dma_wait3A_273, %dma_wait3A_275] : memref<6x192xf32, #tpu.memory_space<vmem>> -> memref<1x192xf32, #tpu.memory_space<vmem>>
      %dma_wait3A_277 = tpu.memref_squeeze %dma_wait3A_276 : memref<1x192xf32, #tpu.memory_space<vmem>> -> memref<192xf32, #tpu.memory_space<vmem>>
      %dma_wait3A_278 = tpu.memref_slice %arg4[%mul3A_248] : memref<811008xf32, #tpu.memory_space<hbm>> -> memref<192xf32, #tpu.memory_space<hbm>>
      %dma_wait3A_279 = tpu.memref_slice %arg16[%dma_wait3A_274] : memref<6x!tpu.dma_semaphore, #tpu.memory_space<semaphore_mem>> -> memref<1x!tpu.dma_semaphore, #tpu.memory_space<semaphore_mem>>
      %dma_wait3A_280 = tpu.memref_squeeze %dma_wait3A_279 : memref<1x!tpu.dma_semaphore, #tpu.memory_space<semaphore_mem>> -> memref<!tpu.dma_semaphore, #tpu.memory_space<semaphore_mem>>
      %dma_wait3A_281 = arith.constant 0 : i32
      %dma_wait3A_282 = tpu.memref_slice %arg12[%dma_wait3A_273, %dma_wait3A_281] : memref<6x192xf32, #tpu.memory_space<vmem>> -> memref<1x192xf32, #tpu.memory_space<vmem>>
      %dma_wait3A_283 = tpu.memref_squeeze %dma_wait3A_282 : memref<1x192xf32, #tpu.memory_space<vmem>> -> memref<192xf32, #tpu.memory_space<vmem>>
      %dma_wait3A_284 = tpu.memref_slice %arg4[%mul3A_248] : memref<811008xf32, #tpu.memory_space<hbm>> -> memref<192xf32, #tpu.memory_space<hbm>>
      tpu.wait_dma2 semaphore(%dma_wait3A_280 : memref<!tpu.dma_semaphore, #tpu.memory_space<semaphore_mem>>) src(%dma_wait3A_284 : memref<192xf32, #tpu.memory_space<hbm>>) dst(%dma_wait3A_283 : memref<192xf32, #tpu.memory_space<vmem>>)
      %dma_start3A_285 = arith.constant 1 : i32
      %dma_start3A_286 = arith.constant 1 : i32
      %dma_start3A_287 = arith.constant 1 : i32
      %dma_start3A_288 = arith.constant 0 : i32
      %dma_start3A_289 = arith.constant 0 : i32
      %dma_start3A_290 = tpu.memref_slice %arg13[%dma_start3A_286, %dma_start3A_288, %dma_start3A_289] : memref<4x192x32xf32, #tpu.memory_space<vmem>> -> memref<1x192x32xf32, #tpu.memory_space<vmem>>
      %dma_start3A_291 = tpu.memref_squeeze %dma_start3A_290 : memref<1x192x32xf32, #tpu.memory_space<vmem>> -> memref<192x32xf32, #tpu.memory_space<vmem>>
      %dma_start3A_292 = arith.constant 0 : i32
      %dma_start3A_293 = tpu.memref_slice %arg10[%dma_start3A_285, %dma_start3A_292] : memref<6x192xi32, #tpu.memory_space<vmem>> -> memref<1x192xi32, #tpu.memory_space<vmem>>
      %dma_start3A_294 = tpu.memref_squeeze %dma_start3A_293 : memref<1x192xi32, #tpu.memory_space<vmem>> -> memref<192xi32, #tpu.memory_space<vmem>>
      %dma_start3A_295 = arith.constant 0 : i32
      %dma_start3A_296 = arith.constant 0 : i32
      %dma_start3A_297 = tpu.memref_slice %arg6[%dma_start3A_295, %dma_start3A_296] : memref<50048x32xf32, #tpu.memory_space<hbm>> -> memref<50048x32xf32, #tpu.memory_space<hbm>>
      %dma_start3A_298 = tpu.memref_slice %arg14[%dma_start3A_287] : memref<4x!tpu.dma_semaphore, #tpu.memory_space<semaphore_mem>> -> memref<1x!tpu.dma_semaphore, #tpu.memory_space<semaphore_mem>>
      %dma_start3A_299 = tpu.memref_squeeze %dma_start3A_298 : memref<1x!tpu.dma_semaphore, #tpu.memory_space<semaphore_mem>> -> memref<!tpu.dma_semaphore, #tpu.memory_space<semaphore_mem>>
      tpu.enqueue_indirect_dma source(%dma_start3A_297 : memref<50048x32xf32, #tpu.memory_space<hbm>>) target(%dma_start3A_291 : memref<192x32xf32, #tpu.memory_space<vmem>>) offsets(%dma_start3A_294 : memref<192xi32, #tpu.memory_space<vmem>>) semaphore(%dma_start3A_299 : memref<!tpu.dma_semaphore, #tpu.memory_space<semaphore_mem>>)
      %scan3A = arith.constant 0 : i32
      %scan3A_300 = arith.constant 0 : i32
      %scan3A_301 = arith.constant 264 : i32
      %scan3A_302 = arith.addi %scan3A_300, %scan3A_301 : i32
      %scan3A_303 = arith.constant 1 : i32
      scf.for %scan3A_365 = %scan3A_300 to %scan3A_302 step %scan3A_303  : i32 {
        %rem3A = arith.constant 4 : i32
        %rem3A_366 = arith.remsi %scan3A_365, %rem3A : i32
        %rem3A_367 = arith.constant 6 : i32
        %rem3A_368 = arith.remsi %scan3A_365, %rem3A_367 : i32
        %add3A_369 = arith.constant 2 : i32
        %add3A_370 = arith.addi %scan3A_365, %add3A_369 : i32
        %rem3A_371 = arith.constant 4 : i32
        %rem3A_372 = arith.remsi %add3A_370, %rem3A_371 : i32
        %add3A_373 = arith.constant 2 : i32
        %add3A_374 = arith.addi %scan3A_365, %add3A_373 : i32
        %rem3A_375 = arith.constant 6 : i32
        %rem3A_376 = arith.remsi %add3A_374, %rem3A_375 : i32
        %ge3A = arith.constant 2 : i32
        %ge3A_377 = arith.cmpi sge, %scan3A_365, %ge3A : i32
        %add3A_378 = arith.constant 2 : i32
        %add3A_379 = arith.addi %scan3A_365, %add3A_378 : i32
        %lt3A = arith.constant 264 : i32
        %lt3A_380 = arith.cmpi slt, %add3A_379, %lt3A : i32
        %and3A = arith.andi %ge3A_377, %lt3A_380 : i1
        %convert_element_type3A_381 = arith.extui %and3A : i1 to i32
        %cond3A_382 = arith.constant 0 : i32
        %cond3A_383 = arith.cmpi ne, %convert_element_type3A_381, %cond3A_382 : i32
        scf.if %cond3A_383 {
          %dma_wait3A_428 = arith.constant 0 : i32
          %dma_wait3A_429 = arith.constant 0 : i32
          %dma_wait3A_430 = tpu.memref_slice %arg13[%rem3A_372, %dma_wait3A_428, %dma_wait3A_429] : memref<4x192x32xf32, #tpu.memory_space<vmem>> -> memref<1x192x32xf32, #tpu.memory_space<vmem>>
          %dma_wait3A_431 = tpu.memref_squeeze %dma_wait3A_430 : memref<1x192x32xf32, #tpu.memory_space<vmem>> -> memref<192x32xf32, #tpu.memory_space<vmem>>
          %dma_wait3A_432 = arith.constant 0 : i32
          %dma_wait3A_433 = tpu.memref_slice %arg11[%rem3A_376, %dma_wait3A_432] : memref<6x192xi32, #tpu.memory_space<vmem>> -> memref<1x192xi32, #tpu.memory_space<vmem>>
          %dma_wait3A_434 = tpu.memref_squeeze %dma_wait3A_433 : memref<1x192xi32, #tpu.memory_space<vmem>> -> memref<192xi32, #tpu.memory_space<vmem>>
          %dma_wait3A_435 = arith.constant 0 : i32
          %dma_wait3A_436 = arith.constant 0 : i32
          %dma_wait3A_437 = tpu.memref_slice %arg17[%dma_wait3A_435, %dma_wait3A_436] : memref<50048x32xf32, #tpu.memory_space<vmem_shared>> -> memref<50048x32xf32, #tpu.memory_space<vmem_shared>>
          %dma_wait3A_438 = tpu.memref_slice %arg15[%rem3A_372] : memref<4x!tpu.dma_semaphore, #tpu.memory_space<semaphore_mem>> -> memref<1x!tpu.dma_semaphore, #tpu.memory_space<semaphore_mem>>
          %dma_wait3A_439 = tpu.memref_squeeze %dma_wait3A_438 : memref<1x!tpu.dma_semaphore, #tpu.memory_space<semaphore_mem>> -> memref<!tpu.dma_semaphore, #tpu.memory_space<semaphore_mem>>
          tpu.wait_indirect_dma semaphore(%dma_wait3A_439 : memref<!tpu.dma_semaphore, #tpu.memory_space<semaphore_mem>>) src(%dma_wait3A_431 : memref<192x32xf32, #tpu.memory_space<vmem>>) dst(%dma_wait3A_437 : memref<50048x32xf32, #tpu.memory_space<vmem_shared>>)
        } else {
        }
        %add3A_384 = arith.constant 2 : i32
        %add3A_385 = arith.addi %scan3A_365, %add3A_384 : i32
        %lt3A_386 = arith.constant 264 : i32
        %lt3A_387 = arith.cmpi slt, %add3A_385, %lt3A_386 : i32
        %convert_element_type3A_388 = arith.extui %lt3A_387 : i1 to i32
        %cond3A_389 = arith.constant 0 : i32
        %cond3A_390 = arith.cmpi ne, %convert_element_type3A_388, %cond3A_389 : i32
        scf.if %cond3A_390 {
          %add3A_428 = arith.constant 2 : i32
          %add3A_429 = arith.addi %scan3A_365, %add3A_428 : i32
          %mul3A_430 = arith.constant 264 : i32
          %mul3A_431 = arith.muli %arg1, %mul3A_430 : i32
          %add3A_432 = arith.addi %mul3A_431, %add3A_429 : i32
          %mul3A_433 = arith.constant 192 : i32
          %mul3A_434 = arith.muli %add3A_432, %mul3A_433 : i32
          %dma_wait3A_435 = arith.constant 0 : i32
          %dma_wait3A_436 = tpu.memref_slice %arg10[%rem3A_376, %dma_wait3A_435] : memref<6x192xi32, #tpu.memory_space<vmem>> -> memref<1x192xi32, #tpu.memory_space<vmem>>
          %dma_wait3A_437 = tpu.memref_squeeze %dma_wait3A_436 : memref<1x192xi32, #tpu.memory_space<vmem>> -> memref<192xi32, #tpu.memory_space<vmem>>
          %dma_wait3A_438 = tpu.memref_slice %arg2[%mul3A_434] : memref<811008xi32, #tpu.memory_space<hbm>> -> memref<192xi32, #tpu.memory_space<hbm>>
          %dma_wait3A_439 = tpu.memref_slice %arg16[%rem3A_376] : memref<6x!tpu.dma_semaphore, #tpu.memory_space<semaphore_mem>> -> memref<1x!tpu.dma_semaphore, #tpu.memory_space<semaphore_mem>>
          %dma_wait3A_440 = tpu.memref_squeeze %dma_wait3A_439 : memref<1x!tpu.dma_semaphore, #tpu.memory_space<semaphore_mem>> -> memref<!tpu.dma_semaphore, #tpu.memory_space<semaphore_mem>>
          %dma_wait3A_441 = arith.constant 0 : i32
          %dma_wait3A_442 = tpu.memref_slice %arg10[%rem3A_376, %dma_wait3A_441] : memref<6x192xi32, #tpu.memory_space<vmem>> -> memref<1x192xi32, #tpu.memory_space<vmem>>
          %dma_wait3A_443 = tpu.memref_squeeze %dma_wait3A_442 : memref<1x192xi32, #tpu.memory_space<vmem>> -> memref<192xi32, #tpu.memory_space<vmem>>
          %dma_wait3A_444 = tpu.memref_slice %arg2[%mul3A_434] : memref<811008xi32, #tpu.memory_space<hbm>> -> memref<192xi32, #tpu.memory_space<hbm>>
          tpu.wait_dma2 semaphore(%dma_wait3A_440 : memref<!tpu.dma_semaphore, #tpu.memory_space<semaphore_mem>>) src(%dma_wait3A_444 : memref<192xi32, #tpu.memory_space<hbm>>) dst(%dma_wait3A_443 : memref<192xi32, #tpu.memory_space<vmem>>)
          %dma_wait3A_445 = arith.constant 0 : i32
          %dma_wait3A_446 = tpu.memref_slice %arg11[%rem3A_376, %dma_wait3A_445] : memref<6x192xi32, #tpu.memory_space<vmem>> -> memref<1x192xi32, #tpu.memory_space<vmem>>
          %dma_wait3A_447 = tpu.memref_squeeze %dma_wait3A_446 : memref<1x192xi32, #tpu.memory_space<vmem>> -> memref<192xi32, #tpu.memory_space<vmem>>
          %dma_wait3A_448 = tpu.memref_slice %arg3[%mul3A_434] : memref<811008xi32, #tpu.memory_space<hbm>> -> memref<192xi32, #tpu.memory_space<hbm>>
          %dma_wait3A_449 = tpu.memref_slice %arg16[%rem3A_376] : memref<6x!tpu.dma_semaphore, #tpu.memory_space<semaphore_mem>> -> memref<1x!tpu.dma_semaphore, #tpu.memory_space<semaphore_mem>>
          %dma_wait3A_450 = tpu.memref_squeeze %dma_wait3A_449 : memref<1x!tpu.dma_semaphore, #tpu.memory_space<semaphore_mem>> -> memref<!tpu.dma_semaphore, #tpu.memory_space<semaphore_mem>>
          %dma_wait3A_451 = arith.constant 0 : i32
          %dma_wait3A_452 = tpu.memref_slice %arg11[%rem3A_376, %dma_wait3A_451] : memref<6x192xi32, #tpu.memory_space<vmem>> -> memref<1x192xi32, #tpu.memory_space<vmem>>
          %dma_wait3A_453 = tpu.memref_squeeze %dma_wait3A_452 : memref<1x192xi32, #tpu.memory_space<vmem>> -> memref<192xi32, #tpu.memory_space<vmem>>
          %dma_wait3A_454 = tpu.memref_slice %arg3[%mul3A_434] : memref<811008xi32, #tpu.memory_space<hbm>> -> memref<192xi32, #tpu.memory_space<hbm>>
          tpu.wait_dma2 semaphore(%dma_wait3A_450 : memref<!tpu.dma_semaphore, #tpu.memory_space<semaphore_mem>>) src(%dma_wait3A_454 : memref<192xi32, #tpu.memory_space<hbm>>) dst(%dma_wait3A_453 : memref<192xi32, #tpu.memory_space<vmem>>)
          %dma_wait3A_455 = arith.constant 0 : i32
          %dma_wait3A_456 = tpu.memref_slice %arg12[%rem3A_376, %dma_wait3A_455] : memref<6x192xf32, #tpu.memory_space<vmem>> -> memref<1x192xf32, #tpu.memory_space<vmem>>
          %dma_wait3A_457 = tpu.memref_squeeze %dma_wait3A_456 : memref<1x192xf32, #tpu.memory_space<vmem>> -> memref<192xf32, #tpu.memory_space<vmem>>
          %dma_wait3A_458 = tpu.memref_slice %arg4[%mul3A_434] : memref<811008xf32, #tpu.memory_space<hbm>> -> memref<192xf32, #tpu.memory_space<hbm>>
          %dma_wait3A_459 = tpu.memref_slice %arg16[%rem3A_376] : memref<6x!tpu.dma_semaphore, #tpu.memory_space<semaphore_mem>> -> memref<1x!tpu.dma_semaphore, #tpu.memory_space<semaphore_mem>>
          %dma_wait3A_460 = tpu.memref_squeeze %dma_wait3A_459 : memref<1x!tpu.dma_semaphore, #tpu.memory_space<semaphore_mem>> -> memref<!tpu.dma_semaphore, #tpu.memory_space<semaphore_mem>>
          %dma_wait3A_461 = arith.constant 0 : i32
          %dma_wait3A_462 = tpu.memref_slice %arg12[%rem3A_376, %dma_wait3A_461] : memref<6x192xf32, #tpu.memory_space<vmem>> -> memref<1x192xf32, #tpu.memory_space<vmem>>
          %dma_wait3A_463 = tpu.memref_squeeze %dma_wait3A_462 : memref<1x192xf32, #tpu.memory_space<vmem>> -> memref<192xf32, #tpu.memory_space<vmem>>
          %dma_wait3A_464 = tpu.memref_slice %arg4[%mul3A_434] : memref<811008xf32, #tpu.memory_space<hbm>> -> memref<192xf32, #tpu.memory_space<hbm>>
          tpu.wait_dma2 semaphore(%dma_wait3A_460 : memref<!tpu.dma_semaphore, #tpu.memory_space<semaphore_mem>>) src(%dma_wait3A_464 : memref<192xf32, #tpu.memory_space<hbm>>) dst(%dma_wait3A_463 : memref<192xf32, #tpu.memory_space<vmem>>)
          %dma_start3A_465 = arith.constant 0 : i32
          %dma_start3A_466 = arith.constant 0 : i32
          %dma_start3A_467 = tpu.memref_slice %arg13[%rem3A_372, %dma_start3A_465, %dma_start3A_466] : memref<4x192x32xf32, #tpu.memory_space<vmem>> -> memref<1x192x32xf32, #tpu.memory_space<vmem>>
          %dma_start3A_468 = tpu.memref_squeeze %dma_start3A_467 : memref<1x192x32xf32, #tpu.memory_space<vmem>> -> memref<192x32xf32, #tpu.memory_space<vmem>>
          %dma_start3A_469 = arith.constant 0 : i32
          %dma_start3A_470 = tpu.memref_slice %arg10[%rem3A_376, %dma_start3A_469] : memref<6x192xi32, #tpu.memory_space<vmem>> -> memref<1x192xi32, #tpu.memory_space<vmem>>
          %dma_start3A_471 = tpu.memref_squeeze %dma_start3A_470 : memref<1x192xi32, #tpu.memory_space<vmem>> -> memref<192xi32, #tpu.memory_space<vmem>>
          %dma_start3A_472 = arith.constant 0 : i32
          %dma_start3A_473 = arith.constant 0 : i32
          %dma_start3A_474 = tpu.memref_slice %arg6[%dma_start3A_472, %dma_start3A_473] : memref<50048x32xf32, #tpu.memory_space<hbm>> -> memref<50048x32xf32, #tpu.memory_space<hbm>>
          %dma_start3A_475 = tpu.memref_slice %arg14[%rem3A_372] : memref<4x!tpu.dma_semaphore, #tpu.memory_space<semaphore_mem>> -> memref<1x!tpu.dma_semaphore, #tpu.memory_space<semaphore_mem>>
          %dma_start3A_476 = tpu.memref_squeeze %dma_start3A_475 : memref<1x!tpu.dma_semaphore, #tpu.memory_space<semaphore_mem>> -> memref<!tpu.dma_semaphore, #tpu.memory_space<semaphore_mem>>
          tpu.enqueue_indirect_dma source(%dma_start3A_474 : memref<50048x32xf32, #tpu.memory_space<hbm>>) target(%dma_start3A_468 : memref<192x32xf32, #tpu.memory_space<vmem>>) offsets(%dma_start3A_471 : memref<192xi32, #tpu.memory_space<vmem>>) semaphore(%dma_start3A_476 : memref<!tpu.dma_semaphore, #tpu.memory_space<semaphore_mem>>)
        } else {
        }
        %add3A_391 = arith.constant 4 : i32
        %add3A_392 = arith.addi %scan3A_365, %add3A_391 : i32
        %lt3A_393 = arith.constant 264 : i32
        %lt3A_394 = arith.cmpi slt, %add3A_392, %lt3A_393 : i32
        %convert_element_type3A_395 = arith.extui %lt3A_394 : i1 to i32
        %cond3A_396 = arith.constant 0 : i32
        %cond3A_397 = arith.cmpi ne, %convert_element_type3A_395, %cond3A_396 : i32
        scf.if %cond3A_397 {
          %add3A_428 = arith.constant 4 : i32
          %add3A_429 = arith.addi %scan3A_365, %add3A_428 : i32
          %add3A_430 = arith.constant 4 : i32
          %add3A_431 = arith.addi %scan3A_365, %add3A_430 : i32
          %rem3A_432 = arith.constant 6 : i32
          %rem3A_433 = arith.remsi %add3A_431, %rem3A_432 : i32
          %mul3A_434 = arith.constant 264 : i32
          %mul3A_435 = arith.muli %arg1, %mul3A_434 : i32
          %add3A_436 = arith.addi %mul3A_435, %add3A_429 : i32
          %mul3A_437 = arith.constant 192 : i32
          %mul3A_438 = arith.muli %add3A_436, %mul3A_437 : i32
          %dma_start3A_439 = arith.constant 0 : i32
          %dma_start3A_440 = tpu.memref_slice %arg10[%rem3A_433, %dma_start3A_439] : memref<6x192xi32, #tpu.memory_space<vmem>> -> memref<1x192xi32, #tpu.memory_space<vmem>>
          %dma_start3A_441 = tpu.memref_squeeze %dma_start3A_440 : memref<1x192xi32, #tpu.memory_space<vmem>> -> memref<192xi32, #tpu.memory_space<vmem>>
          %dma_start3A_442 = tpu.memref_slice %arg2[%mul3A_438] : memref<811008xi32, #tpu.memory_space<hbm>> -> memref<192xi32, #tpu.memory_space<hbm>>
          %dma_start3A_443 = tpu.memref_slice %arg16[%rem3A_433] : memref<6x!tpu.dma_semaphore, #tpu.memory_space<semaphore_mem>> -> memref<1x!tpu.dma_semaphore, #tpu.memory_space<semaphore_mem>>
          %dma_start3A_444 = tpu.memref_squeeze %dma_start3A_443 : memref<1x!tpu.dma_semaphore, #tpu.memory_space<semaphore_mem>> -> memref<!tpu.dma_semaphore, #tpu.memory_space<semaphore_mem>>
          %dma_start3A_445 = arith.constant 0 : i32
          %dma_start3A_446 = tpu.memref_slice %arg10[%rem3A_433, %dma_start3A_445] : memref<6x192xi32, #tpu.memory_space<vmem>> -> memref<1x192xi32, #tpu.memory_space<vmem>>
          %dma_start3A_447 = tpu.memref_squeeze %dma_start3A_446 : memref<1x192xi32, #tpu.memory_space<vmem>> -> memref<192xi32, #tpu.memory_space<vmem>>
          %dma_start3A_448 = tpu.memref_slice %arg2[%mul3A_438] : memref<811008xi32, #tpu.memory_space<hbm>> -> memref<192xi32, #tpu.memory_space<hbm>>
          tpu.enqueue_dma source(%dma_start3A_448 : memref<192xi32, #tpu.memory_space<hbm>>) target(%dma_start3A_447 : memref<192xi32, #tpu.memory_space<vmem>>) target_semaphore(%dma_start3A_444 : memref<!tpu.dma_semaphore, #tpu.memory_space<semaphore_mem>>)
          %dma_start3A_449 = arith.constant 0 : i32
          %dma_start3A_450 = tpu.memref_slice %arg11[%rem3A_433, %dma_start3A_449] : memref<6x192xi32, #tpu.memory_space<vmem>> -> memref<1x192xi32, #tpu.memory_space<vmem>>
          %dma_start3A_451 = tpu.memref_squeeze %dma_start3A_450 : memref<1x192xi32, #tpu.memory_space<vmem>> -> memref<192xi32, #tpu.memory_space<vmem>>
          %dma_start3A_452 = tpu.memref_slice %arg3[%mul3A_438] : memref<811008xi32, #tpu.memory_space<hbm>> -> memref<192xi32, #tpu.memory_space<hbm>>
          %dma_start3A_453 = tpu.memref_slice %arg16[%rem3A_433] : memref<6x!tpu.dma_semaphore, #tpu.memory_space<semaphore_mem>> -> memref<1x!tpu.dma_semaphore, #tpu.memory_space<semaphore_mem>>
          %dma_start3A_454 = tpu.memref_squeeze %dma_start3A_453 : memref<1x!tpu.dma_semaphore, #tpu.memory_space<semaphore_mem>> -> memref<!tpu.dma_semaphore, #tpu.memory_space<semaphore_mem>>
          %dma_start3A_455 = arith.constant 0 : i32
          %dma_start3A_456 = tpu.memref_slice %arg11[%rem3A_433, %dma_start3A_455] : memref<6x192xi32, #tpu.memory_space<vmem>> -> memref<1x192xi32, #tpu.memory_space<vmem>>
          %dma_start3A_457 = tpu.memref_squeeze %dma_start3A_456 : memref<1x192xi32, #tpu.memory_space<vmem>> -> memref<192xi32, #tpu.memory_space<vmem>>
          %dma_start3A_458 = tpu.memref_slice %arg3[%mul3A_438] : memref<811008xi32, #tpu.memory_space<hbm>> -> memref<192xi32, #tpu.memory_space<hbm>>
          tpu.enqueue_dma source(%dma_start3A_458 : memref<192xi32, #tpu.memory_space<hbm>>) target(%dma_start3A_457 : memref<192xi32, #tpu.memory_space<vmem>>) target_semaphore(%dma_start3A_454 : memref<!tpu.dma_semaphore, #tpu.memory_space<semaphore_mem>>)
          %dma_start3A_459 = arith.constant 0 : i32
          %dma_start3A_460 = tpu.memref_slice %arg12[%rem3A_433, %dma_start3A_459] : memref<6x192xf32, #tpu.memory_space<vmem>> -> memref<1x192xf32, #tpu.memory_space<vmem>>
          %dma_start3A_461 = tpu.memref_squeeze %dma_start3A_460 : memref<1x192xf32, #tpu.memory_space<vmem>> -> memref<192xf32, #tpu.memory_space<vmem>>
          %dma_start3A_462 = tpu.memref_slice %arg4[%mul3A_438] : memref<811008xf32, #tpu.memory_space<hbm>> -> memref<192xf32, #tpu.memory_space<hbm>>
          %dma_start3A_463 = tpu.memref_slice %arg16[%rem3A_433] : memref<6x!tpu.dma_semaphore, #tpu.memory_space<semaphore_mem>> -> memref<1x!tpu.dma_semaphore, #tpu.memory_space<semaphore_mem>>
          %dma_start3A_464 = tpu.memref_squeeze %dma_start3A_463 : memref<1x!tpu.dma_semaphore, #tpu.memory_space<semaphore_mem>> -> memref<!tpu.dma_semaphore, #tpu.memory_space<semaphore_mem>>
          %dma_start3A_465 = arith.constant 0 : i32
          %dma_start3A_466 = tpu.memref_slice %arg12[%rem3A_433, %dma_start3A_465] : memref<6x192xf32, #tpu.memory_space<vmem>> -> memref<1x192xf32, #tpu.memory_space<vmem>>
          %dma_start3A_467 = tpu.memref_squeeze %dma_start3A_466 : memref<1x192xf32, #tpu.memory_space<vmem>> -> memref<192xf32, #tpu.memory_space<vmem>>
          %dma_start3A_468 = tpu.memref_slice %arg4[%mul3A_438] : memref<811008xf32, #tpu.memory_space<hbm>> -> memref<192xf32, #tpu.memory_space<hbm>>
          tpu.enqueue_dma source(%dma_start3A_468 : memref<192xf32, #tpu.memory_space<hbm>>) target(%dma_start3A_467 : memref<192xf32, #tpu.memory_space<vmem>>) target_semaphore(%dma_start3A_464 : memref<!tpu.dma_semaphore, #tpu.memory_space<semaphore_mem>>)
        } else {
        }
        %dma_wait3A_398 = arith.constant 0 : i32
        %dma_wait3A_399 = arith.constant 0 : i32
        %dma_wait3A_400 = tpu.memref_slice %arg13[%rem3A_366, %dma_wait3A_398, %dma_wait3A_399] : memref<4x192x32xf32, #tpu.memory_space<vmem>> -> memref<1x192x32xf32, #tpu.memory_space<vmem>>
        %dma_wait3A_401 = tpu.memref_squeeze %dma_wait3A_400 : memref<1x192x32xf32, #tpu.memory_space<vmem>> -> memref<192x32xf32, #tpu.memory_space<vmem>>
        %dma_wait3A_402 = arith.constant 0 : i32
        %dma_wait3A_403 = tpu.memref_slice %arg10[%rem3A_368, %dma_wait3A_402] : memref<6x192xi32, #tpu.memory_space<vmem>> -> memref<1x192xi32, #tpu.memory_space<vmem>>
        %dma_wait3A_404 = tpu.memref_squeeze %dma_wait3A_403 : memref<1x192xi32, #tpu.memory_space<vmem>> -> memref<192xi32, #tpu.memory_space<vmem>>
        %dma_wait3A_405 = arith.constant 0 : i32
        %dma_wait3A_406 = arith.constant 0 : i32
        %dma_wait3A_407 = tpu.memref_slice %arg6[%dma_wait3A_405, %dma_wait3A_406] : memref<50048x32xf32, #tpu.memory_space<hbm>> -> memref<50048x32xf32, #tpu.memory_space<hbm>>
        %dma_wait3A_408 = tpu.memref_slice %arg14[%rem3A_366] : memref<4x!tpu.dma_semaphore, #tpu.memory_space<semaphore_mem>> -> memref<1x!tpu.dma_semaphore, #tpu.memory_space<semaphore_mem>>
        %dma_wait3A_409 = tpu.memref_squeeze %dma_wait3A_408 : memref<1x!tpu.dma_semaphore, #tpu.memory_space<semaphore_mem>> -> memref<!tpu.dma_semaphore, #tpu.memory_space<semaphore_mem>>
        tpu.wait_indirect_dma semaphore(%dma_wait3A_409 : memref<!tpu.dma_semaphore, #tpu.memory_space<semaphore_mem>>) src(%dma_wait3A_407 : memref<50048x32xf32, #tpu.memory_space<hbm>>) dst(%dma_wait3A_401 : memref<192x32xf32, #tpu.memory_space<vmem>>)
        %scan3A_410 = arith.constant 0 : i32
        %scan3A_411 = arith.constant 0 : i32
        %scan3A_412 = arith.constant 12 : i32
        %scan3A_413 = arith.addi %scan3A_411, %scan3A_412 : i32
        %scan3A_414 = arith.constant 1 : i32
        scf.for %scan3A_428 = %scan3A_411 to %scan3A_413 step %scan3A_414  : i32 {
          %mul3A_429 = arith.constant 16 : i32
          %mul3A_430 = arith.muli %scan3A_428, %mul3A_429 : i32
          %get3A = arith.index_cast %rem3A_368 : i32 to index
          %get3A_431 = arith.index_cast %mul3A_430 : i32 to index
          %get3A_432 = tpu.vector_load %arg12[%get3A, %get3A_431] {strides = array<i32>} : memref<6x192xf32, #tpu.memory_space<vmem>>, vector<1x16xf32>,
          %get3A_433 = vector.shape_cast %get3A_432 : vector<1x16xf32> to vector<16xf32>
          %mul3A_434 = arith.constant 16 : i32
          %mul3A_435 = arith.muli %scan3A_428, %mul3A_434 : i32
          %add3A_436 = arith.constant 0 : i32
          %add3A_437 = arith.addi %mul3A_435, %add3A_436 : i32
          %slice3A = vector.extract_strided_slice %get3A_433 {offsets = [0], sizes = [1], strides = [1]} : vector<16xf32> to vector<1xf32>
          %squeeze3A = vector.extract %slice3A[0] : f32 from vector<1xf32>
          %get3A_438 = arith.index_cast %rem3A_366 : i32 to index
          %get3A_439 = arith.index_cast %add3A_437 : i32 to index
          %get3A_440 = arith.constant 0 : index
          %get3A_441 = tpu.vector_load %arg13[%get3A_438, %get3A_439, %get3A_440] {strides = array<i32>} : memref<4x192x32xf32, #tpu.memory_space<vmem>>, vector<1x1x16xf32>,
          %get3A_442 = vector.shape_cast %get3A_441 : vector<1x1x16xf32> to vector<16xf32>
          %mul3A_443 = vector.broadcast %squeeze3A : f32 to vector<16xf32>
          %mul3A_444 = arith.mulf %get3A_442, %mul3A_443 : vector<16xf32>
          %swap3A = arith.index_cast %rem3A_366 : i32 to index
          %swap3A_445 = arith.index_cast %add3A_437 : i32 to index
          %swap3A_446 = arith.constant 0 : index
          %swap3A_447 = tpu.vector_load %arg13[%swap3A, %swap3A_445, %swap3A_446] {strides = array<i32>} : memref<4x192x32xf32, #tpu.memory_space<vmem>>, vector<1x1x16xf32>,
          %swap3A_448 = vector.shape_cast %swap3A_447 : vector<1x1x16xf32> to vector<16xf32>
          %swap3A_449 = vector.shape_cast %mul3A_444 : vector<16xf32> to vector<1x1x16xf32>
          tpu.vector_store %arg13[%swap3A, %swap3A_445, %swap3A_446], %swap3A_449 {strides = array<i32>} : memref<4x192x32xf32, #tpu.memory_space<vmem>>, vector<1x1x16xf32>,
          %get3A_450 = arith.index_cast %rem3A_366 : i32 to index
          %get3A_451 = arith.index_cast %add3A_437 : i32 to index
          %get3A_452 = arith.constant 16 : index
          %get3A_453 = tpu.vector_load %arg13[%get3A_450, %get3A_451, %get3A_452] {strides = array<i32>} : memref<4x192x32xf32, #tpu.memory_space<vmem>>, vector<1x1x16xf32>,
          %get3A_454 = vector.shape_cast %get3A_453 : vector<1x1x16xf32> to vector<16xf32>
          %mul3A_455 = vector.broadcast %squeeze3A : f32 to vector<16xf32>
          %mul3A_456 = arith.mulf %get3A_454, %mul3A_455 : vector<16xf32>
          %swap3A_457 = arith.index_cast %rem3A_366 : i32 to index
          %swap3A_458 = arith.index_cast %add3A_437 : i32 to index
          %swap3A_459 = arith.constant 16 : index
          %swap3A_460 = tpu.vector_load %arg13[%swap3A_457, %swap3A_458, %swap3A_459] {strides = array<i32>} : memref<4x192x32xf32, #tpu.memory_space<vmem>>, vector<1x1x16xf32>,
          %swap3A_461 = vector.shape_cast %swap3A_460 : vector<1x1x16xf32> to vector<16xf32>
          %swap3A_462 = vector.shape_cast %mul3A_456 : vector<16xf32> to vector<1x1x16xf32>
          tpu.vector_store %arg13[%swap3A_457, %swap3A_458, %swap3A_459], %swap3A_462 {strides = array<i32>} : memref<4x192x32xf32, #tpu.memory_space<vmem>>, vector<1x1x16xf32>,
          %mul3A_463 = arith.constant 16 : i32
          %mul3A_464 = arith.muli %scan3A_428, %mul3A_463 : i32
          %add3A_465 = arith.constant 1 : i32
          %add3A_466 = arith.addi %mul3A_464, %add3A_465 : i32
          %slice3A_467 = vector.extract_strided_slice %get3A_433 {offsets = [1], sizes = [1], strides = [1]} : vector<16xf32> to vector<1xf32>
          %squeeze3A_468 = vector.extract %slice3A_467[0] : f32 from vector<1xf32>
          %get3A_469 = arith.index_cast %rem3A_366 : i32 to index
          %get3A_470 = arith.index_cast %add3A_466 : i32 to index
          %get3A_471 = arith.constant 0 : index
          %get3A_472 = tpu.vector_load %arg13[%get3A_469, %get3A_470, %get3A_471] {strides = array<i32>} : memref<4x192x32xf32, #tpu.memory_space<vmem>>, vector<1x1x16xf32>,
          %get3A_473 = vector.shape_cast %get3A_472 : vector<1x1x16xf32> to vector<16xf32>
          %mul3A_474 = vector.broadcast %squeeze3A_468 : f32 to vector<16xf32>
          %mul3A_475 = arith.mulf %get3A_473, %mul3A_474 : vector<16xf32>
          %swap3A_476 = arith.index_cast %rem3A_366 : i32 to index
          %swap3A_477 = arith.index_cast %add3A_466 : i32 to index
          %swap3A_478 = arith.constant 0 : index
          %swap3A_479 = tpu.vector_load %arg13[%swap3A_476, %swap3A_477, %swap3A_478] {strides = array<i32>} : memref<4x192x32xf32, #tpu.memory_space<vmem>>, vector<1x1x16xf32>,
          %swap3A_480 = vector.shape_cast %swap3A_479 : vector<1x1x16xf32> to vector<16xf32>
          %swap3A_481 = vector.shape_cast %mul3A_475 : vector<16xf32> to vector<1x1x16xf32>
          tpu.vector_store %arg13[%swap3A_476, %swap3A_477, %swap3A_478], %swap3A_481 {strides = array<i32>} : memref<4x192x32xf32, #tpu.memory_space<vmem>>, vector<1x1x16xf32>,
          %get3A_482 = arith.index_cast %rem3A_366 : i32 to index
          %get3A_483 = arith.index_cast %add3A_466 : i32 to index
          %get3A_484 = arith.constant 16 : index
          %get3A_485 = tpu.vector_load %arg13[%get3A_482, %get3A_483, %get3A_484] {strides = array<i32>} : memref<4x192x32xf32, #tpu.memory_space<vmem>>, vector<1x1x16xf32>,
          %get3A_486 = vector.shape_cast %get3A_485 : vector<1x1x16xf32> to vector<16xf32>
          %mul3A_487 = vector.broadcast %squeeze3A_468 : f32 to vector<16xf32>
          %mul3A_488 = arith.mulf %get3A_486, %mul3A_487 : vector<16xf32>
          %swap3A_489 = arith.index_cast %rem3A_366 : i32 to index
          %swap3A_490 = arith.index_cast %add3A_466 : i32 to index
          %swap3A_491 = arith.constant 16 : index
          %swap3A_492 = tpu.vector_load %arg13[%swap3A_489, %swap3A_490, %swap3A_491] {strides = array<i32>} : memref<4x192x32xf32, #tpu.memory_space<vmem>>, vector<1x1x16xf32>,
          %swap3A_493 = vector.shape_cast %swap3A_492 : vector<1x1x16xf32> to vector<16xf32>
          %swap3A_494 = vector.shape_cast %mul3A_488 : vector<16xf32> to vector<1x1x16xf32>
          tpu.vector_store %arg13[%swap3A_489, %swap3A_490, %swap3A_491], %swap3A_494 {strides = array<i32>} : memref<4x192x32xf32, #tpu.memory_space<vmem>>, vector<1x1x16xf32>,
          %mul3A_495 = arith.constant 16 : i32
          %mul3A_496 = arith.muli %scan3A_428, %mul3A_495 : i32
          %add3A_497 = arith.constant 2 : i32
          %add3A_498 = arith.addi %mul3A_496, %add3A_497 : i32
          %slice3A_499 = vector.extract_strided_slice %get3A_433 {offsets = [2], sizes = [1], strides = [1]} : vector<16xf32> to vector<1xf32>
          %squeeze3A_500 = vector.extract %slice3A_499[0] : f32 from vector<1xf32>
          %get3A_501 = arith.index_cast %rem3A_366 : i32 to index
          %get3A_502 = arith.index_cast %add3A_498 : i32 to index
          %get3A_503 = arith.constant 0 : index
          %get3A_504 = tpu.vector_load %arg13[%get3A_501, %get3A_502, %get3A_503] {strides = array<i32>} : memref<4x192x32xf32, #tpu.memory_space<vmem>>, vector<1x1x16xf32>,
          %get3A_505 = vector.shape_cast %get3A_504 : vector<1x1x16xf32> to vector<16xf32>
          %mul3A_506 = vector.broadcast %squeeze3A_500 : f32 to vector<16xf32>
          %mul3A_507 = arith.mulf %get3A_505, %mul3A_506 : vector<16xf32>
          %swap3A_508 = arith.index_cast %rem3A_366 : i32 to index
          %swap3A_509 = arith.index_cast %add3A_498 : i32 to index
          %swap3A_510 = arith.constant 0 : index
          %swap3A_511 = tpu.vector_load %arg13[%swap3A_508, %swap3A_509, %swap3A_510] {strides = array<i32>} : memref<4x192x32xf32, #tpu.memory_space<vmem>>, vector<1x1x16xf32>,
          %swap3A_512 = vector.shape_cast %swap3A_511 : vector<1x1x16xf32> to vector<16xf32>
          %swap3A_513 = vector.shape_cast %mul3A_507 : vector<16xf32> to vector<1x1x16xf32>
          tpu.vector_store %arg13[%swap3A_508, %swap3A_509, %swap3A_510], %swap3A_513 {strides = array<i32>} : memref<4x192x32xf32, #tpu.memory_space<vmem>>, vector<1x1x16xf32>,
          %get3A_514 = arith.index_cast %rem3A_366 : i32 to index
          %get3A_515 = arith.index_cast %add3A_498 : i32 to index
          %get3A_516 = arith.constant 16 : index
          %get3A_517 = tpu.vector_load %arg13[%get3A_514, %get3A_515, %get3A_516] {strides = array<i32>} : memref<4x192x32xf32, #tpu.memory_space<vmem>>, vector<1x1x16xf32>,
          %get3A_518 = vector.shape_cast %get3A_517 : vector<1x1x16xf32> to vector<16xf32>
          %mul3A_519 = vector.broadcast %squeeze3A_500 : f32 to vector<16xf32>
          %mul3A_520 = arith.mulf %get3A_518, %mul3A_519 : vector<16xf32>
          %swap3A_521 = arith.index_cast %rem3A_366 : i32 to index
          %swap3A_522 = arith.index_cast %add3A_498 : i32 to index
          %swap3A_523 = arith.constant 16 : index
          %swap3A_524 = tpu.vector_load %arg13[%swap3A_521, %swap3A_522, %swap3A_523] {strides = array<i32>} : memref<4x192x32xf32, #tpu.memory_space<vmem>>, vector<1x1x16xf32>,
          %swap3A_525 = vector.shape_cast %swap3A_524 : vector<1x1x16xf32> to vector<16xf32>
          %swap3A_526 = vector.shape_cast %mul3A_520 : vector<16xf32> to vector<1x1x16xf32>
          tpu.vector_store %arg13[%swap3A_521, %swap3A_522, %swap3A_523], %swap3A_526 {strides = array<i32>} : memref<4x192x32xf32, #tpu.memory_space<vmem>>, vector<1x1x16xf32>,
          %mul3A_527 = arith.constant 16 : i32
          %mul3A_528 = arith.muli %scan3A_428, %mul3A_527 : i32
          %add3A_529 = arith.constant 3 : i32
          %add3A_530 = arith.addi %mul3A_528, %add3A_529 : i32
          %slice3A_531 = vector.extract_strided_slice %get3A_433 {offsets = [3], sizes = [1], strides = [1]} : vector<16xf32> to vector<1xf32>
          %squeeze3A_532 = vector.extract %slice3A_531[0] : f32 from vector<1xf32>
          %get3A_533 = arith.index_cast %rem3A_366 : i32 to index
          %get3A_534 = arith.index_cast %add3A_530 : i32 to index
          %get3A_535 = arith.constant 0 : index
          %get3A_536 = tpu.vector_load %arg13[%get3A_533, %get3A_534, %get3A_535] {strides = array<i32>} : memref<4x192x32xf32, #tpu.memory_space<vmem>>, vector<1x1x16xf32>,
          %get3A_537 = vector.shape_cast %get3A_536 : vector<1x1x16xf32> to vector<16xf32>
          %mul3A_538 = vector.broadcast %squeeze3A_532 : f32 to vector<16xf32>
          %mul3A_539 = arith.mulf %get3A_537, %mul3A_538 : vector<16xf32>
          %swap3A_540 = arith.index_cast %rem3A_366 : i32 to index
          %swap3A_541 = arith.index_cast %add3A_530 : i32 to index
          %swap3A_542 = arith.constant 0 : index
          %swap3A_543 = tpu.vector_load %arg13[%swap3A_540, %swap3A_541, %swap3A_542] {strides = array<i32>} : memref<4x192x32xf32, #tpu.memory_space<vmem>>, vector<1x1x16xf32>,
          %swap3A_544 = vector.shape_cast %swap3A_543 : vector<1x1x16xf32> to vector<16xf32>
          %swap3A_545 = vector.shape_cast %mul3A_539 : vector<16xf32> to vector<1x1x16xf32>
          tpu.vector_store %arg13[%swap3A_540, %swap3A_541, %swap3A_542], %swap3A_545 {strides = array<i32>} : memref<4x192x32xf32, #tpu.memory_space<vmem>>, vector<1x1x16xf32>,
          %get3A_546 = arith.index_cast %rem3A_366 : i32 to index
          %get3A_547 = arith.index_cast %add3A_530 : i32 to index
          %get3A_548 = arith.constant 16 : index
          %get3A_549 = tpu.vector_load %arg13[%get3A_546, %get3A_547, %get3A_548] {strides = array<i32>} : memref<4x192x32xf32, #tpu.memory_space<vmem>>, vector<1x1x16xf32>,
          %get3A_550 = vector.shape_cast %get3A_549 : vector<1x1x16xf32> to vector<16xf32>
          %mul3A_551 = vector.broadcast %squeeze3A_532 : f32 to vector<16xf32>
          %mul3A_552 = arith.mulf %get3A_550, %mul3A_551 : vector<16xf32>
          %swap3A_553 = arith.index_cast %rem3A_366 : i32 to index
          %swap3A_554 = arith.index_cast %add3A_530 : i32 to index
          %swap3A_555 = arith.constant 16 : index
          %swap3A_556 = tpu.vector_load %arg13[%swap3A_553, %swap3A_554, %swap3A_555] {strides = array<i32>} : memref<4x192x32xf32, #tpu.memory_space<vmem>>, vector<1x1x16xf32>,
          %swap3A_557 = vector.shape_cast %swap3A_556 : vector<1x1x16xf32> to vector<16xf32>
          %swap3A_558 = vector.shape_cast %mul3A_552 : vector<16xf32> to vector<1x1x16xf32>
          tpu.vector_store %arg13[%swap3A_553, %swap3A_554, %swap3A_555], %swap3A_558 {strides = array<i32>} : memref<4x192x32xf32, #tpu.memory_space<vmem>>, vector<1x1x16xf32>,
          %mul3A_559 = arith.constant 16 : i32
          %mul3A_560 = arith.muli %scan3A_428, %mul3A_559 : i32
          %add3A_561 = arith.constant 4 : i32
          %add3A_562 = arith.addi %mul3A_560, %add3A_561 : i32
          %slice3A_563 = vector.extract_strided_slice %get3A_433 {offsets = [4], sizes = [1], strides = [1]} : vector<16xf32> to vector<1xf32>
          %squeeze3A_564 = vector.extract %slice3A_563[0] : f32 from vector<1xf32>
          %get3A_565 = arith.index_cast %rem3A_366 : i32 to index
          %get3A_566 = arith.index_cast %add3A_562 : i32 to index
          %get3A_567 = arith.constant 0 : index
          %get3A_568 = tpu.vector_load %arg13[%get3A_565, %get3A_566, %get3A_567] {strides = array<i32>} : memref<4x192x32xf32, #tpu.memory_space<vmem>>, vector<1x1x16xf32>,
          %get3A_569 = vector.shape_cast %get3A_568 : vector<1x1x16xf32> to vector<16xf32>
          %mul3A_570 = vector.broadcast %squeeze3A_564 : f32 to vector<16xf32>
          %mul3A_571 = arith.mulf %get3A_569, %mul3A_570 : vector<16xf32>
          %swap3A_572 = arith.index_cast %rem3A_366 : i32 to index
          %swap3A_573 = arith.index_cast %add3A_562 : i32 to index
          %swap3A_574 = arith.constant 0 : index
          %swap3A_575 = tpu.vector_load %arg13[%swap3A_572, %swap3A_573, %swap3A_574] {strides = array<i32>} : memref<4x192x32xf32, #tpu.memory_space<vmem>>, vector<1x1x16xf32>,
          %swap3A_576 = vector.shape_cast %swap3A_575 : vector<1x1x16xf32> to vector<16xf32>
          %swap3A_577 = vector.shape_cast %mul3A_571 : vector<16xf32> to vector<1x1x16xf32>
          tpu.vector_store %arg13[%swap3A_572, %swap3A_573, %swap3A_574], %swap3A_577 {strides = array<i32>} : memref<4x192x32xf32, #tpu.memory_space<vmem>>, vector<1x1x16xf32>,
          %get3A_578 = arith.index_cast %rem3A_366 : i32 to index
          %get3A_579 = arith.index_cast %add3A_562 : i32 to index
          %get3A_580 = arith.constant 16 : index
          %get3A_581 = tpu.vector_load %arg13[%get3A_578, %get3A_579, %get3A_580] {strides = array<i32>} : memref<4x192x32xf32, #tpu.memory_space<vmem>>, vector<1x1x16xf32>,
          %get3A_582 = vector.shape_cast %get3A_581 : vector<1x1x16xf32> to vector<16xf32>
          %mul3A_583 = vector.broadcast %squeeze3A_564 : f32 to vector<16xf32>
          %mul3A_584 = arith.mulf %get3A_582, %mul3A_583 : vector<16xf32>
          %swap3A_585 = arith.index_cast %rem3A_366 : i32 to index
          %swap3A_586 = arith.index_cast %add3A_562 : i32 to index
          %swap3A_587 = arith.constant 16 : index
          %swap3A_588 = tpu.vector_load %arg13[%swap3A_585, %swap3A_586, %swap3A_587] {strides = array<i32>} : memref<4x192x32xf32, #tpu.memory_space<vmem>>, vector<1x1x16xf32>,
          %swap3A_589 = vector.shape_cast %swap3A_588 : vector<1x1x16xf32> to vector<16xf32>
          %swap3A_590 = vector.shape_cast %mul3A_584 : vector<16xf32> to vector<1x1x16xf32>
          tpu.vector_store %arg13[%swap3A_585, %swap3A_586, %swap3A_587], %swap3A_590 {strides = array<i32>} : memref<4x192x32xf32, #tpu.memory_space<vmem>>, vector<1x1x16xf32>,
          %mul3A_591 = arith.constant 16 : i32
          %mul3A_592 = arith.muli %scan3A_428, %mul3A_591 : i32
          %add3A_593 = arith.constant 5 : i32
          %add3A_594 = arith.addi %mul3A_592, %add3A_593 : i32
          %slice3A_595 = vector.extract_strided_slice %get3A_433 {offsets = [5], sizes = [1], strides = [1]} : vector<16xf32> to vector<1xf32>
          %squeeze3A_596 = vector.extract %slice3A_595[0] : f32 from vector<1xf32>
          %get3A_597 = arith.index_cast %rem3A_366 : i32 to index
          %get3A_598 = arith.index_cast %add3A_594 : i32 to index
          %get3A_599 = arith.constant 0 : index
          %get3A_600 = tpu.vector_load %arg13[%get3A_597, %get3A_598, %get3A_599] {strides = array<i32>} : memref<4x192x32xf32, #tpu.memory_space<vmem>>, vector<1x1x16xf32>,
          %get3A_601 = vector.shape_cast %get3A_600 : vector<1x1x16xf32> to vector<16xf32>
          %mul3A_602 = vector.broadcast %squeeze3A_596 : f32 to vector<16xf32>
          %mul3A_603 = arith.mulf %get3A_601, %mul3A_602 : vector<16xf32>
          %swap3A_604 = arith.index_cast %rem3A_366 : i32 to index
          %swap3A_605 = arith.index_cast %add3A_594 : i32 to index
          %swap3A_606 = arith.constant 0 : index
          %swap3A_607 = tpu.vector_load %arg13[%swap3A_604, %swap3A_605, %swap3A_606] {strides = array<i32>} : memref<4x192x32xf32, #tpu.memory_space<vmem>>, vector<1x1x16xf32>,
          %swap3A_608 = vector.shape_cast %swap3A_607 : vector<1x1x16xf32> to vector<16xf32>
          %swap3A_609 = vector.shape_cast %mul3A_603 : vector<16xf32> to vector<1x1x16xf32>
          tpu.vector_store %arg13[%swap3A_604, %swap3A_605, %swap3A_606], %swap3A_609 {strides = array<i32>} : memref<4x192x32xf32, #tpu.memory_space<vmem>>, vector<1x1x16xf32>,
          %get3A_610 = arith.index_cast %rem3A_366 : i32 to index
          %get3A_611 = arith.index_cast %add3A_594 : i32 to index
          %get3A_612 = arith.constant 16 : index
          %get3A_613 = tpu.vector_load %arg13[%get3A_610, %get3A_611, %get3A_612] {strides = array<i32>} : memref<4x192x32xf32, #tpu.memory_space<vmem>>, vector<1x1x16xf32>,
          %get3A_614 = vector.shape_cast %get3A_613 : vector<1x1x16xf32> to vector<16xf32>
          %mul3A_615 = vector.broadcast %squeeze3A_596 : f32 to vector<16xf32>
          %mul3A_616 = arith.mulf %get3A_614, %mul3A_615 : vector<16xf32>
          %swap3A_617 = arith.index_cast %rem3A_366 : i32 to index
          %swap3A_618 = arith.index_cast %add3A_594 : i32 to index
          %swap3A_619 = arith.constant 16 : index
          %swap3A_620 = tpu.vector_load %arg13[%swap3A_617, %swap3A_618, %swap3A_619] {strides = array<i32>} : memref<4x192x32xf32, #tpu.memory_space<vmem>>, vector<1x1x16xf32>,
          %swap3A_621 = vector.shape_cast %swap3A_620 : vector<1x1x16xf32> to vector<16xf32>
          %swap3A_622 = vector.shape_cast %mul3A_616 : vector<16xf32> to vector<1x1x16xf32>
          tpu.vector_store %arg13[%swap3A_617, %swap3A_618, %swap3A_619], %swap3A_622 {strides = array<i32>} : memref<4x192x32xf32, #tpu.memory_space<vmem>>, vector<1x1x16xf32>,
          %mul3A_623 = arith.constant 16 : i32
          %mul3A_624 = arith.muli %scan3A_428, %mul3A_623 : i32
          %add3A_625 = arith.constant 6 : i32
          %add3A_626 = arith.addi %mul3A_624, %add3A_625 : i32
          %slice3A_627 = vector.extract_strided_slice %get3A_433 {offsets = [6], sizes = [1], strides = [1]} : vector<16xf32> to vector<1xf32>
          %squeeze3A_628 = vector.extract %slice3A_627[0] : f32 from vector<1xf32>
          %get3A_629 = arith.index_cast %rem3A_366 : i32 to index
          %get3A_630 = arith.index_cast %add3A_626 : i32 to index
          %get3A_631 = arith.constant 0 : index
          %get3A_632 = tpu.vector_load %arg13[%get3A_629, %get3A_630, %get3A_631] {strides = array<i32>} : memref<4x192x32xf32, #tpu.memory_space<vmem>>, vector<1x1x16xf32>,
          %get3A_633 = vector.shape_cast %get3A_632 : vector<1x1x16xf32> to vector<16xf32>
          %mul3A_634 = vector.broadcast %squeeze3A_628 : f32 to vector<16xf32>
          %mul3A_635 = arith.mulf %get3A_633, %mul3A_634 : vector<16xf32>
          %swap3A_636 = arith.index_cast %rem3A_366 : i32 to index
          %swap3A_637 = arith.index_cast %add3A_626 : i32 to index
          %swap3A_638 = arith.constant 0 : index
          %swap3A_639 = tpu.vector_load %arg13[%swap3A_636, %swap3A_637, %swap3A_638] {strides = array<i32>} : memref<4x192x32xf32, #tpu.memory_space<vmem>>, vector<1x1x16xf32>,
          %swap3A_640 = vector.shape_cast %swap3A_639 : vector<1x1x16xf32> to vector<16xf32>
          %swap3A_641 = vector.shape_cast %mul3A_635 : vector<16xf32> to vector<1x1x16xf32>
          tpu.vector_store %arg13[%swap3A_636, %swap3A_637, %swap3A_638], %swap3A_641 {strides = array<i32>} : memref<4x192x32xf32, #tpu.memory_space<vmem>>, vector<1x1x16xf32>,
          %get3A_642 = arith.index_cast %rem3A_366 : i32 to index
          %get3A_643 = arith.index_cast %add3A_626 : i32 to index
          %get3A_644 = arith.constant 16 : index
          %get3A_645 = tpu.vector_load %arg13[%get3A_642, %get3A_643, %get3A_644] {strides = array<i32>} : memref<4x192x32xf32, #tpu.memory_space<vmem>>, vector<1x1x16xf32>,
          %get3A_646 = vector.shape_cast %get3A_645 : vector<1x1x16xf32> to vector<16xf32>
          %mul3A_647 = vector.broadcast %squeeze3A_628 : f32 to vector<16xf32>
          %mul3A_648 = arith.mulf %get3A_646, %mul3A_647 : vector<16xf32>
          %swap3A_649 = arith.index_cast %rem3A_366 : i32 to index
          %swap3A_650 = arith.index_cast %add3A_626 : i32 to index
          %swap3A_651 = arith.constant 16 : index
          %swap3A_652 = tpu.vector_load %arg13[%swap3A_649, %swap3A_650, %swap3A_651] {strides = array<i32>} : memref<4x192x32xf32, #tpu.memory_space<vmem>>, vector<1x1x16xf32>,
          %swap3A_653 = vector.shape_cast %swap3A_652 : vector<1x1x16xf32> to vector<16xf32>
          %swap3A_654 = vector.shape_cast %mul3A_648 : vector<16xf32> to vector<1x1x16xf32>
          tpu.vector_store %arg13[%swap3A_649, %swap3A_650, %swap3A_651], %swap3A_654 {strides = array<i32>} : memref<4x192x32xf32, #tpu.memory_space<vmem>>, vector<1x1x16xf32>,
          %mul3A_655 = arith.constant 16 : i32
          %mul3A_656 = arith.muli %scan3A_428, %mul3A_655 : i32
          %add3A_657 = arith.constant 7 : i32
          %add3A_658 = arith.addi %mul3A_656, %add3A_657 : i32
          %slice3A_659 = vector.extract_strided_slice %get3A_433 {offsets = [7], sizes = [1], strides = [1]} : vector<16xf32> to vector<1xf32>
          %squeeze3A_660 = vector.extract %slice3A_659[0] : f32 from vector<1xf32>
          %get3A_661 = arith.index_cast %rem3A_366 : i32 to index
          %get3A_662 = arith.index_cast %add3A_658 : i32 to index
          %get3A_663 = arith.constant 0 : index
          %get3A_664 = tpu.vector_load %arg13[%get3A_661, %get3A_662, %get3A_663] {strides = array<i32>} : memref<4x192x32xf32, #tpu.memory_space<vmem>>, vector<1x1x16xf32>,
          %get3A_665 = vector.shape_cast %get3A_664 : vector<1x1x16xf32> to vector<16xf32>
          %mul3A_666 = vector.broadcast %squeeze3A_660 : f32 to vector<16xf32>
          %mul3A_667 = arith.mulf %get3A_665, %mul3A_666 : vector<16xf32>
          %swap3A_668 = arith.index_cast %rem3A_366 : i32 to index
          %swap3A_669 = arith.index_cast %add3A_658 : i32 to index
          %swap3A_670 = arith.constant 0 : index
          %swap3A_671 = tpu.vector_load %arg13[%swap3A_668, %swap3A_669, %swap3A_670] {strides = array<i32>} : memref<4x192x32xf32, #tpu.memory_space<vmem>>, vector<1x1x16xf32>,
          %swap3A_672 = vector.shape_cast %swap3A_671 : vector<1x1x16xf32> to vector<16xf32>
          %swap3A_673 = vector.shape_cast %mul3A_667 : vector<16xf32> to vector<1x1x16xf32>
          tpu.vector_store %arg13[%swap3A_668, %swap3A_669, %swap3A_670], %swap3A_673 {strides = array<i32>} : memref<4x192x32xf32, #tpu.memory_space<vmem>>, vector<1x1x16xf32>,
          %get3A_674 = arith.index_cast %rem3A_366 : i32 to index
          %get3A_675 = arith.index_cast %add3A_658 : i32 to index
          %get3A_676 = arith.constant 16 : index
          %get3A_677 = tpu.vector_load %arg13[%get3A_674, %get3A_675, %get3A_676] {strides = array<i32>} : memref<4x192x32xf32, #tpu.memory_space<vmem>>, vector<1x1x16xf32>,
          %get3A_678 = vector.shape_cast %get3A_677 : vector<1x1x16xf32> to vector<16xf32>
          %mul3A_679 = vector.broadcast %squeeze3A_660 : f32 to vector<16xf32>
          %mul3A_680 = arith.mulf %get3A_678, %mul3A_679 : vector<16xf32>
          %swap3A_681 = arith.index_cast %rem3A_366 : i32 to index
          %swap3A_682 = arith.index_cast %add3A_658 : i32 to index
          %swap3A_683 = arith.constant 16 : index
          %swap3A_684 = tpu.vector_load %arg13[%swap3A_681, %swap3A_682, %swap3A_683] {strides = array<i32>} : memref<4x192x32xf32, #tpu.memory_space<vmem>>, vector<1x1x16xf32>,
          %swap3A_685 = vector.shape_cast %swap3A_684 : vector<1x1x16xf32> to vector<16xf32>
          %swap3A_686 = vector.shape_cast %mul3A_680 : vector<16xf32> to vector<1x1x16xf32>
          tpu.vector_store %arg13[%swap3A_681, %swap3A_682, %swap3A_683], %swap3A_686 {strides = array<i32>} : memref<4x192x32xf32, #tpu.memory_space<vmem>>, vector<1x1x16xf32>,
          %mul3A_687 = arith.constant 16 : i32
          %mul3A_688 = arith.muli %scan3A_428, %mul3A_687 : i32
          %add3A_689 = arith.constant 8 : i32
          %add3A_690 = arith.addi %mul3A_688, %add3A_689 : i32
          %slice3A_691 = vector.extract_strided_slice %get3A_433 {offsets = [8], sizes = [1], strides = [1]} : vector<16xf32> to vector<1xf32>
          %squeeze3A_692 = vector.extract %slice3A_691[0] : f32 from vector<1xf32>
          %get3A_693 = arith.index_cast %rem3A_366 : i32 to index
          %get3A_694 = arith.index_cast %add3A_690 : i32 to index
          %get3A_695 = arith.constant 0 : index
          %get3A_696 = tpu.vector_load %arg13[%get3A_693, %get3A_694, %get3A_695] {strides = array<i32>} : memref<4x192x32xf32, #tpu.memory_space<vmem>>, vector<1x1x16xf32>,
          %get3A_697 = vector.shape_cast %get3A_696 : vector<1x1x16xf32> to vector<16xf32>
          %mul3A_698 = vector.broadcast %squeeze3A_692 : f32 to vector<16xf32>
          %mul3A_699 = arith.mulf %get3A_697, %mul3A_698 : vector<16xf32>
          %swap3A_700 = arith.index_cast %rem3A_366 : i32 to index
          %swap3A_701 = arith.index_cast %add3A_690 : i32 to index
          %swap3A_702 = arith.constant 0 : index
          %swap3A_703 = tpu.vector_load %arg13[%swap3A_700, %swap3A_701, %swap3A_702] {strides = array<i32>} : memref<4x192x32xf32, #tpu.memory_space<vmem>>, vector<1x1x16xf32>,
          %swap3A_704 = vector.shape_cast %swap3A_703 : vector<1x1x16xf32> to vector<16xf32>
          %swap3A_705 = vector.shape_cast %mul3A_699 : vector<16xf32> to vector<1x1x16xf32>
          tpu.vector_store %arg13[%swap3A_700, %swap3A_701, %swap3A_702], %swap3A_705 {strides = array<i32>} : memref<4x192x32xf32, #tpu.memory_space<vmem>>, vector<1x1x16xf32>,
          %get3A_706 = arith.index_cast %rem3A_366 : i32 to index
          %get3A_707 = arith.index_cast %add3A_690 : i32 to index
          %get3A_708 = arith.constant 16 : index
          %get3A_709 = tpu.vector_load %arg13[%get3A_706, %get3A_707, %get3A_708] {strides = array<i32>} : memref<4x192x32xf32, #tpu.memory_space<vmem>>, vector<1x1x16xf32>,
          %get3A_710 = vector.shape_cast %get3A_709 : vector<1x1x16xf32> to vector<16xf32>
          %mul3A_711 = vector.broadcast %squeeze3A_692 : f32 to vector<16xf32>
          %mul3A_712 = arith.mulf %get3A_710, %mul3A_711 : vector<16xf32>
          %swap3A_713 = arith.index_cast %rem3A_366 : i32 to index
          %swap3A_714 = arith.index_cast %add3A_690 : i32 to index
          %swap3A_715 = arith.constant 16 : index
          %swap3A_716 = tpu.vector_load %arg13[%swap3A_713, %swap3A_714, %swap3A_715] {strides = array<i32>} : memref<4x192x32xf32, #tpu.memory_space<vmem>>, vector<1x1x16xf32>,
          %swap3A_717 = vector.shape_cast %swap3A_716 : vector<1x1x16xf32> to vector<16xf32>
          %swap3A_718 = vector.shape_cast %mul3A_712 : vector<16xf32> to vector<1x1x16xf32>
          tpu.vector_store %arg13[%swap3A_713, %swap3A_714, %swap3A_715], %swap3A_718 {strides = array<i32>} : memref<4x192x32xf32, #tpu.memory_space<vmem>>, vector<1x1x16xf32>,
          %mul3A_719 = arith.constant 16 : i32
          %mul3A_720 = arith.muli %scan3A_428, %mul3A_719 : i32
          %add3A_721 = arith.constant 9 : i32
          %add3A_722 = arith.addi %mul3A_720, %add3A_721 : i32
          %slice3A_723 = vector.extract_strided_slice %get3A_433 {offsets = [9], sizes = [1], strides = [1]} : vector<16xf32> to vector<1xf32>
          %squeeze3A_724 = vector.extract %slice3A_723[0] : f32 from vector<1xf32>
          %get3A_725 = arith.index_cast %rem3A_366 : i32 to index
          %get3A_726 = arith.index_cast %add3A_722 : i32 to index
          %get3A_727 = arith.constant 0 : index
          %get3A_728 = tpu.vector_load %arg13[%get3A_725, %get3A_726, %get3A_727] {strides = array<i32>} : memref<4x192x32xf32, #tpu.memory_space<vmem>>, vector<1x1x16xf32>,
          %get3A_729 = vector.shape_cast %get3A_728 : vector<1x1x16xf32> to vector<16xf32>
          %mul3A_730 = vector.broadcast %squeeze3A_724 : f32 to vector<16xf32>
          %mul3A_731 = arith.mulf %get3A_729, %mul3A_730 : vector<16xf32>
          %swap3A_732 = arith.index_cast %rem3A_366 : i32 to index
          %swap3A_733 = arith.index_cast %add3A_722 : i32 to index
          %swap3A_734 = arith.constant 0 : index
          %swap3A_735 = tpu.vector_load %arg13[%swap3A_732, %swap3A_733, %swap3A_734] {strides = array<i32>} : memref<4x192x32xf32, #tpu.memory_space<vmem>>, vector<1x1x16xf32>,
          %swap3A_736 = vector.shape_cast %swap3A_735 : vector<1x1x16xf32> to vector<16xf32>
          %swap3A_737 = vector.shape_cast %mul3A_731 : vector<16xf32> to vector<1x1x16xf32>
          tpu.vector_store %arg13[%swap3A_732, %swap3A_733, %swap3A_734], %swap3A_737 {strides = array<i32>} : memref<4x192x32xf32, #tpu.memory_space<vmem>>, vector<1x1x16xf32>,
          %get3A_738 = arith.index_cast %rem3A_366 : i32 to index
          %get3A_739 = arith.index_cast %add3A_722 : i32 to index
          %get3A_740 = arith.constant 16 : index
          %get3A_741 = tpu.vector_load %arg13[%get3A_738, %get3A_739, %get3A_740] {strides = array<i32>} : memref<4x192x32xf32, #tpu.memory_space<vmem>>, vector<1x1x16xf32>,
          %get3A_742 = vector.shape_cast %get3A_741 : vector<1x1x16xf32> to vector<16xf32>
          %mul3A_743 = vector.broadcast %squeeze3A_724 : f32 to vector<16xf32>
          %mul3A_744 = arith.mulf %get3A_742, %mul3A_743 : vector<16xf32>
          %swap3A_745 = arith.index_cast %rem3A_366 : i32 to index
          %swap3A_746 = arith.index_cast %add3A_722 : i32 to index
          %swap3A_747 = arith.constant 16 : index
          %swap3A_748 = tpu.vector_load %arg13[%swap3A_745, %swap3A_746, %swap3A_747] {strides = array<i32>} : memref<4x192x32xf32, #tpu.memory_space<vmem>>, vector<1x1x16xf32>,
          %swap3A_749 = vector.shape_cast %swap3A_748 : vector<1x1x16xf32> to vector<16xf32>
          %swap3A_750 = vector.shape_cast %mul3A_744 : vector<16xf32> to vector<1x1x16xf32>
          tpu.vector_store %arg13[%swap3A_745, %swap3A_746, %swap3A_747], %swap3A_750 {strides = array<i32>} : memref<4x192x32xf32, #tpu.memory_space<vmem>>, vector<1x1x16xf32>,
          %mul3A_751 = arith.constant 16 : i32
          %mul3A_752 = arith.muli %scan3A_428, %mul3A_751 : i32
          %add3A_753 = arith.constant 10 : i32
          %add3A_754 = arith.addi %mul3A_752, %add3A_753 : i32
          %slice3A_755 = vector.extract_strided_slice %get3A_433 {offsets = [10], sizes = [1], strides = [1]} : vector<16xf32> to vector<1xf32>
          %squeeze3A_756 = vector.extract %slice3A_755[0] : f32 from vector<1xf32>
          %get3A_757 = arith.index_cast %rem3A_366 : i32 to index
          %get3A_758 = arith.index_cast %add3A_754 : i32 to index
          %get3A_759 = arith.constant 0 : index
          %get3A_760 = tpu.vector_load %arg13[%get3A_757, %get3A_758, %get3A_759] {strides = array<i32>} : memref<4x192x32xf32, #tpu.memory_space<vmem>>, vector<1x1x16xf32>,
          %get3A_761 = vector.shape_cast %get3A_760 : vector<1x1x16xf32> to vector<16xf32>
          %mul3A_762 = vector.broadcast %squeeze3A_756 : f32 to vector<16xf32>
          %mul3A_763 = arith.mulf %get3A_761, %mul3A_762 : vector<16xf32>
          %swap3A_764 = arith.index_cast %rem3A_366 : i32 to index
          %swap3A_765 = arith.index_cast %add3A_754 : i32 to index
          %swap3A_766 = arith.constant 0 : index
          %swap3A_767 = tpu.vector_load %arg13[%swap3A_764, %swap3A_765, %swap3A_766] {strides = array<i32>} : memref<4x192x32xf32, #tpu.memory_space<vmem>>, vector<1x1x16xf32>,
          %swap3A_768 = vector.shape_cast %swap3A_767 : vector<1x1x16xf32> to vector<16xf32>
          %swap3A_769 = vector.shape_cast %mul3A_763 : vector<16xf32> to vector<1x1x16xf32>
          tpu.vector_store %arg13[%swap3A_764, %swap3A_765, %swap3A_766], %swap3A_769 {strides = array<i32>} : memref<4x192x32xf32, #tpu.memory_space<vmem>>, vector<1x1x16xf32>,
          %get3A_770 = arith.index_cast %rem3A_366 : i32 to index
          %get3A_771 = arith.index_cast %add3A_754 : i32 to index
          %get3A_772 = arith.constant 16 : index
          %get3A_773 = tpu.vector_load %arg13[%get3A_770, %get3A_771, %get3A_772] {strides = array<i32>} : memref<4x192x32xf32, #tpu.memory_space<vmem>>, vector<1x1x16xf32>,
          %get3A_774 = vector.shape_cast %get3A_773 : vector<1x1x16xf32> to vector<16xf32>
          %mul3A_775 = vector.broadcast %squeeze3A_756 : f32 to vector<16xf32>
          %mul3A_776 = arith.mulf %get3A_774, %mul3A_775 : vector<16xf32>
          %swap3A_777 = arith.index_cast %rem3A_366 : i32 to index
          %swap3A_778 = arith.index_cast %add3A_754 : i32 to index
          %swap3A_779 = arith.constant 16 : index
          %swap3A_780 = tpu.vector_load %arg13[%swap3A_777, %swap3A_778, %swap3A_779] {strides = array<i32>} : memref<4x192x32xf32, #tpu.memory_space<vmem>>, vector<1x1x16xf32>,
          %swap3A_781 = vector.shape_cast %swap3A_780 : vector<1x1x16xf32> to vector<16xf32>
          %swap3A_782 = vector.shape_cast %mul3A_776 : vector<16xf32> to vector<1x1x16xf32>
          tpu.vector_store %arg13[%swap3A_777, %swap3A_778, %swap3A_779], %swap3A_782 {strides = array<i32>} : memref<4x192x32xf32, #tpu.memory_space<vmem>>, vector<1x1x16xf32>,
          %mul3A_783 = arith.constant 16 : i32
          %mul3A_784 = arith.muli %scan3A_428, %mul3A_783 : i32
          %add3A_785 = arith.constant 11 : i32
          %add3A_786 = arith.addi %mul3A_784, %add3A_785 : i32
          %slice3A_787 = vector.extract_strided_slice %get3A_433 {offsets = [11], sizes = [1], strides = [1]} : vector<16xf32> to vector<1xf32>
          %squeeze3A_788 = vector.extract %slice3A_787[0] : f32 from vector<1xf32>
          %get3A_789 = arith.index_cast %rem3A_366 : i32 to index
          %get3A_790 = arith.index_cast %add3A_786 : i32 to index
          %get3A_791 = arith.constant 0 : index
          %get3A_792 = tpu.vector_load %arg13[%get3A_789, %get3A_790, %get3A_791] {strides = array<i32>} : memref<4x192x32xf32, #tpu.memory_space<vmem>>, vector<1x1x16xf32>,
          %get3A_793 = vector.shape_cast %get3A_792 : vector<1x1x16xf32> to vector<16xf32>
          %mul3A_794 = vector.broadcast %squeeze3A_788 : f32 to vector<16xf32>
          %mul3A_795 = arith.mulf %get3A_793, %mul3A_794 : vector<16xf32>
          %swap3A_796 = arith.index_cast %rem3A_366 : i32 to index
          %swap3A_797 = arith.index_cast %add3A_786 : i32 to index
          %swap3A_798 = arith.constant 0 : index
          %swap3A_799 = tpu.vector_load %arg13[%swap3A_796, %swap3A_797, %swap3A_798] {strides = array<i32>} : memref<4x192x32xf32, #tpu.memory_space<vmem>>, vector<1x1x16xf32>,
          %swap3A_800 = vector.shape_cast %swap3A_799 : vector<1x1x16xf32> to vector<16xf32>
          %swap3A_801 = vector.shape_cast %mul3A_795 : vector<16xf32> to vector<1x1x16xf32>
          tpu.vector_store %arg13[%swap3A_796, %swap3A_797, %swap3A_798], %swap3A_801 {strides = array<i32>} : memref<4x192x32xf32, #tpu.memory_space<vmem>>, vector<1x1x16xf32>,
          %get3A_802 = arith.index_cast %rem3A_366 : i32 to index
          %get3A_803 = arith.index_cast %add3A_786 : i32 to index
          %get3A_804 = arith.constant 16 : index
          %get3A_805 = tpu.vector_load %arg13[%get3A_802, %get3A_803, %get3A_804] {strides = array<i32>} : memref<4x192x32xf32, #tpu.memory_space<vmem>>, vector<1x1x16xf32>,
          %get3A_806 = vector.shape_cast %get3A_805 : vector<1x1x16xf32> to vector<16xf32>
          %mul3A_807 = vector.broadcast %squeeze3A_788 : f32 to vector<16xf32>
          %mul3A_808 = arith.mulf %get3A_806, %mul3A_807 : vector<16xf32>
          %swap3A_809 = arith.index_cast %rem3A_366 : i32 to index
          %swap3A_810 = arith.index_cast %add3A_786 : i32 to index
          %swap3A_811 = arith.constant 16 : index
          %swap3A_812 = tpu.vector_load %arg13[%swap3A_809, %swap3A_810, %swap3A_811] {strides = array<i32>} : memref<4x192x32xf32, #tpu.memory_space<vmem>>, vector<1x1x16xf32>,
          %swap3A_813 = vector.shape_cast %swap3A_812 : vector<1x1x16xf32> to vector<16xf32>
          %swap3A_814 = vector.shape_cast %mul3A_808 : vector<16xf32> to vector<1x1x16xf32>
          tpu.vector_store %arg13[%swap3A_809, %swap3A_810, %swap3A_811], %swap3A_814 {strides = array<i32>} : memref<4x192x32xf32, #tpu.memory_space<vmem>>, vector<1x1x16xf32>,
          %mul3A_815 = arith.constant 16 : i32
          %mul3A_816 = arith.muli %scan3A_428, %mul3A_815 : i32
          %add3A_817 = arith.constant 12 : i32
          %add3A_818 = arith.addi %mul3A_816, %add3A_817 : i32
          %slice3A_819 = vector.extract_strided_slice %get3A_433 {offsets = [12], sizes = [1], strides = [1]} : vector<16xf32> to vector<1xf32>
          %squeeze3A_820 = vector.extract %slice3A_819[0] : f32 from vector<1xf32>
          %get3A_821 = arith.index_cast %rem3A_366 : i32 to index
          %get3A_822 = arith.index_cast %add3A_818 : i32 to index
          %get3A_823 = arith.constant 0 : index
          %get3A_824 = tpu.vector_load %arg13[%get3A_821, %get3A_822, %get3A_823] {strides = array<i32>} : memref<4x192x32xf32, #tpu.memory_space<vmem>>, vector<1x1x16xf32>,
          %get3A_825 = vector.shape_cast %get3A_824 : vector<1x1x16xf32> to vector<16xf32>
          %mul3A_826 = vector.broadcast %squeeze3A_820 : f32 to vector<16xf32>
          %mul3A_827 = arith.mulf %get3A_825, %mul3A_826 : vector<16xf32>
          %swap3A_828 = arith.index_cast %rem3A_366 : i32 to index
          %swap3A_829 = arith.index_cast %add3A_818 : i32 to index
          %swap3A_830 = arith.constant 0 : index
          %swap3A_831 = tpu.vector_load %arg13[%swap3A_828, %swap3A_829, %swap3A_830] {strides = array<i32>} : memref<4x192x32xf32, #tpu.memory_space<vmem>>, vector<1x1x16xf32>,
          %swap3A_832 = vector.shape_cast %swap3A_831 : vector<1x1x16xf32> to vector<16xf32>
          %swap3A_833 = vector.shape_cast %mul3A_827 : vector<16xf32> to vector<1x1x16xf32>
          tpu.vector_store %arg13[%swap3A_828, %swap3A_829, %swap3A_830], %swap3A_833 {strides = array<i32>} : memref<4x192x32xf32, #tpu.memory_space<vmem>>, vector<1x1x16xf32>,
          %get3A_834 = arith.index_cast %rem3A_366 : i32 to index
          %get3A_835 = arith.index_cast %add3A_818 : i32 to index
          %get3A_836 = arith.constant 16 : index
          %get3A_837 = tpu.vector_load %arg13[%get3A_834, %get3A_835, %get3A_836] {strides = array<i32>} : memref<4x192x32xf32, #tpu.memory_space<vmem>>, vector<1x1x16xf32>,
          %get3A_838 = vector.shape_cast %get3A_837 : vector<1x1x16xf32> to vector<16xf32>
          %mul3A_839 = vector.broadcast %squeeze3A_820 : f32 to vector<16xf32>
          %mul3A_840 = arith.mulf %get3A_838, %mul3A_839 : vector<16xf32>
          %swap3A_841 = arith.index_cast %rem3A_366 : i32 to index
          %swap3A_842 = arith.index_cast %add3A_818 : i32 to index
          %swap3A_843 = arith.constant 16 : index
          %swap3A_844 = tpu.vector_load %arg13[%swap3A_841, %swap3A_842, %swap3A_843] {strides = array<i32>} : memref<4x192x32xf32, #tpu.memory_space<vmem>>, vector<1x1x16xf32>,
          %swap3A_845 = vector.shape_cast %swap3A_844 : vector<1x1x16xf32> to vector<16xf32>
          %swap3A_846 = vector.shape_cast %mul3A_840 : vector<16xf32> to vector<1x1x16xf32>
          tpu.vector_store %arg13[%swap3A_841, %swap3A_842, %swap3A_843], %swap3A_846 {strides = array<i32>} : memref<4x192x32xf32, #tpu.memory_space<vmem>>, vector<1x1x16xf32>,
          %mul3A_847 = arith.constant 16 : i32
          %mul3A_848 = arith.muli %scan3A_428, %mul3A_847 : i32
          %add3A_849 = arith.constant 13 : i32
          %add3A_850 = arith.addi %mul3A_848, %add3A_849 : i32
          %slice3A_851 = vector.extract_strided_slice %get3A_433 {offsets = [13], sizes = [1], strides = [1]} : vector<16xf32> to vector<1xf32>
          %squeeze3A_852 = vector.extract %slice3A_851[0] : f32 from vector<1xf32>
          %get3A_853 = arith.index_cast %rem3A_366 : i32 to index
          %get3A_854 = arith.index_cast %add3A_850 : i32 to index
          %get3A_855 = arith.constant 0 : index
          %get3A_856 = tpu.vector_load %arg13[%get3A_853, %get3A_854, %get3A_855] {strides = array<i32>} : memref<4x192x32xf32, #tpu.memory_space<vmem>>, vector<1x1x16xf32>,
          %get3A_857 = vector.shape_cast %get3A_856 : vector<1x1x16xf32> to vector<16xf32>
          %mul3A_858 = vector.broadcast %squeeze3A_852 : f32 to vector<16xf32>
          %mul3A_859 = arith.mulf %get3A_857, %mul3A_858 : vector<16xf32>
          %swap3A_860 = arith.index_cast %rem3A_366 : i32 to index
          %swap3A_861 = arith.index_cast %add3A_850 : i32 to index
          %swap3A_862 = arith.constant 0 : index
          %swap3A_863 = tpu.vector_load %arg13[%swap3A_860, %swap3A_861, %swap3A_862] {strides = array<i32>} : memref<4x192x32xf32, #tpu.memory_space<vmem>>, vector<1x1x16xf32>,
          %swap3A_864 = vector.shape_cast %swap3A_863 : vector<1x1x16xf32> to vector<16xf32>
          %swap3A_865 = vector.shape_cast %mul3A_859 : vector<16xf32> to vector<1x1x16xf32>
          tpu.vector_store %arg13[%swap3A_860, %swap3A_861, %swap3A_862], %swap3A_865 {strides = array<i32>} : memref<4x192x32xf32, #tpu.memory_space<vmem>>, vector<1x1x16xf32>,
          %get3A_866 = arith.index_cast %rem3A_366 : i32 to index
          %get3A_867 = arith.index_cast %add3A_850 : i32 to index
          %get3A_868 = arith.constant 16 : index
          %get3A_869 = tpu.vector_load %arg13[%get3A_866, %get3A_867, %get3A_868] {strides = array<i32>} : memref<4x192x32xf32, #tpu.memory_space<vmem>>, vector<1x1x16xf32>,
          %get3A_870 = vector.shape_cast %get3A_869 : vector<1x1x16xf32> to vector<16xf32>
          %mul3A_871 = vector.broadcast %squeeze3A_852 : f32 to vector<16xf32>
          %mul3A_872 = arith.mulf %get3A_870, %mul3A_871 : vector<16xf32>
          %swap3A_873 = arith.index_cast %rem3A_366 : i32 to index
          %swap3A_874 = arith.index_cast %add3A_850 : i32 to index
          %swap3A_875 = arith.constant 16 : index
          %swap3A_876 = tpu.vector_load %arg13[%swap3A_873, %swap3A_874, %swap3A_875] {strides = array<i32>} : memref<4x192x32xf32, #tpu.memory_space<vmem>>, vector<1x1x16xf32>,
          %swap3A_877 = vector.shape_cast %swap3A_876 : vector<1x1x16xf32> to vector<16xf32>
          %swap3A_878 = vector.shape_cast %mul3A_872 : vector<16xf32> to vector<1x1x16xf32>
          tpu.vector_store %arg13[%swap3A_873, %swap3A_874, %swap3A_875], %swap3A_878 {strides = array<i32>} : memref<4x192x32xf32, #tpu.memory_space<vmem>>, vector<1x1x16xf32>,
          %mul3A_879 = arith.constant 16 : i32
          %mul3A_880 = arith.muli %scan3A_428, %mul3A_879 : i32
          %add3A_881 = arith.constant 14 : i32
          %add3A_882 = arith.addi %mul3A_880, %add3A_881 : i32
          %slice3A_883 = vector.extract_strided_slice %get3A_433 {offsets = [14], sizes = [1], strides = [1]} : vector<16xf32> to vector<1xf32>
          %squeeze3A_884 = vector.extract %slice3A_883[0] : f32 from vector<1xf32>
          %get3A_885 = arith.index_cast %rem3A_366 : i32 to index
          %get3A_886 = arith.index_cast %add3A_882 : i32 to index
          %get3A_887 = arith.constant 0 : index
          %get3A_888 = tpu.vector_load %arg13[%get3A_885, %get3A_886, %get3A_887] {strides = array<i32>} : memref<4x192x32xf32, #tpu.memory_space<vmem>>, vector<1x1x16xf32>,
          %get3A_889 = vector.shape_cast %get3A_888 : vector<1x1x16xf32> to vector<16xf32>
          %mul3A_890 = vector.broadcast %squeeze3A_884 : f32 to vector<16xf32>
          %mul3A_891 = arith.mulf %get3A_889, %mul3A_890 : vector<16xf32>
          %swap3A_892 = arith.index_cast %rem3A_366 : i32 to index
          %swap3A_893 = arith.index_cast %add3A_882 : i32 to index
          %swap3A_894 = arith.constant 0 : index
          %swap3A_895 = tpu.vector_load %arg13[%swap3A_892, %swap3A_893, %swap3A_894] {strides = array<i32>} : memref<4x192x32xf32, #tpu.memory_space<vmem>>, vector<1x1x16xf32>,
          %swap3A_896 = vector.shape_cast %swap3A_895 : vector<1x1x16xf32> to vector<16xf32>
          %swap3A_897 = vector.shape_cast %mul3A_891 : vector<16xf32> to vector<1x1x16xf32>
          tpu.vector_store %arg13[%swap3A_892, %swap3A_893, %swap3A_894], %swap3A_897 {strides = array<i32>} : memref<4x192x32xf32, #tpu.memory_space<vmem>>, vector<1x1x16xf32>,
          %get3A_898 = arith.index_cast %rem3A_366 : i32 to index
          %get3A_899 = arith.index_cast %add3A_882 : i32 to index
          %get3A_900 = arith.constant 16 : index
          %get3A_901 = tpu.vector_load %arg13[%get3A_898, %get3A_899, %get3A_900] {strides = array<i32>} : memref<4x192x32xf32, #tpu.memory_space<vmem>>, vector<1x1x16xf32>,
          %get3A_902 = vector.shape_cast %get3A_901 : vector<1x1x16xf32> to vector<16xf32>
          %mul3A_903 = vector.broadcast %squeeze3A_884 : f32 to vector<16xf32>
          %mul3A_904 = arith.mulf %get3A_902, %mul3A_903 : vector<16xf32>
          %swap3A_905 = arith.index_cast %rem3A_366 : i32 to index
          %swap3A_906 = arith.index_cast %add3A_882 : i32 to index
          %swap3A_907 = arith.constant 16 : index
          %swap3A_908 = tpu.vector_load %arg13[%swap3A_905, %swap3A_906, %swap3A_907] {strides = array<i32>} : memref<4x192x32xf32, #tpu.memory_space<vmem>>, vector<1x1x16xf32>,
          %swap3A_909 = vector.shape_cast %swap3A_908 : vector<1x1x16xf32> to vector<16xf32>
          %swap3A_910 = vector.shape_cast %mul3A_904 : vector<16xf32> to vector<1x1x16xf32>
          tpu.vector_store %arg13[%swap3A_905, %swap3A_906, %swap3A_907], %swap3A_910 {strides = array<i32>} : memref<4x192x32xf32, #tpu.memory_space<vmem>>, vector<1x1x16xf32>,
          %mul3A_911 = arith.constant 16 : i32
          %mul3A_912 = arith.muli %scan3A_428, %mul3A_911 : i32
          %add3A_913 = arith.constant 15 : i32
          %add3A_914 = arith.addi %mul3A_912, %add3A_913 : i32
          %slice3A_915 = vector.extract_strided_slice %get3A_433 {offsets = [15], sizes = [1], strides = [1]} : vector<16xf32> to vector<1xf32>
          %squeeze3A_916 = vector.extract %slice3A_915[0] : f32 from vector<1xf32>
          %get3A_917 = arith.index_cast %rem3A_366 : i32 to index
          %get3A_918 = arith.index_cast %add3A_914 : i32 to index
          %get3A_919 = arith.constant 0 : index
          %get3A_920 = tpu.vector_load %arg13[%get3A_917, %get3A_918, %get3A_919] {strides = array<i32>} : memref<4x192x32xf32, #tpu.memory_space<vmem>>, vector<1x1x16xf32>,
          %get3A_921 = vector.shape_cast %get3A_920 : vector<1x1x16xf32> to vector<16xf32>
          %mul3A_922 = vector.broadcast %squeeze3A_916 : f32 to vector<16xf32>
          %mul3A_923 = arith.mulf %get3A_921, %mul3A_922 : vector<16xf32>
          %swap3A_924 = arith.index_cast %rem3A_366 : i32 to index
          %swap3A_925 = arith.index_cast %add3A_914 : i32 to index
          %swap3A_926 = arith.constant 0 : index
          %swap3A_927 = tpu.vector_load %arg13[%swap3A_924, %swap3A_925, %swap3A_926] {strides = array<i32>} : memref<4x192x32xf32, #tpu.memory_space<vmem>>, vector<1x1x16xf32>,
          %swap3A_928 = vector.shape_cast %swap3A_927 : vector<1x1x16xf32> to vector<16xf32>
          %swap3A_929 = vector.shape_cast %mul3A_923 : vector<16xf32> to vector<1x1x16xf32>
          tpu.vector_store %arg13[%swap3A_924, %swap3A_925, %swap3A_926], %swap3A_929 {strides = array<i32>} : memref<4x192x32xf32, #tpu.memory_space<vmem>>, vector<1x1x16xf32>,
          %get3A_930 = arith.index_cast %rem3A_366 : i32 to index
          %get3A_931 = arith.index_cast %add3A_914 : i32 to index
          %get3A_932 = arith.constant 16 : index
          %get3A_933 = tpu.vector_load %arg13[%get3A_930, %get3A_931, %get3A_932] {strides = array<i32>} : memref<4x192x32xf32, #tpu.memory_space<vmem>>, vector<1x1x16xf32>,
          %get3A_934 = vector.shape_cast %get3A_933 : vector<1x1x16xf32> to vector<16xf32>
          %mul3A_935 = vector.broadcast %squeeze3A_916 : f32 to vector<16xf32>
          %mul3A_936 = arith.mulf %get3A_934, %mul3A_935 : vector<16xf32>
          %swap3A_937 = arith.index_cast %rem3A_366 : i32 to index
          %swap3A_938 = arith.index_cast %add3A_914 : i32 to index
          %swap3A_939 = arith.constant 16 : index
          %swap3A_940 = tpu.vector_load %arg13[%swap3A_937, %swap3A_938, %swap3A_939] {strides = array<i32>} : memref<4x192x32xf32, #tpu.memory_space<vmem>>, vector<1x1x16xf32>,
          %swap3A_941 = vector.shape_cast %swap3A_940 : vector<1x1x16xf32> to vector<16xf32>
          %swap3A_942 = vector.shape_cast %mul3A_936 : vector<16xf32> to vector<1x1x16xf32>
          tpu.vector_store %arg13[%swap3A_937, %swap3A_938, %swap3A_939], %swap3A_942 {strides = array<i32>} : memref<4x192x32xf32, #tpu.memory_space<vmem>>, vector<1x1x16xf32>,
        }
        %scan3A_415 = arith.constant 12 : i32
        %dma_start3A_416 = arith.constant 0 : i32
        %dma_start3A_417 = arith.constant 0 : i32
        %dma_start3A_418 = tpu.memref_slice %arg13[%rem3A_366, %dma_start3A_416, %dma_start3A_417] : memref<4x192x32xf32, #tpu.memory_space<vmem>> -> memref<1x192x32xf32, #tpu.memory_space<vmem>>
        %dma_start3A_419 = tpu.memref_squeeze %dma_start3A_418 : memref<1x192x32xf32, #tpu.memory_space<vmem>> -> memref<192x32xf32, #tpu.memory_space<vmem>>
        %dma_start3A_420 = arith.constant 0 : i32
        %dma_start3A_421 = tpu.memref_slice %arg11[%rem3A_368, %dma_start3A_420] : memref<6x192xi32, #tpu.memory_space<vmem>> -> memref<1x192xi32, #tpu.memory_space<vmem>>
        %dma_start3A_422 = tpu.memref_squeeze %dma_start3A_421 : memref<1x192xi32, #tpu.memory_space<vmem>> -> memref<192xi32, #tpu.memory_space<vmem>>
        %dma_start3A_423 = arith.constant 0 : i32
        %dma_start3A_424 = arith.constant 0 : i32
        %dma_start3A_425 = tpu.memref_slice %arg17[%dma_start3A_423, %dma_start3A_424] : memref<50048x32xf32, #tpu.memory_space<vmem_shared>> -> memref<50048x32xf32, #tpu.memory_space<vmem_shared>>
        %dma_start3A_426 = tpu.memref_slice %arg15[%rem3A_366] : memref<4x!tpu.dma_semaphore, #tpu.memory_space<semaphore_mem>> -> memref<1x!tpu.dma_semaphore, #tpu.memory_space<semaphore_mem>>
        %dma_start3A_427 = tpu.memref_squeeze %dma_start3A_426 : memref<1x!tpu.dma_semaphore, #tpu.memory_space<semaphore_mem>> -> memref<!tpu.dma_semaphore, #tpu.memory_space<semaphore_mem>>
        tpu.enqueue_indirect_dma source(%dma_start3A_419 : memref<192x32xf32, #tpu.memory_space<vmem>>) target(%dma_start3A_425 : memref<50048x32xf32, #tpu.memory_space<vmem_shared>>) offsets(%dma_start3A_422 : memref<192xi32, #tpu.memory_space<vmem>>) semaphore(%dma_start3A_427 : memref<!tpu.dma_semaphore, #tpu.memory_space<semaphore_mem>>) {add = true}
      }
      %scan3A_304 = arith.constant 264 : i32
      %dma_wait3A_305 = arith.constant 0 : i32
      %dma_wait3A_306 = arith.constant 2 : i32
      %dma_wait3A_307 = arith.constant 0 : i32
      %dma_wait3A_308 = arith.constant 0 : i32
      %dma_wait3A_309 = arith.constant 0 : i32
      %dma_wait3A_310 = tpu.memref_slice %arg13[%dma_wait3A_305, %dma_wait3A_308, %dma_wait3A_309] : memref<4x192x32xf32, #tpu.memory_space<vmem>> -> memref<1x192x32xf32, #tpu.memory_space<vmem>>
      %dma_wait3A_311 = tpu.memref_squeeze %dma_wait3A_310 : memref<1x192x32xf32, #tpu.memory_space<vmem>> -> memref<192x32xf32, #tpu.memory_space<vmem>>
      %dma_wait3A_312 = arith.constant 0 : i32
      %dma_wait3A_313 = tpu.memref_slice %arg11[%dma_wait3A_306, %dma_wait3A_312] : memref<6x192xi32, #tpu.memory_space<vmem>> -> memref<1x192xi32, #tpu.memory_space<vmem>>
      %dma_wait3A_314 = tpu.memref_squeeze %dma_wait3A_313 : memref<1x192xi32, #tpu.memory_space<vmem>> -> memref<192xi32, #tpu.memory_space<vmem>>
      %dma_wait3A_315 = arith.constant 0 : i32
      %dma_wait3A_316 = arith.constant 0 : i32
      %dma_wait3A_317 = tpu.memref_slice %arg17[%dma_wait3A_315, %dma_wait3A_316] : memref<50048x32xf32, #tpu.memory_space<vmem_shared>> -> memref<50048x32xf32, #tpu.memory_space<vmem_shared>>
      %dma_wait3A_318 = tpu.memref_slice %arg15[%dma_wait3A_307] : memref<4x!tpu.dma_semaphore, #tpu.memory_space<semaphore_mem>> -> memref<1x!tpu.dma_semaphore, #tpu.memory_space<semaphore_mem>>
      %dma_wait3A_319 = tpu.memref_squeeze %dma_wait3A_318 : memref<1x!tpu.dma_semaphore, #tpu.memory_space<semaphore_mem>> -> memref<!tpu.dma_semaphore, #tpu.memory_space<semaphore_mem>>
      tpu.wait_indirect_dma semaphore(%dma_wait3A_319 : memref<!tpu.dma_semaphore, #tpu.memory_space<semaphore_mem>>) src(%dma_wait3A_311 : memref<192x32xf32, #tpu.memory_space<vmem>>) dst(%dma_wait3A_317 : memref<50048x32xf32, #tpu.memory_space<vmem_shared>>)
      %dma_wait3A_320 = arith.constant 1 : i32
      %dma_wait3A_321 = arith.constant 3 : i32
      %dma_wait3A_322 = arith.constant 1 : i32
      %dma_wait3A_323 = arith.constant 0 : i32
      %dma_wait3A_324 = arith.constant 0 : i32
      %dma_wait3A_325 = tpu.memref_slice %arg13[%dma_wait3A_320, %dma_wait3A_323, %dma_wait3A_324] : memref<4x192x32xf32, #tpu.memory_space<vmem>> -> memref<1x192x32xf32, #tpu.memory_space<vmem>>
      %dma_wait3A_326 = tpu.memref_squeeze %dma_wait3A_325 : memref<1x192x32xf32, #tpu.memory_space<vmem>> -> memref<192x32xf32, #tpu.memory_space<vmem>>
      %dma_wait3A_327 = arith.constant 0 : i32
      %dma_wait3A_328 = tpu.memref_slice %arg11[%dma_wait3A_321, %dma_wait3A_327] : memref<6x192xi32, #tpu.memory_space<vmem>> -> memref<1x192xi32, #tpu.memory_space<vmem>>
      %dma_wait3A_329 = tpu.memref_squeeze %dma_wait3A_328 : memref<1x192xi32, #tpu.memory_space<vmem>> -> memref<192xi32, #tpu.memory_space<vmem>>
      %dma_wait3A_330 = arith.constant 0 : i32
      %dma_wait3A_331 = arith.constant 0 : i32
      %dma_wait3A_332 = tpu.memref_slice %arg17[%dma_wait3A_330, %dma_wait3A_331] : memref<50048x32xf32, #tpu.memory_space<vmem_shared>> -> memref<50048x32xf32, #tpu.memory_space<vmem_shared>>
      %dma_wait3A_333 = tpu.memref_slice %arg15[%dma_wait3A_322] : memref<4x!tpu.dma_semaphore, #tpu.memory_space<semaphore_mem>> -> memref<1x!tpu.dma_semaphore, #tpu.memory_space<semaphore_mem>>
      %dma_wait3A_334 = tpu.memref_squeeze %dma_wait3A_333 : memref<1x!tpu.dma_semaphore, #tpu.memory_space<semaphore_mem>> -> memref<!tpu.dma_semaphore, #tpu.memory_space<semaphore_mem>>
      tpu.wait_indirect_dma semaphore(%dma_wait3A_334 : memref<!tpu.dma_semaphore, #tpu.memory_space<semaphore_mem>>) src(%dma_wait3A_326 : memref<192x32xf32, #tpu.memory_space<vmem>>) dst(%dma_wait3A_332 : memref<50048x32xf32, #tpu.memory_space<vmem_shared>>)
      %dma_wait3A_335 = arith.constant 2 : i32
      %dma_wait3A_336 = arith.constant 4 : i32
      %dma_wait3A_337 = arith.constant 2 : i32
      %dma_wait3A_338 = arith.constant 0 : i32
      %dma_wait3A_339 = arith.constant 0 : i32
      %dma_wait3A_340 = tpu.memref_slice %arg13[%dma_wait3A_335, %dma_wait3A_338, %dma_wait3A_339] : memref<4x192x32xf32, #tpu.memory_space<vmem>> -> memref<1x192x32xf32, #tpu.memory_space<vmem>>
      %dma_wait3A_341 = tpu.memref_squeeze %dma_wait3A_340 : memref<1x192x32xf32, #tpu.memory_space<vmem>> -> memref<192x32xf32, #tpu.memory_space<vmem>>
      %dma_wait3A_342 = arith.constant 0 : i32
      %dma_wait3A_343 = tpu.memref_slice %arg11[%dma_wait3A_336, %dma_wait3A_342] : memref<6x192xi32, #tpu.memory_space<vmem>> -> memref<1x192xi32, #tpu.memory_space<vmem>>
      %dma_wait3A_344 = tpu.memref_squeeze %dma_wait3A_343 : memref<1x192xi32, #tpu.memory_space<vmem>> -> memref<192xi32, #tpu.memory_space<vmem>>
      %dma_wait3A_345 = arith.constant 0 : i32
      %dma_wait3A_346 = arith.constant 0 : i32
      %dma_wait3A_347 = tpu.memref_slice %arg17[%dma_wait3A_345, %dma_wait3A_346] : memref<50048x32xf32, #tpu.memory_space<vmem_shared>> -> memref<50048x32xf32, #tpu.memory_space<vmem_shared>>
      %dma_wait3A_348 = tpu.memref_slice %arg15[%dma_wait3A_337] : memref<4x!tpu.dma_semaphore, #tpu.memory_space<semaphore_mem>> -> memref<1x!tpu.dma_semaphore, #tpu.memory_space<semaphore_mem>>
      %dma_wait3A_349 = tpu.memref_squeeze %dma_wait3A_348 : memref<1x!tpu.dma_semaphore, #tpu.memory_space<semaphore_mem>> -> memref<!tpu.dma_semaphore, #tpu.memory_space<semaphore_mem>>
      tpu.wait_indirect_dma semaphore(%dma_wait3A_349 : memref<!tpu.dma_semaphore, #tpu.memory_space<semaphore_mem>>) src(%dma_wait3A_341 : memref<192x32xf32, #tpu.memory_space<vmem>>) dst(%dma_wait3A_347 : memref<50048x32xf32, #tpu.memory_space<vmem_shared>>)
      %dma_wait3A_350 = arith.constant 3 : i32
      %dma_wait3A_351 = arith.constant 5 : i32
      %dma_wait3A_352 = arith.constant 3 : i32
      %dma_wait3A_353 = arith.constant 0 : i32
      %dma_wait3A_354 = arith.constant 0 : i32
      %dma_wait3A_355 = tpu.memref_slice %arg13[%dma_wait3A_350, %dma_wait3A_353, %dma_wait3A_354] : memref<4x192x32xf32, #tpu.memory_space<vmem>> -> memref<1x192x32xf32, #tpu.memory_space<vmem>>
      %dma_wait3A_356 = tpu.memref_squeeze %dma_wait3A_355 : memref<1x192x32xf32, #tpu.memory_space<vmem>> -> memref<192x32xf32, #tpu.memory_space<vmem>>
      %dma_wait3A_357 = arith.constant 0 : i32
      %dma_wait3A_358 = tpu.memref_slice %arg11[%dma_wait3A_351, %dma_wait3A_357] : memref<6x192xi32, #tpu.memory_space<vmem>> -> memref<1x192xi32, #tpu.memory_space<vmem>>
      %dma_wait3A_359 = tpu.memref_squeeze %dma_wait3A_358 : memref<1x192xi32, #tpu.memory_space<vmem>> -> memref<192xi32, #tpu.memory_space<vmem>>
      %dma_wait3A_360 = arith.constant 0 : i32
      %dma_wait3A_361 = arith.constant 0 : i32
      %dma_wait3A_362 = tpu.memref_slice %arg17[%dma_wait3A_360, %dma_wait3A_361] : memref<50048x32xf32, #tpu.memory_space<vmem_shared>> -> memref<50048x32xf32, #tpu.memory_space<vmem_shared>>
      %dma_wait3A_363 = tpu.memref_slice %arg15[%dma_wait3A_352] : memref<4x!tpu.dma_semaphore, #tpu.memory_space<semaphore_mem>> -> memref<1x!tpu.dma_semaphore, #tpu.memory_space<semaphore_mem>>
      %dma_wait3A_364 = tpu.memref_squeeze %dma_wait3A_363 : memref<1x!tpu.dma_semaphore, #tpu.memory_space<semaphore_mem>> -> memref<!tpu.dma_semaphore, #tpu.memory_space<semaphore_mem>>
      tpu.wait_indirect_dma semaphore(%dma_wait3A_364 : memref<!tpu.dma_semaphore, #tpu.memory_space<semaphore_mem>>) src(%dma_wait3A_356 : memref<192x32xf32, #tpu.memory_space<vmem>>) dst(%dma_wait3A_362 : memref<50048x32xf32, #tpu.memory_space<vmem_shared>>)
    } else {
    }
    %eq3A_5 = arith.constant 1 : i32
    %eq3A_6 = arith.cmpi eq, %arg0, %eq3A_5 : i32
    %convert_element_type3A_7 = arith.extui %eq3A_6 : i1 to i32
    %cond3A_8 = arith.constant 0 : i32
    %cond3A_9 = arith.cmpi ne, %convert_element_type3A_7, %cond3A_8 : i32
    scf.if %cond3A_9 {
      %mul3A_21 = arith.constant 264 : i32
      %mul3A_22 = arith.muli %arg1, %mul3A_21 : i32
      %add3A = arith.constant 0 : i32
      %add3A_23 = arith.addi %mul3A_22, %add3A : i32
      %mul3A_24 = arith.constant 192 : i32
      %mul3A_25 = arith.muli %add3A_23, %mul3A_24 : i32
      %dma_start3A = arith.constant 0 : i32
      %dma_start3A_26 = arith.constant 0 : i32
      %dma_start3A_27 = arith.constant 0 : i32
      %dma_start3A_28 = tpu.memref_slice %arg10[%dma_start3A, %dma_start3A_27] : memref<6x192xi32, #tpu.memory_space<vmem>> -> memref<1x192xi32, #tpu.memory_space<vmem>>
      %dma_start3A_29 = tpu.memref_squeeze %dma_start3A_28 : memref<1x192xi32, #tpu.memory_space<vmem>> -> memref<192xi32, #tpu.memory_space<vmem>>
      %dma_start3A_30 = tpu.memref_slice %arg2[%mul3A_25] : memref<811008xi32, #tpu.memory_space<hbm>> -> memref<192xi32, #tpu.memory_space<hbm>>
      %dma_start3A_31 = tpu.memref_slice %arg16[%dma_start3A_26] : memref<6x!tpu.dma_semaphore, #tpu.memory_space<semaphore_mem>> -> memref<1x!tpu.dma_semaphore, #tpu.memory_space<semaphore_mem>>
      %dma_start3A_32 = tpu.memref_squeeze %dma_start3A_31 : memref<1x!tpu.dma_semaphore, #tpu.memory_space<semaphore_mem>> -> memref<!tpu.dma_semaphore, #tpu.memory_space<semaphore_mem>>
      %dma_start3A_33 = arith.constant 0 : i32
      %dma_start3A_34 = tpu.memref_slice %arg10[%dma_start3A, %dma_start3A_33] : memref<6x192xi32, #tpu.memory_space<vmem>> -> memref<1x192xi32, #tpu.memory_space<vmem>>
      %dma_start3A_35 = tpu.memref_squeeze %dma_start3A_34 : memref<1x192xi32, #tpu.memory_space<vmem>> -> memref<192xi32, #tpu.memory_space<vmem>>
      %dma_start3A_36 = tpu.memref_slice %arg2[%mul3A_25] : memref<811008xi32, #tpu.memory_space<hbm>> -> memref<192xi32, #tpu.memory_space<hbm>>
      tpu.enqueue_dma source(%dma_start3A_36 : memref<192xi32, #tpu.memory_space<hbm>>) target(%dma_start3A_35 : memref<192xi32, #tpu.memory_space<vmem>>) target_semaphore(%dma_start3A_32 : memref<!tpu.dma_semaphore, #tpu.memory_space<semaphore_mem>>)
      %dma_start3A_37 = arith.constant 0 : i32
      %dma_start3A_38 = arith.constant 0 : i32
      %dma_start3A_39 = arith.constant 0 : i32
      %dma_start3A_40 = tpu.memref_slice %arg11[%dma_start3A_37, %dma_start3A_39] : memref<6x192xi32, #tpu.memory_space<vmem>> -> memref<1x192xi32, #tpu.memory_space<vmem>>
      %dma_start3A_41 = tpu.memref_squeeze %dma_start3A_40 : memref<1x192xi32, #tpu.memory_space<vmem>> -> memref<192xi32, #tpu.memory_space<vmem>>
      %dma_start3A_42 = tpu.memref_slice %arg3[%mul3A_25] : memref<811008xi32, #tpu.memory_space<hbm>> -> memref<192xi32, #tpu.memory_space<hbm>>
      %dma_start3A_43 = tpu.memref_slice %arg16[%dma_start3A_38] : memref<6x!tpu.dma_semaphore, #tpu.memory_space<semaphore_mem>> -> memref<1x!tpu.dma_semaphore, #tpu.memory_space<semaphore_mem>>
      %dma_start3A_44 = tpu.memref_squeeze %dma_start3A_43 : memref<1x!tpu.dma_semaphore, #tpu.memory_space<semaphore_mem>> -> memref<!tpu.dma_semaphore, #tpu.memory_space<semaphore_mem>>
      %dma_start3A_45 = arith.constant 0 : i32
      %dma_start3A_46 = tpu.memref_slice %arg11[%dma_start3A_37, %dma_start3A_45] : memref<6x192xi32, #tpu.memory_space<vmem>> -> memref<1x192xi32, #tpu.memory_space<vmem>>
      %dma_start3A_47 = tpu.memref_squeeze %dma_start3A_46 : memref<1x192xi32, #tpu.memory_space<vmem>> -> memref<192xi32, #tpu.memory_space<vmem>>
      %dma_start3A_48 = tpu.memref_slice %arg3[%mul3A_25] : memref<811008xi32, #tpu.memory_space<hbm>> -> memref<192xi32, #tpu.memory_space<hbm>>
      tpu.enqueue_dma source(%dma_start3A_48 : memref<192xi32, #tpu.memory_space<hbm>>) target(%dma_start3A_47 : memref<192xi32, #tpu.memory_space<vmem>>) target_semaphore(%dma_start3A_44 : memref<!tpu.dma_semaphore, #tpu.memory_space<semaphore_mem>>)
      %dma_start3A_49 = arith.constant 0 : i32
      %dma_start3A_50 = arith.constant 0 : i32
      %dma_start3A_51 = arith.constant 0 : i32
      %dma_start3A_52 = tpu.memref_slice %arg12[%dma_start3A_49, %dma_start3A_51] : memref<6x192xf32, #tpu.memory_space<vmem>> -> memref<1x192xf32, #tpu.memory_space<vmem>>
      %dma_start3A_53 = tpu.memref_squeeze %dma_start3A_52 : memref<1x192xf32, #tpu.memory_space<vmem>> -> memref<192xf32, #tpu.memory_space<vmem>>
      %dma_start3A_54 = tpu.memref_slice %arg4[%mul3A_25] : memref<811008xf32, #tpu.memory_space<hbm>> -> memref<192xf32, #tpu.memory_space<hbm>>
      %dma_start3A_55 = tpu.memref_slice %arg16[%dma_start3A_50] : memref<6x!tpu.dma_semaphore, #tpu.memory_space<semaphore_mem>> -> memref<1x!tpu.dma_semaphore, #tpu.memory_space<semaphore_mem>>
      %dma_start3A_56 = tpu.memref_squeeze %dma_start3A_55 : memref<1x!tpu.dma_semaphore, #tpu.memory_space<semaphore_mem>> -> memref<!tpu.dma_semaphore, #tpu.memory_space<semaphore_mem>>
      %dma_start3A_57 = arith.constant 0 : i32
      %dma_start3A_58 = tpu.memref_slice %arg12[%dma_start3A_49, %dma_start3A_57] : memref<6x192xf32, #tpu.memory_space<vmem>> -> memref<1x192xf32, #tpu.memory_space<vmem>>
      %dma_start3A_59 = tpu.memref_squeeze %dma_start3A_58 : memref<1x192xf32, #tpu.memory_space<vmem>> -> memref<192xf32, #tpu.memory_space<vmem>>
      %dma_start3A_60 = tpu.memref_slice %arg4[%mul3A_25] : memref<811008xf32, #tpu.memory_space<hbm>> -> memref<192xf32, #tpu.memory_space<hbm>>
      tpu.enqueue_dma source(%dma_start3A_60 : memref<192xf32, #tpu.memory_space<hbm>>) target(%dma_start3A_59 : memref<192xf32, #tpu.memory_space<vmem>>) target_semaphore(%dma_start3A_56 : memref<!tpu.dma_semaphore, #tpu.memory_space<semaphore_mem>>)
      %mul3A_61 = arith.constant 264 : i32
      %mul3A_62 = arith.muli %arg1, %mul3A_61 : i32
      %add3A_63 = arith.constant 1 : i32
      %add3A_64 = arith.addi %mul3A_62, %add3A_63 : i32
      %mul3A_65 = arith.constant 192 : i32
      %mul3A_66 = arith.muli %add3A_64, %mul3A_65 : i32
      %dma_start3A_67 = arith.constant 1 : i32
      %dma_start3A_68 = arith.constant 1 : i32
      %dma_start3A_69 = arith.constant 0 : i32
      %dma_start3A_70 = tpu.memref_slice %arg10[%dma_start3A_67, %dma_start3A_69] : memref<6x192xi32, #tpu.memory_space<vmem>> -> memref<1x192xi32, #tpu.memory_space<vmem>>
      %dma_start3A_71 = tpu.memref_squeeze %dma_start3A_70 : memref<1x192xi32, #tpu.memory_space<vmem>> -> memref<192xi32, #tpu.memory_space<vmem>>
      %dma_start3A_72 = tpu.memref_slice %arg2[%mul3A_66] : memref<811008xi32, #tpu.memory_space<hbm>> -> memref<192xi32, #tpu.memory_space<hbm>>
      %dma_start3A_73 = tpu.memref_slice %arg16[%dma_start3A_68] : memref<6x!tpu.dma_semaphore, #tpu.memory_space<semaphore_mem>> -> memref<1x!tpu.dma_semaphore, #tpu.memory_space<semaphore_mem>>
      %dma_start3A_74 = tpu.memref_squeeze %dma_start3A_73 : memref<1x!tpu.dma_semaphore, #tpu.memory_space<semaphore_mem>> -> memref<!tpu.dma_semaphore, #tpu.memory_space<semaphore_mem>>
      %dma_start3A_75 = arith.constant 0 : i32
      %dma_start3A_76 = tpu.memref_slice %arg10[%dma_start3A_67, %dma_start3A_75] : memref<6x192xi32, #tpu.memory_space<vmem>> -> memref<1x192xi32, #tpu.memory_space<vmem>>
      %dma_start3A_77 = tpu.memref_squeeze %dma_start3A_76 : memref<1x192xi32, #tpu.memory_space<vmem>> -> memref<192xi32, #tpu.memory_space<vmem>>
      %dma_start3A_78 = tpu.memref_slice %arg2[%mul3A_66] : memref<811008xi32, #tpu.memory_space<hbm>> -> memref<192xi32, #tpu.memory_space<hbm>>
      tpu.enqueue_dma source(%dma_start3A_78 : memref<192xi32, #tpu.memory_space<hbm>>) target(%dma_start3A_77 : memref<192xi32, #tpu.memory_space<vmem>>) target_semaphore(%dma_start3A_74 : memref<!tpu.dma_semaphore, #tpu.memory_space<semaphore_mem>>)
      %dma_start3A_79 = arith.constant 1 : i32
      %dma_start3A_80 = arith.constant 1 : i32
      %dma_start3A_81 = arith.constant 0 : i32
      %dma_start3A_82 = tpu.memref_slice %arg11[%dma_start3A_79, %dma_start3A_81] : memref<6x192xi32, #tpu.memory_space<vmem>> -> memref<1x192xi32, #tpu.memory_space<vmem>>
      %dma_start3A_83 = tpu.memref_squeeze %dma_start3A_82 : memref<1x192xi32, #tpu.memory_space<vmem>> -> memref<192xi32, #tpu.memory_space<vmem>>
      %dma_start3A_84 = tpu.memref_slice %arg3[%mul3A_66] : memref<811008xi32, #tpu.memory_space<hbm>> -> memref<192xi32, #tpu.memory_space<hbm>>
      %dma_start3A_85 = tpu.memref_slice %arg16[%dma_start3A_80] : memref<6x!tpu.dma_semaphore, #tpu.memory_space<semaphore_mem>> -> memref<1x!tpu.dma_semaphore, #tpu.memory_space<semaphore_mem>>
      %dma_start3A_86 = tpu.memref_squeeze %dma_start3A_85 : memref<1x!tpu.dma_semaphore, #tpu.memory_space<semaphore_mem>> -> memref<!tpu.dma_semaphore, #tpu.memory_space<semaphore_mem>>
      %dma_start3A_87 = arith.constant 0 : i32
      %dma_start3A_88 = tpu.memref_slice %arg11[%dma_start3A_79, %dma_start3A_87] : memref<6x192xi32, #tpu.memory_space<vmem>> -> memref<1x192xi32, #tpu.memory_space<vmem>>
      %dma_start3A_89 = tpu.memref_squeeze %dma_start3A_88 : memref<1x192xi32, #tpu.memory_space<vmem>> -> memref<192xi32, #tpu.memory_space<vmem>>
      %dma_start3A_90 = tpu.memref_slice %arg3[%mul3A_66] : memref<811008xi32, #tpu.memory_space<hbm>> -> memref<192xi32, #tpu.memory_space<hbm>>
      tpu.enqueue_dma source(%dma_start3A_90 : memref<192xi32, #tpu.memory_space<hbm>>) target(%dma_start3A_89 : memref<192xi32, #tpu.memory_space<vmem>>) target_semaphore(%dma_start3A_86 : memref<!tpu.dma_semaphore, #tpu.memory_space<semaphore_mem>>)
      %dma_start3A_91 = arith.constant 1 : i32
      %dma_start3A_92 = arith.constant 1 : i32
      %dma_start3A_93 = arith.constant 0 : i32
      %dma_start3A_94 = tpu.memref_slice %arg12[%dma_start3A_91, %dma_start3A_93] : memref<6x192xf32, #tpu.memory_space<vmem>> -> memref<1x192xf32, #tpu.memory_space<vmem>>
      %dma_start3A_95 = tpu.memref_squeeze %dma_start3A_94 : memref<1x192xf32, #tpu.memory_space<vmem>> -> memref<192xf32, #tpu.memory_space<vmem>>
      %dma_start3A_96 = tpu.memref_slice %arg4[%mul3A_66] : memref<811008xf32, #tpu.memory_space<hbm>> -> memref<192xf32, #tpu.memory_space<hbm>>
      %dma_start3A_97 = tpu.memref_slice %arg16[%dma_start3A_92] : memref<6x!tpu.dma_semaphore, #tpu.memory_space<semaphore_mem>> -> memref<1x!tpu.dma_semaphore, #tpu.memory_space<semaphore_mem>>
      %dma_start3A_98 = tpu.memref_squeeze %dma_start3A_97 : memref<1x!tpu.dma_semaphore, #tpu.memory_space<semaphore_mem>> -> memref<!tpu.dma_semaphore, #tpu.memory_space<semaphore_mem>>
      %dma_start3A_99 = arith.constant 0 : i32
      %dma_start3A_100 = tpu.memref_slice %arg12[%dma_start3A_91, %dma_start3A_99] : memref<6x192xf32, #tpu.memory_space<vmem>> -> memref<1x192xf32, #tpu.memory_space<vmem>>
      %dma_start3A_101 = tpu.memref_squeeze %dma_start3A_100 : memref<1x192xf32, #tpu.memory_space<vmem>> -> memref<192xf32, #tpu.memory_space<vmem>>
      %dma_start3A_102 = tpu.memref_slice %arg4[%mul3A_66] : memref<811008xf32, #tpu.memory_space<hbm>> -> memref<192xf32, #tpu.memory_space<hbm>>
      tpu.enqueue_dma source(%dma_start3A_102 : memref<192xf32, #tpu.memory_space<hbm>>) target(%dma_start3A_101 : memref<192xf32, #tpu.memory_space<vmem>>) target_semaphore(%dma_start3A_98 : memref<!tpu.dma_semaphore, #tpu.memory_space<semaphore_mem>>)
      %mul3A_103 = arith.constant 264 : i32
      %mul3A_104 = arith.muli %arg1, %mul3A_103 : i32
      %add3A_105 = arith.constant 2 : i32
      %add3A_106 = arith.addi %mul3A_104, %add3A_105 : i32
      %mul3A_107 = arith.constant 192 : i32
      %mul3A_108 = arith.muli %add3A_106, %mul3A_107 : i32
      %dma_start3A_109 = arith.constant 2 : i32
      %dma_start3A_110 = arith.constant 2 : i32
      %dma_start3A_111 = arith.constant 0 : i32
      %dma_start3A_112 = tpu.memref_slice %arg10[%dma_start3A_109, %dma_start3A_111] : memref<6x192xi32, #tpu.memory_space<vmem>> -> memref<1x192xi32, #tpu.memory_space<vmem>>
      %dma_start3A_113 = tpu.memref_squeeze %dma_start3A_112 : memref<1x192xi32, #tpu.memory_space<vmem>> -> memref<192xi32, #tpu.memory_space<vmem>>
      %dma_start3A_114 = tpu.memref_slice %arg2[%mul3A_108] : memref<811008xi32, #tpu.memory_space<hbm>> -> memref<192xi32, #tpu.memory_space<hbm>>
      %dma_start3A_115 = tpu.memref_slice %arg16[%dma_start3A_110] : memref<6x!tpu.dma_semaphore, #tpu.memory_space<semaphore_mem>> -> memref<1x!tpu.dma_semaphore, #tpu.memory_space<semaphore_mem>>
      %dma_start3A_116 = tpu.memref_squeeze %dma_start3A_115 : memref<1x!tpu.dma_semaphore, #tpu.memory_space<semaphore_mem>> -> memref<!tpu.dma_semaphore, #tpu.memory_space<semaphore_mem>>
      %dma_start3A_117 = arith.constant 0 : i32
      %dma_start3A_118 = tpu.memref_slice %arg10[%dma_start3A_109, %dma_start3A_117] : memref<6x192xi32, #tpu.memory_space<vmem>> -> memref<1x192xi32, #tpu.memory_space<vmem>>
      %dma_start3A_119 = tpu.memref_squeeze %dma_start3A_118 : memref<1x192xi32, #tpu.memory_space<vmem>> -> memref<192xi32, #tpu.memory_space<vmem>>
      %dma_start3A_120 = tpu.memref_slice %arg2[%mul3A_108] : memref<811008xi32, #tpu.memory_space<hbm>> -> memref<192xi32, #tpu.memory_space<hbm>>
      tpu.enqueue_dma source(%dma_start3A_120 : memref<192xi32, #tpu.memory_space<hbm>>) target(%dma_start3A_119 : memref<192xi32, #tpu.memory_space<vmem>>) target_semaphore(%dma_start3A_116 : memref<!tpu.dma_semaphore, #tpu.memory_space<semaphore_mem>>)
      %dma_start3A_121 = arith.constant 2 : i32
      %dma_start3A_122 = arith.constant 2 : i32
      %dma_start3A_123 = arith.constant 0 : i32
      %dma_start3A_124 = tpu.memref_slice %arg11[%dma_start3A_121, %dma_start3A_123] : memref<6x192xi32, #tpu.memory_space<vmem>> -> memref<1x192xi32, #tpu.memory_space<vmem>>
      %dma_start3A_125 = tpu.memref_squeeze %dma_start3A_124 : memref<1x192xi32, #tpu.memory_space<vmem>> -> memref<192xi32, #tpu.memory_space<vmem>>
      %dma_start3A_126 = tpu.memref_slice %arg3[%mul3A_108] : memref<811008xi32, #tpu.memory_space<hbm>> -> memref<192xi32, #tpu.memory_space<hbm>>
      %dma_start3A_127 = tpu.memref_slice %arg16[%dma_start3A_122] : memref<6x!tpu.dma_semaphore, #tpu.memory_space<semaphore_mem>> -> memref<1x!tpu.dma_semaphore, #tpu.memory_space<semaphore_mem>>
      %dma_start3A_128 = tpu.memref_squeeze %dma_start3A_127 : memref<1x!tpu.dma_semaphore, #tpu.memory_space<semaphore_mem>> -> memref<!tpu.dma_semaphore, #tpu.memory_space<semaphore_mem>>
      %dma_start3A_129 = arith.constant 0 : i32
      %dma_start3A_130 = tpu.memref_slice %arg11[%dma_start3A_121, %dma_start3A_129] : memref<6x192xi32, #tpu.memory_space<vmem>> -> memref<1x192xi32, #tpu.memory_space<vmem>>
      %dma_start3A_131 = tpu.memref_squeeze %dma_start3A_130 : memref<1x192xi32, #tpu.memory_space<vmem>> -> memref<192xi32, #tpu.memory_space<vmem>>
      %dma_start3A_132 = tpu.memref_slice %arg3[%mul3A_108] : memref<811008xi32, #tpu.memory_space<hbm>> -> memref<192xi32, #tpu.memory_space<hbm>>
      tpu.enqueue_dma source(%dma_start3A_132 : memref<192xi32, #tpu.memory_space<hbm>>) target(%dma_start3A_131 : memref<192xi32, #tpu.memory_space<vmem>>) target_semaphore(%dma_start3A_128 : memref<!tpu.dma_semaphore, #tpu.memory_space<semaphore_mem>>)
      %dma_start3A_133 = arith.constant 2 : i32
      %dma_start3A_134 = arith.constant 2 : i32
      %dma_start3A_135 = arith.constant 0 : i32
      %dma_start3A_136 = tpu.memref_slice %arg12[%dma_start3A_133, %dma_start3A_135] : memref<6x192xf32, #tpu.memory_space<vmem>> -> memref<1x192xf32, #tpu.memory_space<vmem>>
      %dma_start3A_137 = tpu.memref_squeeze %dma_start3A_136 : memref<1x192xf32, #tpu.memory_space<vmem>> -> memref<192xf32, #tpu.memory_space<vmem>>
      %dma_start3A_138 = tpu.memref_slice %arg4[%mul3A_108] : memref<811008xf32, #tpu.memory_space<hbm>> -> memref<192xf32, #tpu.memory_space<hbm>>
      %dma_start3A_139 = tpu.memref_slice %arg16[%dma_start3A_134] : memref<6x!tpu.dma_semaphore, #tpu.memory_space<semaphore_mem>> -> memref<1x!tpu.dma_semaphore, #tpu.memory_space<semaphore_mem>>
      %dma_start3A_140 = tpu.memref_squeeze %dma_start3A_139 : memref<1x!tpu.dma_semaphore, #tpu.memory_space<semaphore_mem>> -> memref<!tpu.dma_semaphore, #tpu.memory_space<semaphore_mem>>
      %dma_start3A_141 = arith.constant 0 : i32
      %dma_start3A_142 = tpu.memref_slice %arg12[%dma_start3A_133, %dma_start3A_141] : memref<6x192xf32, #tpu.memory_space<vmem>> -> memref<1x192xf32, #tpu.memory_space<vmem>>
      %dma_start3A_143 = tpu.memref_squeeze %dma_start3A_142 : memref<1x192xf32, #tpu.memory_space<vmem>> -> memref<192xf32, #tpu.memory_space<vmem>>
      %dma_start3A_144 = tpu.memref_slice %arg4[%mul3A_108] : memref<811008xf32, #tpu.memory_space<hbm>> -> memref<192xf32, #tpu.memory_space<hbm>>
      tpu.enqueue_dma source(%dma_start3A_144 : memref<192xf32, #tpu.memory_space<hbm>>) target(%dma_start3A_143 : memref<192xf32, #tpu.memory_space<vmem>>) target_semaphore(%dma_start3A_140 : memref<!tpu.dma_semaphore, #tpu.memory_space<semaphore_mem>>)
      %mul3A_145 = arith.constant 264 : i32
      %mul3A_146 = arith.muli %arg1, %mul3A_145 : i32
      %add3A_147 = arith.constant 3 : i32
      %add3A_148 = arith.addi %mul3A_146, %add3A_147 : i32
      %mul3A_149 = arith.constant 192 : i32
      %mul3A_150 = arith.muli %add3A_148, %mul3A_149 : i32
      %dma_start3A_151 = arith.constant 3 : i32
      %dma_start3A_152 = arith.constant 3 : i32
      %dma_start3A_153 = arith.constant 0 : i32
      %dma_start3A_154 = tpu.memref_slice %arg10[%dma_start3A_151, %dma_start3A_153] : memref<6x192xi32, #tpu.memory_space<vmem>> -> memref<1x192xi32, #tpu.memory_space<vmem>>
      %dma_start3A_155 = tpu.memref_squeeze %dma_start3A_154 : memref<1x192xi32, #tpu.memory_space<vmem>> -> memref<192xi32, #tpu.memory_space<vmem>>
      %dma_start3A_156 = tpu.memref_slice %arg2[%mul3A_150] : memref<811008xi32, #tpu.memory_space<hbm>> -> memref<192xi32, #tpu.memory_space<hbm>>
      %dma_start3A_157 = tpu.memref_slice %arg16[%dma_start3A_152] : memref<6x!tpu.dma_semaphore, #tpu.memory_space<semaphore_mem>> -> memref<1x!tpu.dma_semaphore, #tpu.memory_space<semaphore_mem>>
      %dma_start3A_158 = tpu.memref_squeeze %dma_start3A_157 : memref<1x!tpu.dma_semaphore, #tpu.memory_space<semaphore_mem>> -> memref<!tpu.dma_semaphore, #tpu.memory_space<semaphore_mem>>
      %dma_start3A_159 = arith.constant 0 : i32
      %dma_start3A_160 = tpu.memref_slice %arg10[%dma_start3A_151, %dma_start3A_159] : memref<6x192xi32, #tpu.memory_space<vmem>> -> memref<1x192xi32, #tpu.memory_space<vmem>>
      %dma_start3A_161 = tpu.memref_squeeze %dma_start3A_160 : memref<1x192xi32, #tpu.memory_space<vmem>> -> memref<192xi32, #tpu.memory_space<vmem>>
      %dma_start3A_162 = tpu.memref_slice %arg2[%mul3A_150] : memref<811008xi32, #tpu.memory_space<hbm>> -> memref<192xi32, #tpu.memory_space<hbm>>
      tpu.enqueue_dma source(%dma_start3A_162 : memref<192xi32, #tpu.memory_space<hbm>>) target(%dma_start3A_161 : memref<192xi32, #tpu.memory_space<vmem>>) target_semaphore(%dma_start3A_158 : memref<!tpu.dma_semaphore, #tpu.memory_space<semaphore_mem>>)
      %dma_start3A_163 = arith.constant 3 : i32
      %dma_start3A_164 = arith.constant 3 : i32
      %dma_start3A_165 = arith.constant 0 : i32
      %dma_start3A_166 = tpu.memref_slice %arg11[%dma_start3A_163, %dma_start3A_165] : memref<6x192xi32, #tpu.memory_space<vmem>> -> memref<1x192xi32, #tpu.memory_space<vmem>>
      %dma_start3A_167 = tpu.memref_squeeze %dma_start3A_166 : memref<1x192xi32, #tpu.memory_space<vmem>> -> memref<192xi32, #tpu.memory_space<vmem>>
      %dma_start3A_168 = tpu.memref_slice %arg3[%mul3A_150] : memref<811008xi32, #tpu.memory_space<hbm>> -> memref<192xi32, #tpu.memory_space<hbm>>
      %dma_start3A_169 = tpu.memref_slice %arg16[%dma_start3A_164] : memref<6x!tpu.dma_semaphore, #tpu.memory_space<semaphore_mem>> -> memref<1x!tpu.dma_semaphore, #tpu.memory_space<semaphore_mem>>
      %dma_start3A_170 = tpu.memref_squeeze %dma_start3A_169 : memref<1x!tpu.dma_semaphore, #tpu.memory_space<semaphore_mem>> -> memref<!tpu.dma_semaphore, #tpu.memory_space<semaphore_mem>>
      %dma_start3A_171 = arith.constant 0 : i32
      %dma_start3A_172 = tpu.memref_slice %arg11[%dma_start3A_163, %dma_start3A_171] : memref<6x192xi32, #tpu.memory_space<vmem>> -> memref<1x192xi32, #tpu.memory_space<vmem>>
      %dma_start3A_173 = tpu.memref_squeeze %dma_start3A_172 : memref<1x192xi32, #tpu.memory_space<vmem>> -> memref<192xi32, #tpu.memory_space<vmem>>
      %dma_start3A_174 = tpu.memref_slice %arg3[%mul3A_150] : memref<811008xi32, #tpu.memory_space<hbm>> -> memref<192xi32, #tpu.memory_space<hbm>>
      tpu.enqueue_dma source(%dma_start3A_174 : memref<192xi32, #tpu.memory_space<hbm>>) target(%dma_start3A_173 : memref<192xi32, #tpu.memory_space<vmem>>) target_semaphore(%dma_start3A_170 : memref<!tpu.dma_semaphore, #tpu.memory_space<semaphore_mem>>)
      %dma_start3A_175 = arith.constant 3 : i32
      %dma_start3A_176 = arith.constant 3 : i32
      %dma_start3A_177 = arith.constant 0 : i32
      %dma_start3A_178 = tpu.memref_slice %arg12[%dma_start3A_175, %dma_start3A_177] : memref<6x192xf32, #tpu.memory_space<vmem>> -> memref<1x192xf32, #tpu.memory_space<vmem>>
      %dma_start3A_179 = tpu.memref_squeeze %dma_start3A_178 : memref<1x192xf32, #tpu.memory_space<vmem>> -> memref<192xf32, #tpu.memory_space<vmem>>
      %dma_start3A_180 = tpu.memref_slice %arg4[%mul3A_150] : memref<811008xf32, #tpu.memory_space<hbm>> -> memref<192xf32, #tpu.memory_space<hbm>>
      %dma_start3A_181 = tpu.memref_slice %arg16[%dma_start3A_176] : memref<6x!tpu.dma_semaphore, #tpu.memory_space<semaphore_mem>> -> memref<1x!tpu.dma_semaphore, #tpu.memory_space<semaphore_mem>>
      %dma_start3A_182 = tpu.memref_squeeze %dma_start3A_181 : memref<1x!tpu.dma_semaphore, #tpu.memory_space<semaphore_mem>> -> memref<!tpu.dma_semaphore, #tpu.memory_space<semaphore_mem>>
      %dma_start3A_183 = arith.constant 0 : i32
      %dma_start3A_184 = tpu.memref_slice %arg12[%dma_start3A_175, %dma_start3A_183] : memref<6x192xf32, #tpu.memory_space<vmem>> -> memref<1x192xf32, #tpu.memory_space<vmem>>
      %dma_start3A_185 = tpu.memref_squeeze %dma_start3A_184 : memref<1x192xf32, #tpu.memory_space<vmem>> -> memref<192xf32, #tpu.memory_space<vmem>>
      %dma_start3A_186 = tpu.memref_slice %arg4[%mul3A_150] : memref<811008xf32, #tpu.memory_space<hbm>> -> memref<192xf32, #tpu.memory_space<hbm>>
      tpu.enqueue_dma source(%dma_start3A_186 : memref<192xf32, #tpu.memory_space<hbm>>) target(%dma_start3A_185 : memref<192xf32, #tpu.memory_space<vmem>>) target_semaphore(%dma_start3A_182 : memref<!tpu.dma_semaphore, #tpu.memory_space<semaphore_mem>>)
      %mul3A_187 = arith.constant 264 : i32
      %mul3A_188 = arith.muli %arg1, %mul3A_187 : i32
      %add3A_189 = arith.constant 0 : i32
      %add3A_190 = arith.addi %mul3A_188, %add3A_189 : i32
      %mul3A_191 = arith.constant 192 : i32
      %mul3A_192 = arith.muli %add3A_190, %mul3A_191 : i32
      %dma_wait3A = arith.constant 0 : i32
      %dma_wait3A_193 = arith.constant 0 : i32
      %dma_wait3A_194 = arith.constant 0 : i32
      %dma_wait3A_195 = tpu.memref_slice %arg10[%dma_wait3A, %dma_wait3A_194] : memref<6x192xi32, #tpu.memory_space<vmem>> -> memref<1x192xi32, #tpu.memory_space<vmem>>
      %dma_wait3A_196 = tpu.memref_squeeze %dma_wait3A_195 : memref<1x192xi32, #tpu.memory_space<vmem>> -> memref<192xi32, #tpu.memory_space<vmem>>
      %dma_wait3A_197 = tpu.memref_slice %arg2[%mul3A_192] : memref<811008xi32, #tpu.memory_space<hbm>> -> memref<192xi32, #tpu.memory_space<hbm>>
      %dma_wait3A_198 = tpu.memref_slice %arg16[%dma_wait3A_193] : memref<6x!tpu.dma_semaphore, #tpu.memory_space<semaphore_mem>> -> memref<1x!tpu.dma_semaphore, #tpu.memory_space<semaphore_mem>>
      %dma_wait3A_199 = tpu.memref_squeeze %dma_wait3A_198 : memref<1x!tpu.dma_semaphore, #tpu.memory_space<semaphore_mem>> -> memref<!tpu.dma_semaphore, #tpu.memory_space<semaphore_mem>>
      %dma_wait3A_200 = arith.constant 0 : i32
      %dma_wait3A_201 = tpu.memref_slice %arg10[%dma_wait3A, %dma_wait3A_200] : memref<6x192xi32, #tpu.memory_space<vmem>> -> memref<1x192xi32, #tpu.memory_space<vmem>>
      %dma_wait3A_202 = tpu.memref_squeeze %dma_wait3A_201 : memref<1x192xi32, #tpu.memory_space<vmem>> -> memref<192xi32, #tpu.memory_space<vmem>>
      %dma_wait3A_203 = tpu.memref_slice %arg2[%mul3A_192] : memref<811008xi32, #tpu.memory_space<hbm>> -> memref<192xi32, #tpu.memory_space<hbm>>
      tpu.wait_dma2 semaphore(%dma_wait3A_199 : memref<!tpu.dma_semaphore, #tpu.memory_space<semaphore_mem>>) src(%dma_wait3A_203 : memref<192xi32, #tpu.memory_space<hbm>>) dst(%dma_wait3A_202 : memref<192xi32, #tpu.memory_space<vmem>>)
      %dma_wait3A_204 = arith.constant 0 : i32
      %dma_wait3A_205 = arith.constant 0 : i32
      %dma_wait3A_206 = arith.constant 0 : i32
      %dma_wait3A_207 = tpu.memref_slice %arg11[%dma_wait3A_204, %dma_wait3A_206] : memref<6x192xi32, #tpu.memory_space<vmem>> -> memref<1x192xi32, #tpu.memory_space<vmem>>
      %dma_wait3A_208 = tpu.memref_squeeze %dma_wait3A_207 : memref<1x192xi32, #tpu.memory_space<vmem>> -> memref<192xi32, #tpu.memory_space<vmem>>
      %dma_wait3A_209 = tpu.memref_slice %arg3[%mul3A_192] : memref<811008xi32, #tpu.memory_space<hbm>> -> memref<192xi32, #tpu.memory_space<hbm>>
      %dma_wait3A_210 = tpu.memref_slice %arg16[%dma_wait3A_205] : memref<6x!tpu.dma_semaphore, #tpu.memory_space<semaphore_mem>> -> memref<1x!tpu.dma_semaphore, #tpu.memory_space<semaphore_mem>>
      %dma_wait3A_211 = tpu.memref_squeeze %dma_wait3A_210 : memref<1x!tpu.dma_semaphore, #tpu.memory_space<semaphore_mem>> -> memref<!tpu.dma_semaphore, #tpu.memory_space<semaphore_mem>>
      %dma_wait3A_212 = arith.constant 0 : i32
      %dma_wait3A_213 = tpu.memref_slice %arg11[%dma_wait3A_204, %dma_wait3A_212] : memref<6x192xi32, #tpu.memory_space<vmem>> -> memref<1x192xi32, #tpu.memory_space<vmem>>
      %dma_wait3A_214 = tpu.memref_squeeze %dma_wait3A_213 : memref<1x192xi32, #tpu.memory_space<vmem>> -> memref<192xi32, #tpu.memory_space<vmem>>
      %dma_wait3A_215 = tpu.memref_slice %arg3[%mul3A_192] : memref<811008xi32, #tpu.memory_space<hbm>> -> memref<192xi32, #tpu.memory_space<hbm>>
      tpu.wait_dma2 semaphore(%dma_wait3A_211 : memref<!tpu.dma_semaphore, #tpu.memory_space<semaphore_mem>>) src(%dma_wait3A_215 : memref<192xi32, #tpu.memory_space<hbm>>) dst(%dma_wait3A_214 : memref<192xi32, #tpu.memory_space<vmem>>)
      %dma_wait3A_216 = arith.constant 0 : i32
      %dma_wait3A_217 = arith.constant 0 : i32
      %dma_wait3A_218 = arith.constant 0 : i32
      %dma_wait3A_219 = tpu.memref_slice %arg12[%dma_wait3A_216, %dma_wait3A_218] : memref<6x192xf32, #tpu.memory_space<vmem>> -> memref<1x192xf32, #tpu.memory_space<vmem>>
      %dma_wait3A_220 = tpu.memref_squeeze %dma_wait3A_219 : memref<1x192xf32, #tpu.memory_space<vmem>> -> memref<192xf32, #tpu.memory_space<vmem>>
      %dma_wait3A_221 = tpu.memref_slice %arg4[%mul3A_192] : memref<811008xf32, #tpu.memory_space<hbm>> -> memref<192xf32, #tpu.memory_space<hbm>>
      %dma_wait3A_222 = tpu.memref_slice %arg16[%dma_wait3A_217] : memref<6x!tpu.dma_semaphore, #tpu.memory_space<semaphore_mem>> -> memref<1x!tpu.dma_semaphore, #tpu.memory_space<semaphore_mem>>
      %dma_wait3A_223 = tpu.memref_squeeze %dma_wait3A_222 : memref<1x!tpu.dma_semaphore, #tpu.memory_space<semaphore_mem>> -> memref<!tpu.dma_semaphore, #tpu.memory_space<semaphore_mem>>
      %dma_wait3A_224 = arith.constant 0 : i32
      %dma_wait3A_225 = tpu.memref_slice %arg12[%dma_wait3A_216, %dma_wait3A_224] : memref<6x192xf32, #tpu.memory_space<vmem>> -> memref<1x192xf32, #tpu.memory_space<vmem>>
      %dma_wait3A_226 = tpu.memref_squeeze %dma_wait3A_225 : memref<1x192xf32, #tpu.memory_space<vmem>> -> memref<192xf32, #tpu.memory_space<vmem>>
      %dma_wait3A_227 = tpu.memref_slice %arg4[%mul3A_192] : memref<811008xf32, #tpu.memory_space<hbm>> -> memref<192xf32, #tpu.memory_space<hbm>>
      tpu.wait_dma2 semaphore(%dma_wait3A_223 : memref<!tpu.dma_semaphore, #tpu.memory_space<semaphore_mem>>) src(%dma_wait3A_227 : memref<192xf32, #tpu.memory_space<hbm>>) dst(%dma_wait3A_226 : memref<192xf32, #tpu.memory_space<vmem>>)
      %dma_start3A_228 = arith.constant 0 : i32
      %dma_start3A_229 = arith.constant 0 : i32
      %dma_start3A_230 = arith.constant 0 : i32
      %dma_start3A_231 = arith.constant 0 : i32
      %dma_start3A_232 = arith.constant 0 : i32
      %dma_start3A_233 = tpu.memref_slice %arg13[%dma_start3A_229, %dma_start3A_231, %dma_start3A_232] : memref<4x192x32xf32, #tpu.memory_space<vmem>> -> memref<1x192x32xf32, #tpu.memory_space<vmem>>
      %dma_start3A_234 = tpu.memref_squeeze %dma_start3A_233 : memref<1x192x32xf32, #tpu.memory_space<vmem>> -> memref<192x32xf32, #tpu.memory_space<vmem>>
      %dma_start3A_235 = arith.constant 0 : i32
      %dma_start3A_236 = tpu.memref_slice %arg10[%dma_start3A_228, %dma_start3A_235] : memref<6x192xi32, #tpu.memory_space<vmem>> -> memref<1x192xi32, #tpu.memory_space<vmem>>
      %dma_start3A_237 = tpu.memref_squeeze %dma_start3A_236 : memref<1x192xi32, #tpu.memory_space<vmem>> -> memref<192xi32, #tpu.memory_space<vmem>>
      %dma_start3A_238 = arith.constant 0 : i32
      %dma_start3A_239 = arith.constant 0 : i32
      %dma_start3A_240 = tpu.memref_slice %arg7[%dma_start3A_238, %dma_start3A_239] : memref<50048x32xf32, #tpu.memory_space<hbm>> -> memref<50048x32xf32, #tpu.memory_space<hbm>>
      %dma_start3A_241 = tpu.memref_slice %arg14[%dma_start3A_230] : memref<4x!tpu.dma_semaphore, #tpu.memory_space<semaphore_mem>> -> memref<1x!tpu.dma_semaphore, #tpu.memory_space<semaphore_mem>>
      %dma_start3A_242 = tpu.memref_squeeze %dma_start3A_241 : memref<1x!tpu.dma_semaphore, #tpu.memory_space<semaphore_mem>> -> memref<!tpu.dma_semaphore, #tpu.memory_space<semaphore_mem>>
      tpu.enqueue_indirect_dma source(%dma_start3A_240 : memref<50048x32xf32, #tpu.memory_space<hbm>>) target(%dma_start3A_234 : memref<192x32xf32, #tpu.memory_space<vmem>>) offsets(%dma_start3A_237 : memref<192xi32, #tpu.memory_space<vmem>>) semaphore(%dma_start3A_242 : memref<!tpu.dma_semaphore, #tpu.memory_space<semaphore_mem>>)
      %mul3A_243 = arith.constant 264 : i32
      %mul3A_244 = arith.muli %arg1, %mul3A_243 : i32
      %add3A_245 = arith.constant 1 : i32
      %add3A_246 = arith.addi %mul3A_244, %add3A_245 : i32
      %mul3A_247 = arith.constant 192 : i32
      %mul3A_248 = arith.muli %add3A_246, %mul3A_247 : i32
      %dma_wait3A_249 = arith.constant 1 : i32
      %dma_wait3A_250 = arith.constant 1 : i32
      %dma_wait3A_251 = arith.constant 0 : i32
      %dma_wait3A_252 = tpu.memref_slice %arg10[%dma_wait3A_249, %dma_wait3A_251] : memref<6x192xi32, #tpu.memory_space<vmem>> -> memref<1x192xi32, #tpu.memory_space<vmem>>
      %dma_wait3A_253 = tpu.memref_squeeze %dma_wait3A_252 : memref<1x192xi32, #tpu.memory_space<vmem>> -> memref<192xi32, #tpu.memory_space<vmem>>
      %dma_wait3A_254 = tpu.memref_slice %arg2[%mul3A_248] : memref<811008xi32, #tpu.memory_space<hbm>> -> memref<192xi32, #tpu.memory_space<hbm>>
      %dma_wait3A_255 = tpu.memref_slice %arg16[%dma_wait3A_250] : memref<6x!tpu.dma_semaphore, #tpu.memory_space<semaphore_mem>> -> memref<1x!tpu.dma_semaphore, #tpu.memory_space<semaphore_mem>>
      %dma_wait3A_256 = tpu.memref_squeeze %dma_wait3A_255 : memref<1x!tpu.dma_semaphore, #tpu.memory_space<semaphore_mem>> -> memref<!tpu.dma_semaphore, #tpu.memory_space<semaphore_mem>>
      %dma_wait3A_257 = arith.constant 0 : i32
      %dma_wait3A_258 = tpu.memref_slice %arg10[%dma_wait3A_249, %dma_wait3A_257] : memref<6x192xi32, #tpu.memory_space<vmem>> -> memref<1x192xi32, #tpu.memory_space<vmem>>
      %dma_wait3A_259 = tpu.memref_squeeze %dma_wait3A_258 : memref<1x192xi32, #tpu.memory_space<vmem>> -> memref<192xi32, #tpu.memory_space<vmem>>
      %dma_wait3A_260 = tpu.memref_slice %arg2[%mul3A_248] : memref<811008xi32, #tpu.memory_space<hbm>> -> memref<192xi32, #tpu.memory_space<hbm>>
      tpu.wait_dma2 semaphore(%dma_wait3A_256 : memref<!tpu.dma_semaphore, #tpu.memory_space<semaphore_mem>>) src(%dma_wait3A_260 : memref<192xi32, #tpu.memory_space<hbm>>) dst(%dma_wait3A_259 : memref<192xi32, #tpu.memory_space<vmem>>)
      %dma_wait3A_261 = arith.constant 1 : i32
      %dma_wait3A_262 = arith.constant 1 : i32
      %dma_wait3A_263 = arith.constant 0 : i32
      %dma_wait3A_264 = tpu.memref_slice %arg11[%dma_wait3A_261, %dma_wait3A_263] : memref<6x192xi32, #tpu.memory_space<vmem>> -> memref<1x192xi32, #tpu.memory_space<vmem>>
      %dma_wait3A_265 = tpu.memref_squeeze %dma_wait3A_264 : memref<1x192xi32, #tpu.memory_space<vmem>> -> memref<192xi32, #tpu.memory_space<vmem>>
      %dma_wait3A_266 = tpu.memref_slice %arg3[%mul3A_248] : memref<811008xi32, #tpu.memory_space<hbm>> -> memref<192xi32, #tpu.memory_space<hbm>>
      %dma_wait3A_267 = tpu.memref_slice %arg16[%dma_wait3A_262] : memref<6x!tpu.dma_semaphore, #tpu.memory_space<semaphore_mem>> -> memref<1x!tpu.dma_semaphore, #tpu.memory_space<semaphore_mem>>
      %dma_wait3A_268 = tpu.memref_squeeze %dma_wait3A_267 : memref<1x!tpu.dma_semaphore, #tpu.memory_space<semaphore_mem>> -> memref<!tpu.dma_semaphore, #tpu.memory_space<semaphore_mem>>
      %dma_wait3A_269 = arith.constant 0 : i32
      %dma_wait3A_270 = tpu.memref_slice %arg11[%dma_wait3A_261, %dma_wait3A_269] : memref<6x192xi32, #tpu.memory_space<vmem>> -> memref<1x192xi32, #tpu.memory_space<vmem>>
      %dma_wait3A_271 = tpu.memref_squeeze %dma_wait3A_270 : memref<1x192xi32, #tpu.memory_space<vmem>> -> memref<192xi32, #tpu.memory_space<vmem>>
      %dma_wait3A_272 = tpu.memref_slice %arg3[%mul3A_248] : memref<811008xi32, #tpu.memory_space<hbm>> -> memref<192xi32, #tpu.memory_space<hbm>>
      tpu.wait_dma2 semaphore(%dma_wait3A_268 : memref<!tpu.dma_semaphore, #tpu.memory_space<semaphore_mem>>) src(%dma_wait3A_272 : memref<192xi32, #tpu.memory_space<hbm>>) dst(%dma_wait3A_271 : memref<192xi32, #tpu.memory_space<vmem>>)
      %dma_wait3A_273 = arith.constant 1 : i32
      %dma_wait3A_274 = arith.constant 1 : i32
      %dma_wait3A_275 = arith.constant 0 : i32
      %dma_wait3A_276 = tpu.memref_slice %arg12[%dma_wait3A_273, %dma_wait3A_275] : memref<6x192xf32, #tpu.memory_space<vmem>> -> memref<1x192xf32, #tpu.memory_space<vmem>>
      %dma_wait3A_277 = tpu.memref_squeeze %dma_wait3A_276 : memref<1x192xf32, #tpu.memory_space<vmem>> -> memref<192xf32, #tpu.memory_space<vmem>>
      %dma_wait3A_278 = tpu.memref_slice %arg4[%mul3A_248] : memref<811008xf32, #tpu.memory_space<hbm>> -> memref<192xf32, #tpu.memory_space<hbm>>
      %dma_wait3A_279 = tpu.memref_slice %arg16[%dma_wait3A_274] : memref<6x!tpu.dma_semaphore, #tpu.memory_space<semaphore_mem>> -> memref<1x!tpu.dma_semaphore, #tpu.memory_space<semaphore_mem>>
      %dma_wait3A_280 = tpu.memref_squeeze %dma_wait3A_279 : memref<1x!tpu.dma_semaphore, #tpu.memory_space<semaphore_mem>> -> memref<!tpu.dma_semaphore, #tpu.memory_space<semaphore_mem>>
      %dma_wait3A_281 = arith.constant 0 : i32
      %dma_wait3A_282 = tpu.memref_slice %arg12[%dma_wait3A_273, %dma_wait3A_281] : memref<6x192xf32, #tpu.memory_space<vmem>> -> memref<1x192xf32, #tpu.memory_space<vmem>>
      %dma_wait3A_283 = tpu.memref_squeeze %dma_wait3A_282 : memref<1x192xf32, #tpu.memory_space<vmem>> -> memref<192xf32, #tpu.memory_space<vmem>>
      %dma_wait3A_284 = tpu.memref_slice %arg4[%mul3A_248] : memref<811008xf32, #tpu.memory_space<hbm>> -> memref<192xf32, #tpu.memory_space<hbm>>
      tpu.wait_dma2 semaphore(%dma_wait3A_280 : memref<!tpu.dma_semaphore, #tpu.memory_space<semaphore_mem>>) src(%dma_wait3A_284 : memref<192xf32, #tpu.memory_space<hbm>>) dst(%dma_wait3A_283 : memref<192xf32, #tpu.memory_space<vmem>>)
      %dma_start3A_285 = arith.constant 1 : i32
      %dma_start3A_286 = arith.constant 1 : i32
      %dma_start3A_287 = arith.constant 1 : i32
      %dma_start3A_288 = arith.constant 0 : i32
      %dma_start3A_289 = arith.constant 0 : i32
      %dma_start3A_290 = tpu.memref_slice %arg13[%dma_start3A_286, %dma_start3A_288, %dma_start3A_289] : memref<4x192x32xf32, #tpu.memory_space<vmem>> -> memref<1x192x32xf32, #tpu.memory_space<vmem>>
      %dma_start3A_291 = tpu.memref_squeeze %dma_start3A_290 : memref<1x192x32xf32, #tpu.memory_space<vmem>> -> memref<192x32xf32, #tpu.memory_space<vmem>>
      %dma_start3A_292 = arith.constant 0 : i32
      %dma_start3A_293 = tpu.memref_slice %arg10[%dma_start3A_285, %dma_start3A_292] : memref<6x192xi32, #tpu.memory_space<vmem>> -> memref<1x192xi32, #tpu.memory_space<vmem>>
      %dma_start3A_294 = tpu.memref_squeeze %dma_start3A_293 : memref<1x192xi32, #tpu.memory_space<vmem>> -> memref<192xi32, #tpu.memory_space<vmem>>
      %dma_start3A_295 = arith.constant 0 : i32
      %dma_start3A_296 = arith.constant 0 : i32
      %dma_start3A_297 = tpu.memref_slice %arg7[%dma_start3A_295, %dma_start3A_296] : memref<50048x32xf32, #tpu.memory_space<hbm>> -> memref<50048x32xf32, #tpu.memory_space<hbm>>
      %dma_start3A_298 = tpu.memref_slice %arg14[%dma_start3A_287] : memref<4x!tpu.dma_semaphore, #tpu.memory_space<semaphore_mem>> -> memref<1x!tpu.dma_semaphore, #tpu.memory_space<semaphore_mem>>
      %dma_start3A_299 = tpu.memref_squeeze %dma_start3A_298 : memref<1x!tpu.dma_semaphore, #tpu.memory_space<semaphore_mem>> -> memref<!tpu.dma_semaphore, #tpu.memory_space<semaphore_mem>>
      tpu.enqueue_indirect_dma source(%dma_start3A_297 : memref<50048x32xf32, #tpu.memory_space<hbm>>) target(%dma_start3A_291 : memref<192x32xf32, #tpu.memory_space<vmem>>) offsets(%dma_start3A_294 : memref<192xi32, #tpu.memory_space<vmem>>) semaphore(%dma_start3A_299 : memref<!tpu.dma_semaphore, #tpu.memory_space<semaphore_mem>>)
      %scan3A = arith.constant 0 : i32
      %scan3A_300 = arith.constant 0 : i32
      %scan3A_301 = arith.constant 264 : i32
      %scan3A_302 = arith.addi %scan3A_300, %scan3A_301 : i32
      %scan3A_303 = arith.constant 1 : i32
      scf.for %scan3A_365 = %scan3A_300 to %scan3A_302 step %scan3A_303  : i32 {
        %rem3A = arith.constant 4 : i32
        %rem3A_366 = arith.remsi %scan3A_365, %rem3A : i32
        %rem3A_367 = arith.constant 6 : i32
        %rem3A_368 = arith.remsi %scan3A_365, %rem3A_367 : i32
        %add3A_369 = arith.constant 2 : i32
        %add3A_370 = arith.addi %scan3A_365, %add3A_369 : i32
        %rem3A_371 = arith.constant 4 : i32
        %rem3A_372 = arith.remsi %add3A_370, %rem3A_371 : i32
        %add3A_373 = arith.constant 2 : i32
        %add3A_374 = arith.addi %scan3A_365, %add3A_373 : i32
        %rem3A_375 = arith.constant 6 : i32
        %rem3A_376 = arith.remsi %add3A_374, %rem3A_375 : i32
        %ge3A = arith.constant 2 : i32
        %ge3A_377 = arith.cmpi sge, %scan3A_365, %ge3A : i32
        %add3A_378 = arith.constant 2 : i32
        %add3A_379 = arith.addi %scan3A_365, %add3A_378 : i32
        %lt3A = arith.constant 264 : i32
        %lt3A_380 = arith.cmpi slt, %add3A_379, %lt3A : i32
        %and3A = arith.andi %ge3A_377, %lt3A_380 : i1
        %convert_element_type3A_381 = arith.extui %and3A : i1 to i32
        %cond3A_382 = arith.constant 0 : i32
        %cond3A_383 = arith.cmpi ne, %convert_element_type3A_381, %cond3A_382 : i32
        scf.if %cond3A_383 {
          %dma_wait3A_428 = arith.constant 0 : i32
          %dma_wait3A_429 = arith.constant 0 : i32
          %dma_wait3A_430 = tpu.memref_slice %arg13[%rem3A_372, %dma_wait3A_428, %dma_wait3A_429] : memref<4x192x32xf32, #tpu.memory_space<vmem>> -> memref<1x192x32xf32, #tpu.memory_space<vmem>>
          %dma_wait3A_431 = tpu.memref_squeeze %dma_wait3A_430 : memref<1x192x32xf32, #tpu.memory_space<vmem>> -> memref<192x32xf32, #tpu.memory_space<vmem>>
          %dma_wait3A_432 = arith.constant 0 : i32
          %dma_wait3A_433 = tpu.memref_slice %arg11[%rem3A_376, %dma_wait3A_432] : memref<6x192xi32, #tpu.memory_space<vmem>> -> memref<1x192xi32, #tpu.memory_space<vmem>>
          %dma_wait3A_434 = tpu.memref_squeeze %dma_wait3A_433 : memref<1x192xi32, #tpu.memory_space<vmem>> -> memref<192xi32, #tpu.memory_space<vmem>>
          %dma_wait3A_435 = arith.constant 0 : i32
          %dma_wait3A_436 = arith.constant 0 : i32
          %dma_wait3A_437 = tpu.memref_slice %arg17[%dma_wait3A_435, %dma_wait3A_436] : memref<50048x32xf32, #tpu.memory_space<vmem_shared>> -> memref<50048x32xf32, #tpu.memory_space<vmem_shared>>
          %dma_wait3A_438 = tpu.memref_slice %arg15[%rem3A_372] : memref<4x!tpu.dma_semaphore, #tpu.memory_space<semaphore_mem>> -> memref<1x!tpu.dma_semaphore, #tpu.memory_space<semaphore_mem>>
          %dma_wait3A_439 = tpu.memref_squeeze %dma_wait3A_438 : memref<1x!tpu.dma_semaphore, #tpu.memory_space<semaphore_mem>> -> memref<!tpu.dma_semaphore, #tpu.memory_space<semaphore_mem>>
          tpu.wait_indirect_dma semaphore(%dma_wait3A_439 : memref<!tpu.dma_semaphore, #tpu.memory_space<semaphore_mem>>) src(%dma_wait3A_431 : memref<192x32xf32, #tpu.memory_space<vmem>>) dst(%dma_wait3A_437 : memref<50048x32xf32, #tpu.memory_space<vmem_shared>>)
        } else {
        }
        %add3A_384 = arith.constant 2 : i32
        %add3A_385 = arith.addi %scan3A_365, %add3A_384 : i32
        %lt3A_386 = arith.constant 264 : i32
        %lt3A_387 = arith.cmpi slt, %add3A_385, %lt3A_386 : i32
        %convert_element_type3A_388 = arith.extui %lt3A_387 : i1 to i32
        %cond3A_389 = arith.constant 0 : i32
        %cond3A_390 = arith.cmpi ne, %convert_element_type3A_388, %cond3A_389 : i32
        scf.if %cond3A_390 {
          %add3A_428 = arith.constant 2 : i32
          %add3A_429 = arith.addi %scan3A_365, %add3A_428 : i32
          %mul3A_430 = arith.constant 264 : i32
          %mul3A_431 = arith.muli %arg1, %mul3A_430 : i32
          %add3A_432 = arith.addi %mul3A_431, %add3A_429 : i32
          %mul3A_433 = arith.constant 192 : i32
          %mul3A_434 = arith.muli %add3A_432, %mul3A_433 : i32
          %dma_wait3A_435 = arith.constant 0 : i32
          %dma_wait3A_436 = tpu.memref_slice %arg10[%rem3A_376, %dma_wait3A_435] : memref<6x192xi32, #tpu.memory_space<vmem>> -> memref<1x192xi32, #tpu.memory_space<vmem>>
          %dma_wait3A_437 = tpu.memref_squeeze %dma_wait3A_436 : memref<1x192xi32, #tpu.memory_space<vmem>> -> memref<192xi32, #tpu.memory_space<vmem>>
          %dma_wait3A_438 = tpu.memref_slice %arg2[%mul3A_434] : memref<811008xi32, #tpu.memory_space<hbm>> -> memref<192xi32, #tpu.memory_space<hbm>>
          %dma_wait3A_439 = tpu.memref_slice %arg16[%rem3A_376] : memref<6x!tpu.dma_semaphore, #tpu.memory_space<semaphore_mem>> -> memref<1x!tpu.dma_semaphore, #tpu.memory_space<semaphore_mem>>
          %dma_wait3A_440 = tpu.memref_squeeze %dma_wait3A_439 : memref<1x!tpu.dma_semaphore, #tpu.memory_space<semaphore_mem>> -> memref<!tpu.dma_semaphore, #tpu.memory_space<semaphore_mem>>
          %dma_wait3A_441 = arith.constant 0 : i32
          %dma_wait3A_442 = tpu.memref_slice %arg10[%rem3A_376, %dma_wait3A_441] : memref<6x192xi32, #tpu.memory_space<vmem>> -> memref<1x192xi32, #tpu.memory_space<vmem>>
          %dma_wait3A_443 = tpu.memref_squeeze %dma_wait3A_442 : memref<1x192xi32, #tpu.memory_space<vmem>> -> memref<192xi32, #tpu.memory_space<vmem>>
          %dma_wait3A_444 = tpu.memref_slice %arg2[%mul3A_434] : memref<811008xi32, #tpu.memory_space<hbm>> -> memref<192xi32, #tpu.memory_space<hbm>>
          tpu.wait_dma2 semaphore(%dma_wait3A_440 : memref<!tpu.dma_semaphore, #tpu.memory_space<semaphore_mem>>) src(%dma_wait3A_444 : memref<192xi32, #tpu.memory_space<hbm>>) dst(%dma_wait3A_443 : memref<192xi32, #tpu.memory_space<vmem>>)
          %dma_wait3A_445 = arith.constant 0 : i32
          %dma_wait3A_446 = tpu.memref_slice %arg11[%rem3A_376, %dma_wait3A_445] : memref<6x192xi32, #tpu.memory_space<vmem>> -> memref<1x192xi32, #tpu.memory_space<vmem>>
          %dma_wait3A_447 = tpu.memref_squeeze %dma_wait3A_446 : memref<1x192xi32, #tpu.memory_space<vmem>> -> memref<192xi32, #tpu.memory_space<vmem>>
          %dma_wait3A_448 = tpu.memref_slice %arg3[%mul3A_434] : memref<811008xi32, #tpu.memory_space<hbm>> -> memref<192xi32, #tpu.memory_space<hbm>>
          %dma_wait3A_449 = tpu.memref_slice %arg16[%rem3A_376] : memref<6x!tpu.dma_semaphore, #tpu.memory_space<semaphore_mem>> -> memref<1x!tpu.dma_semaphore, #tpu.memory_space<semaphore_mem>>
          %dma_wait3A_450 = tpu.memref_squeeze %dma_wait3A_449 : memref<1x!tpu.dma_semaphore, #tpu.memory_space<semaphore_mem>> -> memref<!tpu.dma_semaphore, #tpu.memory_space<semaphore_mem>>
          %dma_wait3A_451 = arith.constant 0 : i32
          %dma_wait3A_452 = tpu.memref_slice %arg11[%rem3A_376, %dma_wait3A_451] : memref<6x192xi32, #tpu.memory_space<vmem>> -> memref<1x192xi32, #tpu.memory_space<vmem>>
          %dma_wait3A_453 = tpu.memref_squeeze %dma_wait3A_452 : memref<1x192xi32, #tpu.memory_space<vmem>> -> memref<192xi32, #tpu.memory_space<vmem>>
          %dma_wait3A_454 = tpu.memref_slice %arg3[%mul3A_434] : memref<811008xi32, #tpu.memory_space<hbm>> -> memref<192xi32, #tpu.memory_space<hbm>>
          tpu.wait_dma2 semaphore(%dma_wait3A_450 : memref<!tpu.dma_semaphore, #tpu.memory_space<semaphore_mem>>) src(%dma_wait3A_454 : memref<192xi32, #tpu.memory_space<hbm>>) dst(%dma_wait3A_453 : memref<192xi32, #tpu.memory_space<vmem>>)
          %dma_wait3A_455 = arith.constant 0 : i32
          %dma_wait3A_456 = tpu.memref_slice %arg12[%rem3A_376, %dma_wait3A_455] : memref<6x192xf32, #tpu.memory_space<vmem>> -> memref<1x192xf32, #tpu.memory_space<vmem>>
          %dma_wait3A_457 = tpu.memref_squeeze %dma_wait3A_456 : memref<1x192xf32, #tpu.memory_space<vmem>> -> memref<192xf32, #tpu.memory_space<vmem>>
          %dma_wait3A_458 = tpu.memref_slice %arg4[%mul3A_434] : memref<811008xf32, #tpu.memory_space<hbm>> -> memref<192xf32, #tpu.memory_space<hbm>>
          %dma_wait3A_459 = tpu.memref_slice %arg16[%rem3A_376] : memref<6x!tpu.dma_semaphore, #tpu.memory_space<semaphore_mem>> -> memref<1x!tpu.dma_semaphore, #tpu.memory_space<semaphore_mem>>
          %dma_wait3A_460 = tpu.memref_squeeze %dma_wait3A_459 : memref<1x!tpu.dma_semaphore, #tpu.memory_space<semaphore_mem>> -> memref<!tpu.dma_semaphore, #tpu.memory_space<semaphore_mem>>
          %dma_wait3A_461 = arith.constant 0 : i32
          %dma_wait3A_462 = tpu.memref_slice %arg12[%rem3A_376, %dma_wait3A_461] : memref<6x192xf32, #tpu.memory_space<vmem>> -> memref<1x192xf32, #tpu.memory_space<vmem>>
          %dma_wait3A_463 = tpu.memref_squeeze %dma_wait3A_462 : memref<1x192xf32, #tpu.memory_space<vmem>> -> memref<192xf32, #tpu.memory_space<vmem>>
          %dma_wait3A_464 = tpu.memref_slice %arg4[%mul3A_434] : memref<811008xf32, #tpu.memory_space<hbm>> -> memref<192xf32, #tpu.memory_space<hbm>>
          tpu.wait_dma2 semaphore(%dma_wait3A_460 : memref<!tpu.dma_semaphore, #tpu.memory_space<semaphore_mem>>) src(%dma_wait3A_464 : memref<192xf32, #tpu.memory_space<hbm>>) dst(%dma_wait3A_463 : memref<192xf32, #tpu.memory_space<vmem>>)
          %dma_start3A_465 = arith.constant 0 : i32
          %dma_start3A_466 = arith.constant 0 : i32
          %dma_start3A_467 = tpu.memref_slice %arg13[%rem3A_372, %dma_start3A_465, %dma_start3A_466] : memref<4x192x32xf32, #tpu.memory_space<vmem>> -> memref<1x192x32xf32, #tpu.memory_space<vmem>>
          %dma_start3A_468 = tpu.memref_squeeze %dma_start3A_467 : memref<1x192x32xf32, #tpu.memory_space<vmem>> -> memref<192x32xf32, #tpu.memory_space<vmem>>
          %dma_start3A_469 = arith.constant 0 : i32
          %dma_start3A_470 = tpu.memref_slice %arg10[%rem3A_376, %dma_start3A_469] : memref<6x192xi32, #tpu.memory_space<vmem>> -> memref<1x192xi32, #tpu.memory_space<vmem>>
          %dma_start3A_471 = tpu.memref_squeeze %dma_start3A_470 : memref<1x192xi32, #tpu.memory_space<vmem>> -> memref<192xi32, #tpu.memory_space<vmem>>
          %dma_start3A_472 = arith.constant 0 : i32
          %dma_start3A_473 = arith.constant 0 : i32
          %dma_start3A_474 = tpu.memref_slice %arg7[%dma_start3A_472, %dma_start3A_473] : memref<50048x32xf32, #tpu.memory_space<hbm>> -> memref<50048x32xf32, #tpu.memory_space<hbm>>
          %dma_start3A_475 = tpu.memref_slice %arg14[%rem3A_372] : memref<4x!tpu.dma_semaphore, #tpu.memory_space<semaphore_mem>> -> memref<1x!tpu.dma_semaphore, #tpu.memory_space<semaphore_mem>>
          %dma_start3A_476 = tpu.memref_squeeze %dma_start3A_475 : memref<1x!tpu.dma_semaphore, #tpu.memory_space<semaphore_mem>> -> memref<!tpu.dma_semaphore, #tpu.memory_space<semaphore_mem>>
          tpu.enqueue_indirect_dma source(%dma_start3A_474 : memref<50048x32xf32, #tpu.memory_space<hbm>>) target(%dma_start3A_468 : memref<192x32xf32, #tpu.memory_space<vmem>>) offsets(%dma_start3A_471 : memref<192xi32, #tpu.memory_space<vmem>>) semaphore(%dma_start3A_476 : memref<!tpu.dma_semaphore, #tpu.memory_space<semaphore_mem>>)
        } else {
        }
        %add3A_391 = arith.constant 4 : i32
        %add3A_392 = arith.addi %scan3A_365, %add3A_391 : i32
        %lt3A_393 = arith.constant 264 : i32
        %lt3A_394 = arith.cmpi slt, %add3A_392, %lt3A_393 : i32
        %convert_element_type3A_395 = arith.extui %lt3A_394 : i1 to i32
        %cond3A_396 = arith.constant 0 : i32
        %cond3A_397 = arith.cmpi ne, %convert_element_type3A_395, %cond3A_396 : i32
        scf.if %cond3A_397 {
          %add3A_428 = arith.constant 4 : i32
          %add3A_429 = arith.addi %scan3A_365, %add3A_428 : i32
          %add3A_430 = arith.constant 4 : i32
          %add3A_431 = arith.addi %scan3A_365, %add3A_430 : i32
          %rem3A_432 = arith.constant 6 : i32
          %rem3A_433 = arith.remsi %add3A_431, %rem3A_432 : i32
          %mul3A_434 = arith.constant 264 : i32
          %mul3A_435 = arith.muli %arg1, %mul3A_434 : i32
          %add3A_436 = arith.addi %mul3A_435, %add3A_429 : i32
          %mul3A_437 = arith.constant 192 : i32
          %mul3A_438 = arith.muli %add3A_436, %mul3A_437 : i32
          %dma_start3A_439 = arith.constant 0 : i32
          %dma_start3A_440 = tpu.memref_slice %arg10[%rem3A_433, %dma_start3A_439] : memref<6x192xi32, #tpu.memory_space<vmem>> -> memref<1x192xi32, #tpu.memory_space<vmem>>
          %dma_start3A_441 = tpu.memref_squeeze %dma_start3A_440 : memref<1x192xi32, #tpu.memory_space<vmem>> -> memref<192xi32, #tpu.memory_space<vmem>>
          %dma_start3A_442 = tpu.memref_slice %arg2[%mul3A_438] : memref<811008xi32, #tpu.memory_space<hbm>> -> memref<192xi32, #tpu.memory_space<hbm>>
          %dma_start3A_443 = tpu.memref_slice %arg16[%rem3A_433] : memref<6x!tpu.dma_semaphore, #tpu.memory_space<semaphore_mem>> -> memref<1x!tpu.dma_semaphore, #tpu.memory_space<semaphore_mem>>
          %dma_start3A_444 = tpu.memref_squeeze %dma_start3A_443 : memref<1x!tpu.dma_semaphore, #tpu.memory_space<semaphore_mem>> -> memref<!tpu.dma_semaphore, #tpu.memory_space<semaphore_mem>>
          %dma_start3A_445 = arith.constant 0 : i32
          %dma_start3A_446 = tpu.memref_slice %arg10[%rem3A_433, %dma_start3A_445] : memref<6x192xi32, #tpu.memory_space<vmem>> -> memref<1x192xi32, #tpu.memory_space<vmem>>
          %dma_start3A_447 = tpu.memref_squeeze %dma_start3A_446 : memref<1x192xi32, #tpu.memory_space<vmem>> -> memref<192xi32, #tpu.memory_space<vmem>>
          %dma_start3A_448 = tpu.memref_slice %arg2[%mul3A_438] : memref<811008xi32, #tpu.memory_space<hbm>> -> memref<192xi32, #tpu.memory_space<hbm>>
          tpu.enqueue_dma source(%dma_start3A_448 : memref<192xi32, #tpu.memory_space<hbm>>) target(%dma_start3A_447 : memref<192xi32, #tpu.memory_space<vmem>>) target_semaphore(%dma_start3A_444 : memref<!tpu.dma_semaphore, #tpu.memory_space<semaphore_mem>>)
          %dma_start3A_449 = arith.constant 0 : i32
          %dma_start3A_450 = tpu.memref_slice %arg11[%rem3A_433, %dma_start3A_449] : memref<6x192xi32, #tpu.memory_space<vmem>> -> memref<1x192xi32, #tpu.memory_space<vmem>>
          %dma_start3A_451 = tpu.memref_squeeze %dma_start3A_450 : memref<1x192xi32, #tpu.memory_space<vmem>> -> memref<192xi32, #tpu.memory_space<vmem>>
          %dma_start3A_452 = tpu.memref_slice %arg3[%mul3A_438] : memref<811008xi32, #tpu.memory_space<hbm>> -> memref<192xi32, #tpu.memory_space<hbm>>
          %dma_start3A_453 = tpu.memref_slice %arg16[%rem3A_433] : memref<6x!tpu.dma_semaphore, #tpu.memory_space<semaphore_mem>> -> memref<1x!tpu.dma_semaphore, #tpu.memory_space<semaphore_mem>>
          %dma_start3A_454 = tpu.memref_squeeze %dma_start3A_453 : memref<1x!tpu.dma_semaphore, #tpu.memory_space<semaphore_mem>> -> memref<!tpu.dma_semaphore, #tpu.memory_space<semaphore_mem>>
          %dma_start3A_455 = arith.constant 0 : i32
          %dma_start3A_456 = tpu.memref_slice %arg11[%rem3A_433, %dma_start3A_455] : memref<6x192xi32, #tpu.memory_space<vmem>> -> memref<1x192xi32, #tpu.memory_space<vmem>>
          %dma_start3A_457 = tpu.memref_squeeze %dma_start3A_456 : memref<1x192xi32, #tpu.memory_space<vmem>> -> memref<192xi32, #tpu.memory_space<vmem>>
          %dma_start3A_458 = tpu.memref_slice %arg3[%mul3A_438] : memref<811008xi32, #tpu.memory_space<hbm>> -> memref<192xi32, #tpu.memory_space<hbm>>
          tpu.enqueue_dma source(%dma_start3A_458 : memref<192xi32, #tpu.memory_space<hbm>>) target(%dma_start3A_457 : memref<192xi32, #tpu.memory_space<vmem>>) target_semaphore(%dma_start3A_454 : memref<!tpu.dma_semaphore, #tpu.memory_space<semaphore_mem>>)
          %dma_start3A_459 = arith.constant 0 : i32
          %dma_start3A_460 = tpu.memref_slice %arg12[%rem3A_433, %dma_start3A_459] : memref<6x192xf32, #tpu.memory_space<vmem>> -> memref<1x192xf32, #tpu.memory_space<vmem>>
          %dma_start3A_461 = tpu.memref_squeeze %dma_start3A_460 : memref<1x192xf32, #tpu.memory_space<vmem>> -> memref<192xf32, #tpu.memory_space<vmem>>
          %dma_start3A_462 = tpu.memref_slice %arg4[%mul3A_438] : memref<811008xf32, #tpu.memory_space<hbm>> -> memref<192xf32, #tpu.memory_space<hbm>>
          %dma_start3A_463 = tpu.memref_slice %arg16[%rem3A_433] : memref<6x!tpu.dma_semaphore, #tpu.memory_space<semaphore_mem>> -> memref<1x!tpu.dma_semaphore, #tpu.memory_space<semaphore_mem>>
          %dma_start3A_464 = tpu.memref_squeeze %dma_start3A_463 : memref<1x!tpu.dma_semaphore, #tpu.memory_space<semaphore_mem>> -> memref<!tpu.dma_semaphore, #tpu.memory_space<semaphore_mem>>
          %dma_start3A_465 = arith.constant 0 : i32
          %dma_start3A_466 = tpu.memref_slice %arg12[%rem3A_433, %dma_start3A_465] : memref<6x192xf32, #tpu.memory_space<vmem>> -> memref<1x192xf32, #tpu.memory_space<vmem>>
          %dma_start3A_467 = tpu.memref_squeeze %dma_start3A_466 : memref<1x192xf32, #tpu.memory_space<vmem>> -> memref<192xf32, #tpu.memory_space<vmem>>
          %dma_start3A_468 = tpu.memref_slice %arg4[%mul3A_438] : memref<811008xf32, #tpu.memory_space<hbm>> -> memref<192xf32, #tpu.memory_space<hbm>>
          tpu.enqueue_dma source(%dma_start3A_468 : memref<192xf32, #tpu.memory_space<hbm>>) target(%dma_start3A_467 : memref<192xf32, #tpu.memory_space<vmem>>) target_semaphore(%dma_start3A_464 : memref<!tpu.dma_semaphore, #tpu.memory_space<semaphore_mem>>)
        } else {
        }
        %dma_wait3A_398 = arith.constant 0 : i32
        %dma_wait3A_399 = arith.constant 0 : i32
        %dma_wait3A_400 = tpu.memref_slice %arg13[%rem3A_366, %dma_wait3A_398, %dma_wait3A_399] : memref<4x192x32xf32, #tpu.memory_space<vmem>> -> memref<1x192x32xf32, #tpu.memory_space<vmem>>
        %dma_wait3A_401 = tpu.memref_squeeze %dma_wait3A_400 : memref<1x192x32xf32, #tpu.memory_space<vmem>> -> memref<192x32xf32, #tpu.memory_space<vmem>>
        %dma_wait3A_402 = arith.constant 0 : i32
        %dma_wait3A_403 = tpu.memref_slice %arg10[%rem3A_368, %dma_wait3A_402] : memref<6x192xi32, #tpu.memory_space<vmem>> -> memref<1x192xi32, #tpu.memory_space<vmem>>
        %dma_wait3A_404 = tpu.memref_squeeze %dma_wait3A_403 : memref<1x192xi32, #tpu.memory_space<vmem>> -> memref<192xi32, #tpu.memory_space<vmem>>
        %dma_wait3A_405 = arith.constant 0 : i32
        %dma_wait3A_406 = arith.constant 0 : i32
        %dma_wait3A_407 = tpu.memref_slice %arg7[%dma_wait3A_405, %dma_wait3A_406] : memref<50048x32xf32, #tpu.memory_space<hbm>> -> memref<50048x32xf32, #tpu.memory_space<hbm>>
        %dma_wait3A_408 = tpu.memref_slice %arg14[%rem3A_366] : memref<4x!tpu.dma_semaphore, #tpu.memory_space<semaphore_mem>> -> memref<1x!tpu.dma_semaphore, #tpu.memory_space<semaphore_mem>>
        %dma_wait3A_409 = tpu.memref_squeeze %dma_wait3A_408 : memref<1x!tpu.dma_semaphore, #tpu.memory_space<semaphore_mem>> -> memref<!tpu.dma_semaphore, #tpu.memory_space<semaphore_mem>>
        tpu.wait_indirect_dma semaphore(%dma_wait3A_409 : memref<!tpu.dma_semaphore, #tpu.memory_space<semaphore_mem>>) src(%dma_wait3A_407 : memref<50048x32xf32, #tpu.memory_space<hbm>>) dst(%dma_wait3A_401 : memref<192x32xf32, #tpu.memory_space<vmem>>)
        %scan3A_410 = arith.constant 0 : i32
        %scan3A_411 = arith.constant 0 : i32
        %scan3A_412 = arith.constant 12 : i32
        %scan3A_413 = arith.addi %scan3A_411, %scan3A_412 : i32
        %scan3A_414 = arith.constant 1 : i32
        scf.for %scan3A_428 = %scan3A_411 to %scan3A_413 step %scan3A_414  : i32 {
          %mul3A_429 = arith.constant 16 : i32
          %mul3A_430 = arith.muli %scan3A_428, %mul3A_429 : i32
          %get3A = arith.index_cast %rem3A_368 : i32 to index
          %get3A_431 = arith.index_cast %mul3A_430 : i32 to index
          %get3A_432 = tpu.vector_load %arg12[%get3A, %get3A_431] {strides = array<i32>} : memref<6x192xf32, #tpu.memory_space<vmem>>, vector<1x16xf32>,
          %get3A_433 = vector.shape_cast %get3A_432 : vector<1x16xf32> to vector<16xf32>
          %mul3A_434 = arith.constant 16 : i32
          %mul3A_435 = arith.muli %scan3A_428, %mul3A_434 : i32
          %add3A_436 = arith.constant 0 : i32
          %add3A_437 = arith.addi %mul3A_435, %add3A_436 : i32
          %slice3A = vector.extract_strided_slice %get3A_433 {offsets = [0], sizes = [1], strides = [1]} : vector<16xf32> to vector<1xf32>
          %squeeze3A = vector.extract %slice3A[0] : f32 from vector<1xf32>
          %get3A_438 = arith.index_cast %rem3A_366 : i32 to index
          %get3A_439 = arith.index_cast %add3A_437 : i32 to index
          %get3A_440 = arith.constant 0 : index
          %get3A_441 = tpu.vector_load %arg13[%get3A_438, %get3A_439, %get3A_440] {strides = array<i32>} : memref<4x192x32xf32, #tpu.memory_space<vmem>>, vector<1x1x16xf32>,
          %get3A_442 = vector.shape_cast %get3A_441 : vector<1x1x16xf32> to vector<16xf32>
          %mul3A_443 = vector.broadcast %squeeze3A : f32 to vector<16xf32>
          %mul3A_444 = arith.mulf %get3A_442, %mul3A_443 : vector<16xf32>
          %swap3A = arith.index_cast %rem3A_366 : i32 to index
          %swap3A_445 = arith.index_cast %add3A_437 : i32 to index
          %swap3A_446 = arith.constant 0 : index
          %swap3A_447 = tpu.vector_load %arg13[%swap3A, %swap3A_445, %swap3A_446] {strides = array<i32>} : memref<4x192x32xf32, #tpu.memory_space<vmem>>, vector<1x1x16xf32>,
          %swap3A_448 = vector.shape_cast %swap3A_447 : vector<1x1x16xf32> to vector<16xf32>
          %swap3A_449 = vector.shape_cast %mul3A_444 : vector<16xf32> to vector<1x1x16xf32>
          tpu.vector_store %arg13[%swap3A, %swap3A_445, %swap3A_446], %swap3A_449 {strides = array<i32>} : memref<4x192x32xf32, #tpu.memory_space<vmem>>, vector<1x1x16xf32>,
          %get3A_450 = arith.index_cast %rem3A_366 : i32 to index
          %get3A_451 = arith.index_cast %add3A_437 : i32 to index
          %get3A_452 = arith.constant 16 : index
          %get3A_453 = tpu.vector_load %arg13[%get3A_450, %get3A_451, %get3A_452] {strides = array<i32>} : memref<4x192x32xf32, #tpu.memory_space<vmem>>, vector<1x1x16xf32>,
          %get3A_454 = vector.shape_cast %get3A_453 : vector<1x1x16xf32> to vector<16xf32>
          %mul3A_455 = vector.broadcast %squeeze3A : f32 to vector<16xf32>
          %mul3A_456 = arith.mulf %get3A_454, %mul3A_455 : vector<16xf32>
          %swap3A_457 = arith.index_cast %rem3A_366 : i32 to index
          %swap3A_458 = arith.index_cast %add3A_437 : i32 to index
          %swap3A_459 = arith.constant 16 : index
          %swap3A_460 = tpu.vector_load %arg13[%swap3A_457, %swap3A_458, %swap3A_459] {strides = array<i32>} : memref<4x192x32xf32, #tpu.memory_space<vmem>>, vector<1x1x16xf32>,
          %swap3A_461 = vector.shape_cast %swap3A_460 : vector<1x1x16xf32> to vector<16xf32>
          %swap3A_462 = vector.shape_cast %mul3A_456 : vector<16xf32> to vector<1x1x16xf32>
          tpu.vector_store %arg13[%swap3A_457, %swap3A_458, %swap3A_459], %swap3A_462 {strides = array<i32>} : memref<4x192x32xf32, #tpu.memory_space<vmem>>, vector<1x1x16xf32>,
          %mul3A_463 = arith.constant 16 : i32
          %mul3A_464 = arith.muli %scan3A_428, %mul3A_463 : i32
          %add3A_465 = arith.constant 1 : i32
          %add3A_466 = arith.addi %mul3A_464, %add3A_465 : i32
          %slice3A_467 = vector.extract_strided_slice %get3A_433 {offsets = [1], sizes = [1], strides = [1]} : vector<16xf32> to vector<1xf32>
          %squeeze3A_468 = vector.extract %slice3A_467[0] : f32 from vector<1xf32>
          %get3A_469 = arith.index_cast %rem3A_366 : i32 to index
          %get3A_470 = arith.index_cast %add3A_466 : i32 to index
          %get3A_471 = arith.constant 0 : index
          %get3A_472 = tpu.vector_load %arg13[%get3A_469, %get3A_470, %get3A_471] {strides = array<i32>} : memref<4x192x32xf32, #tpu.memory_space<vmem>>, vector<1x1x16xf32>,
          %get3A_473 = vector.shape_cast %get3A_472 : vector<1x1x16xf32> to vector<16xf32>
          %mul3A_474 = vector.broadcast %squeeze3A_468 : f32 to vector<16xf32>
          %mul3A_475 = arith.mulf %get3A_473, %mul3A_474 : vector<16xf32>
          %swap3A_476 = arith.index_cast %rem3A_366 : i32 to index
          %swap3A_477 = arith.index_cast %add3A_466 : i32 to index
          %swap3A_478 = arith.constant 0 : index
          %swap3A_479 = tpu.vector_load %arg13[%swap3A_476, %swap3A_477, %swap3A_478] {strides = array<i32>} : memref<4x192x32xf32, #tpu.memory_space<vmem>>, vector<1x1x16xf32>,
          %swap3A_480 = vector.shape_cast %swap3A_479 : vector<1x1x16xf32> to vector<16xf32>
          %swap3A_481 = vector.shape_cast %mul3A_475 : vector<16xf32> to vector<1x1x16xf32>
          tpu.vector_store %arg13[%swap3A_476, %swap3A_477, %swap3A_478], %swap3A_481 {strides = array<i32>} : memref<4x192x32xf32, #tpu.memory_space<vmem>>, vector<1x1x16xf32>,
          %get3A_482 = arith.index_cast %rem3A_366 : i32 to index
          %get3A_483 = arith.index_cast %add3A_466 : i32 to index
          %get3A_484 = arith.constant 16 : index
          %get3A_485 = tpu.vector_load %arg13[%get3A_482, %get3A_483, %get3A_484] {strides = array<i32>} : memref<4x192x32xf32, #tpu.memory_space<vmem>>, vector<1x1x16xf32>,
          %get3A_486 = vector.shape_cast %get3A_485 : vector<1x1x16xf32> to vector<16xf32>
          %mul3A_487 = vector.broadcast %squeeze3A_468 : f32 to vector<16xf32>
          %mul3A_488 = arith.mulf %get3A_486, %mul3A_487 : vector<16xf32>
          %swap3A_489 = arith.index_cast %rem3A_366 : i32 to index
          %swap3A_490 = arith.index_cast %add3A_466 : i32 to index
          %swap3A_491 = arith.constant 16 : index
          %swap3A_492 = tpu.vector_load %arg13[%swap3A_489, %swap3A_490, %swap3A_491] {strides = array<i32>} : memref<4x192x32xf32, #tpu.memory_space<vmem>>, vector<1x1x16xf32>,
          %swap3A_493 = vector.shape_cast %swap3A_492 : vector<1x1x16xf32> to vector<16xf32>
          %swap3A_494 = vector.shape_cast %mul3A_488 : vector<16xf32> to vector<1x1x16xf32>
          tpu.vector_store %arg13[%swap3A_489, %swap3A_490, %swap3A_491], %swap3A_494 {strides = array<i32>} : memref<4x192x32xf32, #tpu.memory_space<vmem>>, vector<1x1x16xf32>,
          %mul3A_495 = arith.constant 16 : i32
          %mul3A_496 = arith.muli %scan3A_428, %mul3A_495 : i32
          %add3A_497 = arith.constant 2 : i32
          %add3A_498 = arith.addi %mul3A_496, %add3A_497 : i32
          %slice3A_499 = vector.extract_strided_slice %get3A_433 {offsets = [2], sizes = [1], strides = [1]} : vector<16xf32> to vector<1xf32>
          %squeeze3A_500 = vector.extract %slice3A_499[0] : f32 from vector<1xf32>
          %get3A_501 = arith.index_cast %rem3A_366 : i32 to index
          %get3A_502 = arith.index_cast %add3A_498 : i32 to index
          %get3A_503 = arith.constant 0 : index
          %get3A_504 = tpu.vector_load %arg13[%get3A_501, %get3A_502, %get3A_503] {strides = array<i32>} : memref<4x192x32xf32, #tpu.memory_space<vmem>>, vector<1x1x16xf32>,
          %get3A_505 = vector.shape_cast %get3A_504 : vector<1x1x16xf32> to vector<16xf32>
          %mul3A_506 = vector.broadcast %squeeze3A_500 : f32 to vector<16xf32>
          %mul3A_507 = arith.mulf %get3A_505, %mul3A_506 : vector<16xf32>
          %swap3A_508 = arith.index_cast %rem3A_366 : i32 to index
          %swap3A_509 = arith.index_cast %add3A_498 : i32 to index
          %swap3A_510 = arith.constant 0 : index
          %swap3A_511 = tpu.vector_load %arg13[%swap3A_508, %swap3A_509, %swap3A_510] {strides = array<i32>} : memref<4x192x32xf32, #tpu.memory_space<vmem>>, vector<1x1x16xf32>,
          %swap3A_512 = vector.shape_cast %swap3A_511 : vector<1x1x16xf32> to vector<16xf32>
          %swap3A_513 = vector.shape_cast %mul3A_507 : vector<16xf32> to vector<1x1x16xf32>
          tpu.vector_store %arg13[%swap3A_508, %swap3A_509, %swap3A_510], %swap3A_513 {strides = array<i32>} : memref<4x192x32xf32, #tpu.memory_space<vmem>>, vector<1x1x16xf32>,
          %get3A_514 = arith.index_cast %rem3A_366 : i32 to index
          %get3A_515 = arith.index_cast %add3A_498 : i32 to index
          %get3A_516 = arith.constant 16 : index
          %get3A_517 = tpu.vector_load %arg13[%get3A_514, %get3A_515, %get3A_516] {strides = array<i32>} : memref<4x192x32xf32, #tpu.memory_space<vmem>>, vector<1x1x16xf32>,
          %get3A_518 = vector.shape_cast %get3A_517 : vector<1x1x16xf32> to vector<16xf32>
          %mul3A_519 = vector.broadcast %squeeze3A_500 : f32 to vector<16xf32>
          %mul3A_520 = arith.mulf %get3A_518, %mul3A_519 : vector<16xf32>
          %swap3A_521 = arith.index_cast %rem3A_366 : i32 to index
          %swap3A_522 = arith.index_cast %add3A_498 : i32 to index
          %swap3A_523 = arith.constant 16 : index
          %swap3A_524 = tpu.vector_load %arg13[%swap3A_521, %swap3A_522, %swap3A_523] {strides = array<i32>} : memref<4x192x32xf32, #tpu.memory_space<vmem>>, vector<1x1x16xf32>,
          %swap3A_525 = vector.shape_cast %swap3A_524 : vector<1x1x16xf32> to vector<16xf32>
          %swap3A_526 = vector.shape_cast %mul3A_520 : vector<16xf32> to vector<1x1x16xf32>
          tpu.vector_store %arg13[%swap3A_521, %swap3A_522, %swap3A_523], %swap3A_526 {strides = array<i32>} : memref<4x192x32xf32, #tpu.memory_space<vmem>>, vector<1x1x16xf32>,
          %mul3A_527 = arith.constant 16 : i32
          %mul3A_528 = arith.muli %scan3A_428, %mul3A_527 : i32
          %add3A_529 = arith.constant 3 : i32
          %add3A_530 = arith.addi %mul3A_528, %add3A_529 : i32
          %slice3A_531 = vector.extract_strided_slice %get3A_433 {offsets = [3], sizes = [1], strides = [1]} : vector<16xf32> to vector<1xf32>
          %squeeze3A_532 = vector.extract %slice3A_531[0] : f32 from vector<1xf32>
          %get3A_533 = arith.index_cast %rem3A_366 : i32 to index
          %get3A_534 = arith.index_cast %add3A_530 : i32 to index
          %get3A_535 = arith.constant 0 : index
          %get3A_536 = tpu.vector_load %arg13[%get3A_533, %get3A_534, %get3A_535] {strides = array<i32>} : memref<4x192x32xf32, #tpu.memory_space<vmem>>, vector<1x1x16xf32>,
          %get3A_537 = vector.shape_cast %get3A_536 : vector<1x1x16xf32> to vector<16xf32>
          %mul3A_538 = vector.broadcast %squeeze3A_532 : f32 to vector<16xf32>
          %mul3A_539 = arith.mulf %get3A_537, %mul3A_538 : vector<16xf32>
          %swap3A_540 = arith.index_cast %rem3A_366 : i32 to index
          %swap3A_541 = arith.index_cast %add3A_530 : i32 to index
          %swap3A_542 = arith.constant 0 : index
          %swap3A_543 = tpu.vector_load %arg13[%swap3A_540, %swap3A_541, %swap3A_542] {strides = array<i32>} : memref<4x192x32xf32, #tpu.memory_space<vmem>>, vector<1x1x16xf32>,
          %swap3A_544 = vector.shape_cast %swap3A_543 : vector<1x1x16xf32> to vector<16xf32>
          %swap3A_545 = vector.shape_cast %mul3A_539 : vector<16xf32> to vector<1x1x16xf32>
          tpu.vector_store %arg13[%swap3A_540, %swap3A_541, %swap3A_542], %swap3A_545 {strides = array<i32>} : memref<4x192x32xf32, #tpu.memory_space<vmem>>, vector<1x1x16xf32>,
          %get3A_546 = arith.index_cast %rem3A_366 : i32 to index
          %get3A_547 = arith.index_cast %add3A_530 : i32 to index
          %get3A_548 = arith.constant 16 : index
          %get3A_549 = tpu.vector_load %arg13[%get3A_546, %get3A_547, %get3A_548] {strides = array<i32>} : memref<4x192x32xf32, #tpu.memory_space<vmem>>, vector<1x1x16xf32>,
          %get3A_550 = vector.shape_cast %get3A_549 : vector<1x1x16xf32> to vector<16xf32>
          %mul3A_551 = vector.broadcast %squeeze3A_532 : f32 to vector<16xf32>
          %mul3A_552 = arith.mulf %get3A_550, %mul3A_551 : vector<16xf32>
          %swap3A_553 = arith.index_cast %rem3A_366 : i32 to index
          %swap3A_554 = arith.index_cast %add3A_530 : i32 to index
          %swap3A_555 = arith.constant 16 : index
          %swap3A_556 = tpu.vector_load %arg13[%swap3A_553, %swap3A_554, %swap3A_555] {strides = array<i32>} : memref<4x192x32xf32, #tpu.memory_space<vmem>>, vector<1x1x16xf32>,
          %swap3A_557 = vector.shape_cast %swap3A_556 : vector<1x1x16xf32> to vector<16xf32>
          %swap3A_558 = vector.shape_cast %mul3A_552 : vector<16xf32> to vector<1x1x16xf32>
          tpu.vector_store %arg13[%swap3A_553, %swap3A_554, %swap3A_555], %swap3A_558 {strides = array<i32>} : memref<4x192x32xf32, #tpu.memory_space<vmem>>, vector<1x1x16xf32>,
          %mul3A_559 = arith.constant 16 : i32
          %mul3A_560 = arith.muli %scan3A_428, %mul3A_559 : i32
          %add3A_561 = arith.constant 4 : i32
          %add3A_562 = arith.addi %mul3A_560, %add3A_561 : i32
          %slice3A_563 = vector.extract_strided_slice %get3A_433 {offsets = [4], sizes = [1], strides = [1]} : vector<16xf32> to vector<1xf32>
          %squeeze3A_564 = vector.extract %slice3A_563[0] : f32 from vector<1xf32>
          %get3A_565 = arith.index_cast %rem3A_366 : i32 to index
          %get3A_566 = arith.index_cast %add3A_562 : i32 to index
          %get3A_567 = arith.constant 0 : index
          %get3A_568 = tpu.vector_load %arg13[%get3A_565, %get3A_566, %get3A_567] {strides = array<i32>} : memref<4x192x32xf32, #tpu.memory_space<vmem>>, vector<1x1x16xf32>,
          %get3A_569 = vector.shape_cast %get3A_568 : vector<1x1x16xf32> to vector<16xf32>
          %mul3A_570 = vector.broadcast %squeeze3A_564 : f32 to vector<16xf32>
          %mul3A_571 = arith.mulf %get3A_569, %mul3A_570 : vector<16xf32>
          %swap3A_572 = arith.index_cast %rem3A_366 : i32 to index
          %swap3A_573 = arith.index_cast %add3A_562 : i32 to index
          %swap3A_574 = arith.constant 0 : index
          %swap3A_575 = tpu.vector_load %arg13[%swap3A_572, %swap3A_573, %swap3A_574] {strides = array<i32>} : memref<4x192x32xf32, #tpu.memory_space<vmem>>, vector<1x1x16xf32>,
          %swap3A_576 = vector.shape_cast %swap3A_575 : vector<1x1x16xf32> to vector<16xf32>
          %swap3A_577 = vector.shape_cast %mul3A_571 : vector<16xf32> to vector<1x1x16xf32>
          tpu.vector_store %arg13[%swap3A_572, %swap3A_573, %swap3A_574], %swap3A_577 {strides = array<i32>} : memref<4x192x32xf32, #tpu.memory_space<vmem>>, vector<1x1x16xf32>,
          %get3A_578 = arith.index_cast %rem3A_366 : i32 to index
          %get3A_579 = arith.index_cast %add3A_562 : i32 to index
          %get3A_580 = arith.constant 16 : index
          %get3A_581 = tpu.vector_load %arg13[%get3A_578, %get3A_579, %get3A_580] {strides = array<i32>} : memref<4x192x32xf32, #tpu.memory_space<vmem>>, vector<1x1x16xf32>,
          %get3A_582 = vector.shape_cast %get3A_581 : vector<1x1x16xf32> to vector<16xf32>
          %mul3A_583 = vector.broadcast %squeeze3A_564 : f32 to vector<16xf32>
          %mul3A_584 = arith.mulf %get3A_582, %mul3A_583 : vector<16xf32>
          %swap3A_585 = arith.index_cast %rem3A_366 : i32 to index
          %swap3A_586 = arith.index_cast %add3A_562 : i32 to index
          %swap3A_587 = arith.constant 16 : index
          %swap3A_588 = tpu.vector_load %arg13[%swap3A_585, %swap3A_586, %swap3A_587] {strides = array<i32>} : memref<4x192x32xf32, #tpu.memory_space<vmem>>, vector<1x1x16xf32>,
          %swap3A_589 = vector.shape_cast %swap3A_588 : vector<1x1x16xf32> to vector<16xf32>
          %swap3A_590 = vector.shape_cast %mul3A_584 : vector<16xf32> to vector<1x1x16xf32>
          tpu.vector_store %arg13[%swap3A_585, %swap3A_586, %swap3A_587], %swap3A_590 {strides = array<i32>} : memref<4x192x32xf32, #tpu.memory_space<vmem>>, vector<1x1x16xf32>,
          %mul3A_591 = arith.constant 16 : i32
          %mul3A_592 = arith.muli %scan3A_428, %mul3A_591 : i32
          %add3A_593 = arith.constant 5 : i32
          %add3A_594 = arith.addi %mul3A_592, %add3A_593 : i32
          %slice3A_595 = vector.extract_strided_slice %get3A_433 {offsets = [5], sizes = [1], strides = [1]} : vector<16xf32> to vector<1xf32>
          %squeeze3A_596 = vector.extract %slice3A_595[0] : f32 from vector<1xf32>
          %get3A_597 = arith.index_cast %rem3A_366 : i32 to index
          %get3A_598 = arith.index_cast %add3A_594 : i32 to index
          %get3A_599 = arith.constant 0 : index
          %get3A_600 = tpu.vector_load %arg13[%get3A_597, %get3A_598, %get3A_599] {strides = array<i32>} : memref<4x192x32xf32, #tpu.memory_space<vmem>>, vector<1x1x16xf32>,
          %get3A_601 = vector.shape_cast %get3A_600 : vector<1x1x16xf32> to vector<16xf32>
          %mul3A_602 = vector.broadcast %squeeze3A_596 : f32 to vector<16xf32>
          %mul3A_603 = arith.mulf %get3A_601, %mul3A_602 : vector<16xf32>
          %swap3A_604 = arith.index_cast %rem3A_366 : i32 to index
          %swap3A_605 = arith.index_cast %add3A_594 : i32 to index
          %swap3A_606 = arith.constant 0 : index
          %swap3A_607 = tpu.vector_load %arg13[%swap3A_604, %swap3A_605, %swap3A_606] {strides = array<i32>} : memref<4x192x32xf32, #tpu.memory_space<vmem>>, vector<1x1x16xf32>,
          %swap3A_608 = vector.shape_cast %swap3A_607 : vector<1x1x16xf32> to vector<16xf32>
          %swap3A_609 = vector.shape_cast %mul3A_603 : vector<16xf32> to vector<1x1x16xf32>
          tpu.vector_store %arg13[%swap3A_604, %swap3A_605, %swap3A_606], %swap3A_609 {strides = array<i32>} : memref<4x192x32xf32, #tpu.memory_space<vmem>>, vector<1x1x16xf32>,
          %get3A_610 = arith.index_cast %rem3A_366 : i32 to index
          %get3A_611 = arith.index_cast %add3A_594 : i32 to index
          %get3A_612 = arith.constant 16 : index
          %get3A_613 = tpu.vector_load %arg13[%get3A_610, %get3A_611, %get3A_612] {strides = array<i32>} : memref<4x192x32xf32, #tpu.memory_space<vmem>>, vector<1x1x16xf32>,
          %get3A_614 = vector.shape_cast %get3A_613 : vector<1x1x16xf32> to vector<16xf32>
          %mul3A_615 = vector.broadcast %squeeze3A_596 : f32 to vector<16xf32>
          %mul3A_616 = arith.mulf %get3A_614, %mul3A_615 : vector<16xf32>
          %swap3A_617 = arith.index_cast %rem3A_366 : i32 to index
          %swap3A_618 = arith.index_cast %add3A_594 : i32 to index
          %swap3A_619 = arith.constant 16 : index
          %swap3A_620 = tpu.vector_load %arg13[%swap3A_617, %swap3A_618, %swap3A_619] {strides = array<i32>} : memref<4x192x32xf32, #tpu.memory_space<vmem>>, vector<1x1x16xf32>,
          %swap3A_621 = vector.shape_cast %swap3A_620 : vector<1x1x16xf32> to vector<16xf32>
          %swap3A_622 = vector.shape_cast %mul3A_616 : vector<16xf32> to vector<1x1x16xf32>
          tpu.vector_store %arg13[%swap3A_617, %swap3A_618, %swap3A_619], %swap3A_622 {strides = array<i32>} : memref<4x192x32xf32, #tpu.memory_space<vmem>>, vector<1x1x16xf32>,
          %mul3A_623 = arith.constant 16 : i32
          %mul3A_624 = arith.muli %scan3A_428, %mul3A_623 : i32
          %add3A_625 = arith.constant 6 : i32
          %add3A_626 = arith.addi %mul3A_624, %add3A_625 : i32
          %slice3A_627 = vector.extract_strided_slice %get3A_433 {offsets = [6], sizes = [1], strides = [1]} : vector<16xf32> to vector<1xf32>
          %squeeze3A_628 = vector.extract %slice3A_627[0] : f32 from vector<1xf32>
          %get3A_629 = arith.index_cast %rem3A_366 : i32 to index
          %get3A_630 = arith.index_cast %add3A_626 : i32 to index
          %get3A_631 = arith.constant 0 : index
          %get3A_632 = tpu.vector_load %arg13[%get3A_629, %get3A_630, %get3A_631] {strides = array<i32>} : memref<4x192x32xf32, #tpu.memory_space<vmem>>, vector<1x1x16xf32>,
          %get3A_633 = vector.shape_cast %get3A_632 : vector<1x1x16xf32> to vector<16xf32>
          %mul3A_634 = vector.broadcast %squeeze3A_628 : f32 to vector<16xf32>
          %mul3A_635 = arith.mulf %get3A_633, %mul3A_634 : vector<16xf32>
          %swap3A_636 = arith.index_cast %rem3A_366 : i32 to index
          %swap3A_637 = arith.index_cast %add3A_626 : i32 to index
          %swap3A_638 = arith.constant 0 : index
          %swap3A_639 = tpu.vector_load %arg13[%swap3A_636, %swap3A_637, %swap3A_638] {strides = array<i32>} : memref<4x192x32xf32, #tpu.memory_space<vmem>>, vector<1x1x16xf32>,
          %swap3A_640 = vector.shape_cast %swap3A_639 : vector<1x1x16xf32> to vector<16xf32>
          %swap3A_641 = vector.shape_cast %mul3A_635 : vector<16xf32> to vector<1x1x16xf32>
          tpu.vector_store %arg13[%swap3A_636, %swap3A_637, %swap3A_638], %swap3A_641 {strides = array<i32>} : memref<4x192x32xf32, #tpu.memory_space<vmem>>, vector<1x1x16xf32>,
          %get3A_642 = arith.index_cast %rem3A_366 : i32 to index
          %get3A_643 = arith.index_cast %add3A_626 : i32 to index
          %get3A_644 = arith.constant 16 : index
          %get3A_645 = tpu.vector_load %arg13[%get3A_642, %get3A_643, %get3A_644] {strides = array<i32>} : memref<4x192x32xf32, #tpu.memory_space<vmem>>, vector<1x1x16xf32>,
          %get3A_646 = vector.shape_cast %get3A_645 : vector<1x1x16xf32> to vector<16xf32>
          %mul3A_647 = vector.broadcast %squeeze3A_628 : f32 to vector<16xf32>
          %mul3A_648 = arith.mulf %get3A_646, %mul3A_647 : vector<16xf32>
          %swap3A_649 = arith.index_cast %rem3A_366 : i32 to index
          %swap3A_650 = arith.index_cast %add3A_626 : i32 to index
          %swap3A_651 = arith.constant 16 : index
          %swap3A_652 = tpu.vector_load %arg13[%swap3A_649, %swap3A_650, %swap3A_651] {strides = array<i32>} : memref<4x192x32xf32, #tpu.memory_space<vmem>>, vector<1x1x16xf32>,
          %swap3A_653 = vector.shape_cast %swap3A_652 : vector<1x1x16xf32> to vector<16xf32>
          %swap3A_654 = vector.shape_cast %mul3A_648 : vector<16xf32> to vector<1x1x16xf32>
          tpu.vector_store %arg13[%swap3A_649, %swap3A_650, %swap3A_651], %swap3A_654 {strides = array<i32>} : memref<4x192x32xf32, #tpu.memory_space<vmem>>, vector<1x1x16xf32>,
          %mul3A_655 = arith.constant 16 : i32
          %mul3A_656 = arith.muli %scan3A_428, %mul3A_655 : i32
          %add3A_657 = arith.constant 7 : i32
          %add3A_658 = arith.addi %mul3A_656, %add3A_657 : i32
          %slice3A_659 = vector.extract_strided_slice %get3A_433 {offsets = [7], sizes = [1], strides = [1]} : vector<16xf32> to vector<1xf32>
          %squeeze3A_660 = vector.extract %slice3A_659[0] : f32 from vector<1xf32>
          %get3A_661 = arith.index_cast %rem3A_366 : i32 to index
          %get3A_662 = arith.index_cast %add3A_658 : i32 to index
          %get3A_663 = arith.constant 0 : index
          %get3A_664 = tpu.vector_load %arg13[%get3A_661, %get3A_662, %get3A_663] {strides = array<i32>} : memref<4x192x32xf32, #tpu.memory_space<vmem>>, vector<1x1x16xf32>,
          %get3A_665 = vector.shape_cast %get3A_664 : vector<1x1x16xf32> to vector<16xf32>
          %mul3A_666 = vector.broadcast %squeeze3A_660 : f32 to vector<16xf32>
          %mul3A_667 = arith.mulf %get3A_665, %mul3A_666 : vector<16xf32>
          %swap3A_668 = arith.index_cast %rem3A_366 : i32 to index
          %swap3A_669 = arith.index_cast %add3A_658 : i32 to index
          %swap3A_670 = arith.constant 0 : index
          %swap3A_671 = tpu.vector_load %arg13[%swap3A_668, %swap3A_669, %swap3A_670] {strides = array<i32>} : memref<4x192x32xf32, #tpu.memory_space<vmem>>, vector<1x1x16xf32>,
          %swap3A_672 = vector.shape_cast %swap3A_671 : vector<1x1x16xf32> to vector<16xf32>
          %swap3A_673 = vector.shape_cast %mul3A_667 : vector<16xf32> to vector<1x1x16xf32>
          tpu.vector_store %arg13[%swap3A_668, %swap3A_669, %swap3A_670], %swap3A_673 {strides = array<i32>} : memref<4x192x32xf32, #tpu.memory_space<vmem>>, vector<1x1x16xf32>,
          %get3A_674 = arith.index_cast %rem3A_366 : i32 to index
          %get3A_675 = arith.index_cast %add3A_658 : i32 to index
          %get3A_676 = arith.constant 16 : index
          %get3A_677 = tpu.vector_load %arg13[%get3A_674, %get3A_675, %get3A_676] {strides = array<i32>} : memref<4x192x32xf32, #tpu.memory_space<vmem>>, vector<1x1x16xf32>,
          %get3A_678 = vector.shape_cast %get3A_677 : vector<1x1x16xf32> to vector<16xf32>
          %mul3A_679 = vector.broadcast %squeeze3A_660 : f32 to vector<16xf32>
          %mul3A_680 = arith.mulf %get3A_678, %mul3A_679 : vector<16xf32>
          %swap3A_681 = arith.index_cast %rem3A_366 : i32 to index
          %swap3A_682 = arith.index_cast %add3A_658 : i32 to index
          %swap3A_683 = arith.constant 16 : index
          %swap3A_684 = tpu.vector_load %arg13[%swap3A_681, %swap3A_682, %swap3A_683] {strides = array<i32>} : memref<4x192x32xf32, #tpu.memory_space<vmem>>, vector<1x1x16xf32>,
          %swap3A_685 = vector.shape_cast %swap3A_684 : vector<1x1x16xf32> to vector<16xf32>
          %swap3A_686 = vector.shape_cast %mul3A_680 : vector<16xf32> to vector<1x1x16xf32>
          tpu.vector_store %arg13[%swap3A_681, %swap3A_682, %swap3A_683], %swap3A_686 {strides = array<i32>} : memref<4x192x32xf32, #tpu.memory_space<vmem>>, vector<1x1x16xf32>,
          %mul3A_687 = arith.constant 16 : i32
          %mul3A_688 = arith.muli %scan3A_428, %mul3A_687 : i32
          %add3A_689 = arith.constant 8 : i32
          %add3A_690 = arith.addi %mul3A_688, %add3A_689 : i32
          %slice3A_691 = vector.extract_strided_slice %get3A_433 {offsets = [8], sizes = [1], strides = [1]} : vector<16xf32> to vector<1xf32>
          %squeeze3A_692 = vector.extract %slice3A_691[0] : f32 from vector<1xf32>
          %get3A_693 = arith.index_cast %rem3A_366 : i32 to index
          %get3A_694 = arith.index_cast %add3A_690 : i32 to index
          %get3A_695 = arith.constant 0 : index
          %get3A_696 = tpu.vector_load %arg13[%get3A_693, %get3A_694, %get3A_695] {strides = array<i32>} : memref<4x192x32xf32, #tpu.memory_space<vmem>>, vector<1x1x16xf32>,
          %get3A_697 = vector.shape_cast %get3A_696 : vector<1x1x16xf32> to vector<16xf32>
          %mul3A_698 = vector.broadcast %squeeze3A_692 : f32 to vector<16xf32>
          %mul3A_699 = arith.mulf %get3A_697, %mul3A_698 : vector<16xf32>
          %swap3A_700 = arith.index_cast %rem3A_366 : i32 to index
          %swap3A_701 = arith.index_cast %add3A_690 : i32 to index
          %swap3A_702 = arith.constant 0 : index
          %swap3A_703 = tpu.vector_load %arg13[%swap3A_700, %swap3A_701, %swap3A_702] {strides = array<i32>} : memref<4x192x32xf32, #tpu.memory_space<vmem>>, vector<1x1x16xf32>,
          %swap3A_704 = vector.shape_cast %swap3A_703 : vector<1x1x16xf32> to vector<16xf32>
          %swap3A_705 = vector.shape_cast %mul3A_699 : vector<16xf32> to vector<1x1x16xf32>
          tpu.vector_store %arg13[%swap3A_700, %swap3A_701, %swap3A_702], %swap3A_705 {strides = array<i32>} : memref<4x192x32xf32, #tpu.memory_space<vmem>>, vector<1x1x16xf32>,
          %get3A_706 = arith.index_cast %rem3A_366 : i32 to index
          %get3A_707 = arith.index_cast %add3A_690 : i32 to index
          %get3A_708 = arith.constant 16 : index
          %get3A_709 = tpu.vector_load %arg13[%get3A_706, %get3A_707, %get3A_708] {strides = array<i32>} : memref<4x192x32xf32, #tpu.memory_space<vmem>>, vector<1x1x16xf32>,
          %get3A_710 = vector.shape_cast %get3A_709 : vector<1x1x16xf32> to vector<16xf32>
          %mul3A_711 = vector.broadcast %squeeze3A_692 : f32 to vector<16xf32>
          %mul3A_712 = arith.mulf %get3A_710, %mul3A_711 : vector<16xf32>
          %swap3A_713 = arith.index_cast %rem3A_366 : i32 to index
          %swap3A_714 = arith.index_cast %add3A_690 : i32 to index
          %swap3A_715 = arith.constant 16 : index
          %swap3A_716 = tpu.vector_load %arg13[%swap3A_713, %swap3A_714, %swap3A_715] {strides = array<i32>} : memref<4x192x32xf32, #tpu.memory_space<vmem>>, vector<1x1x16xf32>,
          %swap3A_717 = vector.shape_cast %swap3A_716 : vector<1x1x16xf32> to vector<16xf32>
          %swap3A_718 = vector.shape_cast %mul3A_712 : vector<16xf32> to vector<1x1x16xf32>
          tpu.vector_store %arg13[%swap3A_713, %swap3A_714, %swap3A_715], %swap3A_718 {strides = array<i32>} : memref<4x192x32xf32, #tpu.memory_space<vmem>>, vector<1x1x16xf32>,
          %mul3A_719 = arith.constant 16 : i32
          %mul3A_720 = arith.muli %scan3A_428, %mul3A_719 : i32
          %add3A_721 = arith.constant 9 : i32
          %add3A_722 = arith.addi %mul3A_720, %add3A_721 : i32
          %slice3A_723 = vector.extract_strided_slice %get3A_433 {offsets = [9], sizes = [1], strides = [1]} : vector<16xf32> to vector<1xf32>
          %squeeze3A_724 = vector.extract %slice3A_723[0] : f32 from vector<1xf32>
          %get3A_725 = arith.index_cast %rem3A_366 : i32 to index
          %get3A_726 = arith.index_cast %add3A_722 : i32 to index
          %get3A_727 = arith.constant 0 : index
          %get3A_728 = tpu.vector_load %arg13[%get3A_725, %get3A_726, %get3A_727] {strides = array<i32>} : memref<4x192x32xf32, #tpu.memory_space<vmem>>, vector<1x1x16xf32>,
          %get3A_729 = vector.shape_cast %get3A_728 : vector<1x1x16xf32> to vector<16xf32>
          %mul3A_730 = vector.broadcast %squeeze3A_724 : f32 to vector<16xf32>
          %mul3A_731 = arith.mulf %get3A_729, %mul3A_730 : vector<16xf32>
          %swap3A_732 = arith.index_cast %rem3A_366 : i32 to index
          %swap3A_733 = arith.index_cast %add3A_722 : i32 to index
          %swap3A_734 = arith.constant 0 : index
          %swap3A_735 = tpu.vector_load %arg13[%swap3A_732, %swap3A_733, %swap3A_734] {strides = array<i32>} : memref<4x192x32xf32, #tpu.memory_space<vmem>>, vector<1x1x16xf32>,
          %swap3A_736 = vector.shape_cast %swap3A_735 : vector<1x1x16xf32> to vector<16xf32>
          %swap3A_737 = vector.shape_cast %mul3A_731 : vector<16xf32> to vector<1x1x16xf32>
          tpu.vector_store %arg13[%swap3A_732, %swap3A_733, %swap3A_734], %swap3A_737 {strides = array<i32>} : memref<4x192x32xf32, #tpu.memory_space<vmem>>, vector<1x1x16xf32>,
          %get3A_738 = arith.index_cast %rem3A_366 : i32 to index
          %get3A_739 = arith.index_cast %add3A_722 : i32 to index
          %get3A_740 = arith.constant 16 : index
          %get3A_741 = tpu.vector_load %arg13[%get3A_738, %get3A_739, %get3A_740] {strides = array<i32>} : memref<4x192x32xf32, #tpu.memory_space<vmem>>, vector<1x1x16xf32>,
          %get3A_742 = vector.shape_cast %get3A_741 : vector<1x1x16xf32> to vector<16xf32>
          %mul3A_743 = vector.broadcast %squeeze3A_724 : f32 to vector<16xf32>
          %mul3A_744 = arith.mulf %get3A_742, %mul3A_743 : vector<16xf32>
          %swap3A_745 = arith.index_cast %rem3A_366 : i32 to index
          %swap3A_746 = arith.index_cast %add3A_722 : i32 to index
          %swap3A_747 = arith.constant 16 : index
          %swap3A_748 = tpu.vector_load %arg13[%swap3A_745, %swap3A_746, %swap3A_747] {strides = array<i32>} : memref<4x192x32xf32, #tpu.memory_space<vmem>>, vector<1x1x16xf32>,
          %swap3A_749 = vector.shape_cast %swap3A_748 : vector<1x1x16xf32> to vector<16xf32>
          %swap3A_750 = vector.shape_cast %mul3A_744 : vector<16xf32> to vector<1x1x16xf32>
          tpu.vector_store %arg13[%swap3A_745, %swap3A_746, %swap3A_747], %swap3A_750 {strides = array<i32>} : memref<4x192x32xf32, #tpu.memory_space<vmem>>, vector<1x1x16xf32>,
          %mul3A_751 = arith.constant 16 : i32
          %mul3A_752 = arith.muli %scan3A_428, %mul3A_751 : i32
          %add3A_753 = arith.constant 10 : i32
          %add3A_754 = arith.addi %mul3A_752, %add3A_753 : i32
          %slice3A_755 = vector.extract_strided_slice %get3A_433 {offsets = [10], sizes = [1], strides = [1]} : vector<16xf32> to vector<1xf32>
          %squeeze3A_756 = vector.extract %slice3A_755[0] : f32 from vector<1xf32>
          %get3A_757 = arith.index_cast %rem3A_366 : i32 to index
          %get3A_758 = arith.index_cast %add3A_754 : i32 to index
          %get3A_759 = arith.constant 0 : index
          %get3A_760 = tpu.vector_load %arg13[%get3A_757, %get3A_758, %get3A_759] {strides = array<i32>} : memref<4x192x32xf32, #tpu.memory_space<vmem>>, vector<1x1x16xf32>,
          %get3A_761 = vector.shape_cast %get3A_760 : vector<1x1x16xf32> to vector<16xf32>
          %mul3A_762 = vector.broadcast %squeeze3A_756 : f32 to vector<16xf32>
          %mul3A_763 = arith.mulf %get3A_761, %mul3A_762 : vector<16xf32>
          %swap3A_764 = arith.index_cast %rem3A_366 : i32 to index
          %swap3A_765 = arith.index_cast %add3A_754 : i32 to index
          %swap3A_766 = arith.constant 0 : index
          %swap3A_767 = tpu.vector_load %arg13[%swap3A_764, %swap3A_765, %swap3A_766] {strides = array<i32>} : memref<4x192x32xf32, #tpu.memory_space<vmem>>, vector<1x1x16xf32>,
          %swap3A_768 = vector.shape_cast %swap3A_767 : vector<1x1x16xf32> to vector<16xf32>
          %swap3A_769 = vector.shape_cast %mul3A_763 : vector<16xf32> to vector<1x1x16xf32>
          tpu.vector_store %arg13[%swap3A_764, %swap3A_765, %swap3A_766], %swap3A_769 {strides = array<i32>} : memref<4x192x32xf32, #tpu.memory_space<vmem>>, vector<1x1x16xf32>,
          %get3A_770 = arith.index_cast %rem3A_366 : i32 to index
          %get3A_771 = arith.index_cast %add3A_754 : i32 to index
          %get3A_772 = arith.constant 16 : index
          %get3A_773 = tpu.vector_load %arg13[%get3A_770, %get3A_771, %get3A_772] {strides = array<i32>} : memref<4x192x32xf32, #tpu.memory_space<vmem>>, vector<1x1x16xf32>,
          %get3A_774 = vector.shape_cast %get3A_773 : vector<1x1x16xf32> to vector<16xf32>
          %mul3A_775 = vector.broadcast %squeeze3A_756 : f32 to vector<16xf32>
          %mul3A_776 = arith.mulf %get3A_774, %mul3A_775 : vector<16xf32>
          %swap3A_777 = arith.index_cast %rem3A_366 : i32 to index
          %swap3A_778 = arith.index_cast %add3A_754 : i32 to index
          %swap3A_779 = arith.constant 16 : index
          %swap3A_780 = tpu.vector_load %arg13[%swap3A_777, %swap3A_778, %swap3A_779] {strides = array<i32>} : memref<4x192x32xf32, #tpu.memory_space<vmem>>, vector<1x1x16xf32>,
          %swap3A_781 = vector.shape_cast %swap3A_780 : vector<1x1x16xf32> to vector<16xf32>
          %swap3A_782 = vector.shape_cast %mul3A_776 : vector<16xf32> to vector<1x1x16xf32>
          tpu.vector_store %arg13[%swap3A_777, %swap3A_778, %swap3A_779], %swap3A_782 {strides = array<i32>} : memref<4x192x32xf32, #tpu.memory_space<vmem>>, vector<1x1x16xf32>,
          %mul3A_783 = arith.constant 16 : i32
          %mul3A_784 = arith.muli %scan3A_428, %mul3A_783 : i32
          %add3A_785 = arith.constant 11 : i32
          %add3A_786 = arith.addi %mul3A_784, %add3A_785 : i32
          %slice3A_787 = vector.extract_strided_slice %get3A_433 {offsets = [11], sizes = [1], strides = [1]} : vector<16xf32> to vector<1xf32>
          %squeeze3A_788 = vector.extract %slice3A_787[0] : f32 from vector<1xf32>
          %get3A_789 = arith.index_cast %rem3A_366 : i32 to index
          %get3A_790 = arith.index_cast %add3A_786 : i32 to index
          %get3A_791 = arith.constant 0 : index
          %get3A_792 = tpu.vector_load %arg13[%get3A_789, %get3A_790, %get3A_791] {strides = array<i32>} : memref<4x192x32xf32, #tpu.memory_space<vmem>>, vector<1x1x16xf32>,
          %get3A_793 = vector.shape_cast %get3A_792 : vector<1x1x16xf32> to vector<16xf32>
          %mul3A_794 = vector.broadcast %squeeze3A_788 : f32 to vector<16xf32>
          %mul3A_795 = arith.mulf %get3A_793, %mul3A_794 : vector<16xf32>
          %swap3A_796 = arith.index_cast %rem3A_366 : i32 to index
          %swap3A_797 = arith.index_cast %add3A_786 : i32 to index
          %swap3A_798 = arith.constant 0 : index
          %swap3A_799 = tpu.vector_load %arg13[%swap3A_796, %swap3A_797, %swap3A_798] {strides = array<i32>} : memref<4x192x32xf32, #tpu.memory_space<vmem>>, vector<1x1x16xf32>,
          %swap3A_800 = vector.shape_cast %swap3A_799 : vector<1x1x16xf32> to vector<16xf32>
          %swap3A_801 = vector.shape_cast %mul3A_795 : vector<16xf32> to vector<1x1x16xf32>
          tpu.vector_store %arg13[%swap3A_796, %swap3A_797, %swap3A_798], %swap3A_801 {strides = array<i32>} : memref<4x192x32xf32, #tpu.memory_space<vmem>>, vector<1x1x16xf32>,
          %get3A_802 = arith.index_cast %rem3A_366 : i32 to index
          %get3A_803 = arith.index_cast %add3A_786 : i32 to index
          %get3A_804 = arith.constant 16 : index
          %get3A_805 = tpu.vector_load %arg13[%get3A_802, %get3A_803, %get3A_804] {strides = array<i32>} : memref<4x192x32xf32, #tpu.memory_space<vmem>>, vector<1x1x16xf32>,
          %get3A_806 = vector.shape_cast %get3A_805 : vector<1x1x16xf32> to vector<16xf32>
          %mul3A_807 = vector.broadcast %squeeze3A_788 : f32 to vector<16xf32>
          %mul3A_808 = arith.mulf %get3A_806, %mul3A_807 : vector<16xf32>
          %swap3A_809 = arith.index_cast %rem3A_366 : i32 to index
          %swap3A_810 = arith.index_cast %add3A_786 : i32 to index
          %swap3A_811 = arith.constant 16 : index
          %swap3A_812 = tpu.vector_load %arg13[%swap3A_809, %swap3A_810, %swap3A_811] {strides = array<i32>} : memref<4x192x32xf32, #tpu.memory_space<vmem>>, vector<1x1x16xf32>,
          %swap3A_813 = vector.shape_cast %swap3A_812 : vector<1x1x16xf32> to vector<16xf32>
          %swap3A_814 = vector.shape_cast %mul3A_808 : vector<16xf32> to vector<1x1x16xf32>
          tpu.vector_store %arg13[%swap3A_809, %swap3A_810, %swap3A_811], %swap3A_814 {strides = array<i32>} : memref<4x192x32xf32, #tpu.memory_space<vmem>>, vector<1x1x16xf32>,
          %mul3A_815 = arith.constant 16 : i32
          %mul3A_816 = arith.muli %scan3A_428, %mul3A_815 : i32
          %add3A_817 = arith.constant 12 : i32
          %add3A_818 = arith.addi %mul3A_816, %add3A_817 : i32
          %slice3A_819 = vector.extract_strided_slice %get3A_433 {offsets = [12], sizes = [1], strides = [1]} : vector<16xf32> to vector<1xf32>
          %squeeze3A_820 = vector.extract %slice3A_819[0] : f32 from vector<1xf32>
          %get3A_821 = arith.index_cast %rem3A_366 : i32 to index
          %get3A_822 = arith.index_cast %add3A_818 : i32 to index
          %get3A_823 = arith.constant 0 : index
          %get3A_824 = tpu.vector_load %arg13[%get3A_821, %get3A_822, %get3A_823] {strides = array<i32>} : memref<4x192x32xf32, #tpu.memory_space<vmem>>, vector<1x1x16xf32>,
          %get3A_825 = vector.shape_cast %get3A_824 : vector<1x1x16xf32> to vector<16xf32>
          %mul3A_826 = vector.broadcast %squeeze3A_820 : f32 to vector<16xf32>
          %mul3A_827 = arith.mulf %get3A_825, %mul3A_826 : vector<16xf32>
          %swap3A_828 = arith.index_cast %rem3A_366 : i32 to index
          %swap3A_829 = arith.index_cast %add3A_818 : i32 to index
          %swap3A_830 = arith.constant 0 : index
          %swap3A_831 = tpu.vector_load %arg13[%swap3A_828, %swap3A_829, %swap3A_830] {strides = array<i32>} : memref<4x192x32xf32, #tpu.memory_space<vmem>>, vector<1x1x16xf32>,
          %swap3A_832 = vector.shape_cast %swap3A_831 : vector<1x1x16xf32> to vector<16xf32>
          %swap3A_833 = vector.shape_cast %mul3A_827 : vector<16xf32> to vector<1x1x16xf32>
          tpu.vector_store %arg13[%swap3A_828, %swap3A_829, %swap3A_830], %swap3A_833 {strides = array<i32>} : memref<4x192x32xf32, #tpu.memory_space<vmem>>, vector<1x1x16xf32>,
          %get3A_834 = arith.index_cast %rem3A_366 : i32 to index
          %get3A_835 = arith.index_cast %add3A_818 : i32 to index
          %get3A_836 = arith.constant 16 : index
          %get3A_837 = tpu.vector_load %arg13[%get3A_834, %get3A_835, %get3A_836] {strides = array<i32>} : memref<4x192x32xf32, #tpu.memory_space<vmem>>, vector<1x1x16xf32>,
          %get3A_838 = vector.shape_cast %get3A_837 : vector<1x1x16xf32> to vector<16xf32>
          %mul3A_839 = vector.broadcast %squeeze3A_820 : f32 to vector<16xf32>
          %mul3A_840 = arith.mulf %get3A_838, %mul3A_839 : vector<16xf32>
          %swap3A_841 = arith.index_cast %rem3A_366 : i32 to index
          %swap3A_842 = arith.index_cast %add3A_818 : i32 to index
          %swap3A_843 = arith.constant 16 : index
          %swap3A_844 = tpu.vector_load %arg13[%swap3A_841, %swap3A_842, %swap3A_843] {strides = array<i32>} : memref<4x192x32xf32, #tpu.memory_space<vmem>>, vector<1x1x16xf32>,
          %swap3A_845 = vector.shape_cast %swap3A_844 : vector<1x1x16xf32> to vector<16xf32>
          %swap3A_846 = vector.shape_cast %mul3A_840 : vector<16xf32> to vector<1x1x16xf32>
          tpu.vector_store %arg13[%swap3A_841, %swap3A_842, %swap3A_843], %swap3A_846 {strides = array<i32>} : memref<4x192x32xf32, #tpu.memory_space<vmem>>, vector<1x1x16xf32>,
          %mul3A_847 = arith.constant 16 : i32
          %mul3A_848 = arith.muli %scan3A_428, %mul3A_847 : i32
          %add3A_849 = arith.constant 13 : i32
          %add3A_850 = arith.addi %mul3A_848, %add3A_849 : i32
          %slice3A_851 = vector.extract_strided_slice %get3A_433 {offsets = [13], sizes = [1], strides = [1]} : vector<16xf32> to vector<1xf32>
          %squeeze3A_852 = vector.extract %slice3A_851[0] : f32 from vector<1xf32>
          %get3A_853 = arith.index_cast %rem3A_366 : i32 to index
          %get3A_854 = arith.index_cast %add3A_850 : i32 to index
          %get3A_855 = arith.constant 0 : index
          %get3A_856 = tpu.vector_load %arg13[%get3A_853, %get3A_854, %get3A_855] {strides = array<i32>} : memref<4x192x32xf32, #tpu.memory_space<vmem>>, vector<1x1x16xf32>,
          %get3A_857 = vector.shape_cast %get3A_856 : vector<1x1x16xf32> to vector<16xf32>
          %mul3A_858 = vector.broadcast %squeeze3A_852 : f32 to vector<16xf32>
          %mul3A_859 = arith.mulf %get3A_857, %mul3A_858 : vector<16xf32>
          %swap3A_860 = arith.index_cast %rem3A_366 : i32 to index
          %swap3A_861 = arith.index_cast %add3A_850 : i32 to index
          %swap3A_862 = arith.constant 0 : index
          %swap3A_863 = tpu.vector_load %arg13[%swap3A_860, %swap3A_861, %swap3A_862] {strides = array<i32>} : memref<4x192x32xf32, #tpu.memory_space<vmem>>, vector<1x1x16xf32>,
          %swap3A_864 = vector.shape_cast %swap3A_863 : vector<1x1x16xf32> to vector<16xf32>
          %swap3A_865 = vector.shape_cast %mul3A_859 : vector<16xf32> to vector<1x1x16xf32>
          tpu.vector_store %arg13[%swap3A_860, %swap3A_861, %swap3A_862], %swap3A_865 {strides = array<i32>} : memref<4x192x32xf32, #tpu.memory_space<vmem>>, vector<1x1x16xf32>,
          %get3A_866 = arith.index_cast %rem3A_366 : i32 to index
          %get3A_867 = arith.index_cast %add3A_850 : i32 to index
          %get3A_868 = arith.constant 16 : index
          %get3A_869 = tpu.vector_load %arg13[%get3A_866, %get3A_867, %get3A_868] {strides = array<i32>} : memref<4x192x32xf32, #tpu.memory_space<vmem>>, vector<1x1x16xf32>,
          %get3A_870 = vector.shape_cast %get3A_869 : vector<1x1x16xf32> to vector<16xf32>
          %mul3A_871 = vector.broadcast %squeeze3A_852 : f32 to vector<16xf32>
          %mul3A_872 = arith.mulf %get3A_870, %mul3A_871 : vector<16xf32>
          %swap3A_873 = arith.index_cast %rem3A_366 : i32 to index
          %swap3A_874 = arith.index_cast %add3A_850 : i32 to index
          %swap3A_875 = arith.constant 16 : index
          %swap3A_876 = tpu.vector_load %arg13[%swap3A_873, %swap3A_874, %swap3A_875] {strides = array<i32>} : memref<4x192x32xf32, #tpu.memory_space<vmem>>, vector<1x1x16xf32>,
          %swap3A_877 = vector.shape_cast %swap3A_876 : vector<1x1x16xf32> to vector<16xf32>
          %swap3A_878 = vector.shape_cast %mul3A_872 : vector<16xf32> to vector<1x1x16xf32>
          tpu.vector_store %arg13[%swap3A_873, %swap3A_874, %swap3A_875], %swap3A_878 {strides = array<i32>} : memref<4x192x32xf32, #tpu.memory_space<vmem>>, vector<1x1x16xf32>,
          %mul3A_879 = arith.constant 16 : i32
          %mul3A_880 = arith.muli %scan3A_428, %mul3A_879 : i32
          %add3A_881 = arith.constant 14 : i32
          %add3A_882 = arith.addi %mul3A_880, %add3A_881 : i32
          %slice3A_883 = vector.extract_strided_slice %get3A_433 {offsets = [14], sizes = [1], strides = [1]} : vector<16xf32> to vector<1xf32>
          %squeeze3A_884 = vector.extract %slice3A_883[0] : f32 from vector<1xf32>
          %get3A_885 = arith.index_cast %rem3A_366 : i32 to index
          %get3A_886 = arith.index_cast %add3A_882 : i32 to index
          %get3A_887 = arith.constant 0 : index
          %get3A_888 = tpu.vector_load %arg13[%get3A_885, %get3A_886, %get3A_887] {strides = array<i32>} : memref<4x192x32xf32, #tpu.memory_space<vmem>>, vector<1x1x16xf32>,
          %get3A_889 = vector.shape_cast %get3A_888 : vector<1x1x16xf32> to vector<16xf32>
          %mul3A_890 = vector.broadcast %squeeze3A_884 : f32 to vector<16xf32>
          %mul3A_891 = arith.mulf %get3A_889, %mul3A_890 : vector<16xf32>
          %swap3A_892 = arith.index_cast %rem3A_366 : i32 to index
          %swap3A_893 = arith.index_cast %add3A_882 : i32 to index
          %swap3A_894 = arith.constant 0 : index
          %swap3A_895 = tpu.vector_load %arg13[%swap3A_892, %swap3A_893, %swap3A_894] {strides = array<i32>} : memref<4x192x32xf32, #tpu.memory_space<vmem>>, vector<1x1x16xf32>,
          %swap3A_896 = vector.shape_cast %swap3A_895 : vector<1x1x16xf32> to vector<16xf32>
          %swap3A_897 = vector.shape_cast %mul3A_891 : vector<16xf32> to vector<1x1x16xf32>
          tpu.vector_store %arg13[%swap3A_892, %swap3A_893, %swap3A_894], %swap3A_897 {strides = array<i32>} : memref<4x192x32xf32, #tpu.memory_space<vmem>>, vector<1x1x16xf32>,
          %get3A_898 = arith.index_cast %rem3A_366 : i32 to index
          %get3A_899 = arith.index_cast %add3A_882 : i32 to index
          %get3A_900 = arith.constant 16 : index
          %get3A_901 = tpu.vector_load %arg13[%get3A_898, %get3A_899, %get3A_900] {strides = array<i32>} : memref<4x192x32xf32, #tpu.memory_space<vmem>>, vector<1x1x16xf32>,
          %get3A_902 = vector.shape_cast %get3A_901 : vector<1x1x16xf32> to vector<16xf32>
          %mul3A_903 = vector.broadcast %squeeze3A_884 : f32 to vector<16xf32>
          %mul3A_904 = arith.mulf %get3A_902, %mul3A_903 : vector<16xf32>
          %swap3A_905 = arith.index_cast %rem3A_366 : i32 to index
          %swap3A_906 = arith.index_cast %add3A_882 : i32 to index
          %swap3A_907 = arith.constant 16 : index
          %swap3A_908 = tpu.vector_load %arg13[%swap3A_905, %swap3A_906, %swap3A_907] {strides = array<i32>} : memref<4x192x32xf32, #tpu.memory_space<vmem>>, vector<1x1x16xf32>,
          %swap3A_909 = vector.shape_cast %swap3A_908 : vector<1x1x16xf32> to vector<16xf32>
          %swap3A_910 = vector.shape_cast %mul3A_904 : vector<16xf32> to vector<1x1x16xf32>
          tpu.vector_store %arg13[%swap3A_905, %swap3A_906, %swap3A_907], %swap3A_910 {strides = array<i32>} : memref<4x192x32xf32, #tpu.memory_space<vmem>>, vector<1x1x16xf32>,
          %mul3A_911 = arith.constant 16 : i32
          %mul3A_912 = arith.muli %scan3A_428, %mul3A_911 : i32
          %add3A_913 = arith.constant 15 : i32
          %add3A_914 = arith.addi %mul3A_912, %add3A_913 : i32
          %slice3A_915 = vector.extract_strided_slice %get3A_433 {offsets = [15], sizes = [1], strides = [1]} : vector<16xf32> to vector<1xf32>
          %squeeze3A_916 = vector.extract %slice3A_915[0] : f32 from vector<1xf32>
          %get3A_917 = arith.index_cast %rem3A_366 : i32 to index
          %get3A_918 = arith.index_cast %add3A_914 : i32 to index
          %get3A_919 = arith.constant 0 : index
          %get3A_920 = tpu.vector_load %arg13[%get3A_917, %get3A_918, %get3A_919] {strides = array<i32>} : memref<4x192x32xf32, #tpu.memory_space<vmem>>, vector<1x1x16xf32>,
          %get3A_921 = vector.shape_cast %get3A_920 : vector<1x1x16xf32> to vector<16xf32>
          %mul3A_922 = vector.broadcast %squeeze3A_916 : f32 to vector<16xf32>
          %mul3A_923 = arith.mulf %get3A_921, %mul3A_922 : vector<16xf32>
          %swap3A_924 = arith.index_cast %rem3A_366 : i32 to index
          %swap3A_925 = arith.index_cast %add3A_914 : i32 to index
          %swap3A_926 = arith.constant 0 : index
          %swap3A_927 = tpu.vector_load %arg13[%swap3A_924, %swap3A_925, %swap3A_926] {strides = array<i32>} : memref<4x192x32xf32, #tpu.memory_space<vmem>>, vector<1x1x16xf32>,
          %swap3A_928 = vector.shape_cast %swap3A_927 : vector<1x1x16xf32> to vector<16xf32>
          %swap3A_929 = vector.shape_cast %mul3A_923 : vector<16xf32> to vector<1x1x16xf32>
          tpu.vector_store %arg13[%swap3A_924, %swap3A_925, %swap3A_926], %swap3A_929 {strides = array<i32>} : memref<4x192x32xf32, #tpu.memory_space<vmem>>, vector<1x1x16xf32>,
          %get3A_930 = arith.index_cast %rem3A_366 : i32 to index
          %get3A_931 = arith.index_cast %add3A_914 : i32 to index
          %get3A_932 = arith.constant 16 : index
          %get3A_933 = tpu.vector_load %arg13[%get3A_930, %get3A_931, %get3A_932] {strides = array<i32>} : memref<4x192x32xf32, #tpu.memory_space<vmem>>, vector<1x1x16xf32>,
          %get3A_934 = vector.shape_cast %get3A_933 : vector<1x1x16xf32> to vector<16xf32>
          %mul3A_935 = vector.broadcast %squeeze3A_916 : f32 to vector<16xf32>
          %mul3A_936 = arith.mulf %get3A_934, %mul3A_935 : vector<16xf32>
          %swap3A_937 = arith.index_cast %rem3A_366 : i32 to index
          %swap3A_938 = arith.index_cast %add3A_914 : i32 to index
          %swap3A_939 = arith.constant 16 : index
          %swap3A_940 = tpu.vector_load %arg13[%swap3A_937, %swap3A_938, %swap3A_939] {strides = array<i32>} : memref<4x192x32xf32, #tpu.memory_space<vmem>>, vector<1x1x16xf32>,
          %swap3A_941 = vector.shape_cast %swap3A_940 : vector<1x1x16xf32> to vector<16xf32>
          %swap3A_942 = vector.shape_cast %mul3A_936 : vector<16xf32> to vector<1x1x16xf32>
          tpu.vector_store %arg13[%swap3A_937, %swap3A_938, %swap3A_939], %swap3A_942 {strides = array<i32>} : memref<4x192x32xf32, #tpu.memory_space<vmem>>, vector<1x1x16xf32>,
        }
        %scan3A_415 = arith.constant 12 : i32
        %dma_start3A_416 = arith.constant 0 : i32
        %dma_start3A_417 = arith.constant 0 : i32
        %dma_start3A_418 = tpu.memref_slice %arg13[%rem3A_366, %dma_start3A_416, %dma_start3A_417] : memref<4x192x32xf32, #tpu.memory_space<vmem>> -> memref<1x192x32xf32, #tpu.memory_space<vmem>>
        %dma_start3A_419 = tpu.memref_squeeze %dma_start3A_418 : memref<1x192x32xf32, #tpu.memory_space<vmem>> -> memref<192x32xf32, #tpu.memory_space<vmem>>
        %dma_start3A_420 = arith.constant 0 : i32
        %dma_start3A_421 = tpu.memref_slice %arg11[%rem3A_368, %dma_start3A_420] : memref<6x192xi32, #tpu.memory_space<vmem>> -> memref<1x192xi32, #tpu.memory_space<vmem>>
        %dma_start3A_422 = tpu.memref_squeeze %dma_start3A_421 : memref<1x192xi32, #tpu.memory_space<vmem>> -> memref<192xi32, #tpu.memory_space<vmem>>
        %dma_start3A_423 = arith.constant 0 : i32
        %dma_start3A_424 = arith.constant 0 : i32
        %dma_start3A_425 = tpu.memref_slice %arg17[%dma_start3A_423, %dma_start3A_424] : memref<50048x32xf32, #tpu.memory_space<vmem_shared>> -> memref<50048x32xf32, #tpu.memory_space<vmem_shared>>
        %dma_start3A_426 = tpu.memref_slice %arg15[%rem3A_366] : memref<4x!tpu.dma_semaphore, #tpu.memory_space<semaphore_mem>> -> memref<1x!tpu.dma_semaphore, #tpu.memory_space<semaphore_mem>>
        %dma_start3A_427 = tpu.memref_squeeze %dma_start3A_426 : memref<1x!tpu.dma_semaphore, #tpu.memory_space<semaphore_mem>> -> memref<!tpu.dma_semaphore, #tpu.memory_space<semaphore_mem>>
        tpu.enqueue_indirect_dma source(%dma_start3A_419 : memref<192x32xf32, #tpu.memory_space<vmem>>) target(%dma_start3A_425 : memref<50048x32xf32, #tpu.memory_space<vmem_shared>>) offsets(%dma_start3A_422 : memref<192xi32, #tpu.memory_space<vmem>>) semaphore(%dma_start3A_427 : memref<!tpu.dma_semaphore, #tpu.memory_space<semaphore_mem>>) {add = true}
      }
      %scan3A_304 = arith.constant 264 : i32
      %dma_wait3A_305 = arith.constant 0 : i32
      %dma_wait3A_306 = arith.constant 2 : i32
      %dma_wait3A_307 = arith.constant 0 : i32
      %dma_wait3A_308 = arith.constant 0 : i32
      %dma_wait3A_309 = arith.constant 0 : i32
      %dma_wait3A_310 = tpu.memref_slice %arg13[%dma_wait3A_305, %dma_wait3A_308, %dma_wait3A_309] : memref<4x192x32xf32, #tpu.memory_space<vmem>> -> memref<1x192x32xf32, #tpu.memory_space<vmem>>
      %dma_wait3A_311 = tpu.memref_squeeze %dma_wait3A_310 : memref<1x192x32xf32, #tpu.memory_space<vmem>> -> memref<192x32xf32, #tpu.memory_space<vmem>>
      %dma_wait3A_312 = arith.constant 0 : i32
      %dma_wait3A_313 = tpu.memref_slice %arg11[%dma_wait3A_306, %dma_wait3A_312] : memref<6x192xi32, #tpu.memory_space<vmem>> -> memref<1x192xi32, #tpu.memory_space<vmem>>
      %dma_wait3A_314 = tpu.memref_squeeze %dma_wait3A_313 : memref<1x192xi32, #tpu.memory_space<vmem>> -> memref<192xi32, #tpu.memory_space<vmem>>
      %dma_wait3A_315 = arith.constant 0 : i32
      %dma_wait3A_316 = arith.constant 0 : i32
      %dma_wait3A_317 = tpu.memref_slice %arg17[%dma_wait3A_315, %dma_wait3A_316] : memref<50048x32xf32, #tpu.memory_space<vmem_shared>> -> memref<50048x32xf32, #tpu.memory_space<vmem_shared>>
      %dma_wait3A_318 = tpu.memref_slice %arg15[%dma_wait3A_307] : memref<4x!tpu.dma_semaphore, #tpu.memory_space<semaphore_mem>> -> memref<1x!tpu.dma_semaphore, #tpu.memory_space<semaphore_mem>>
      %dma_wait3A_319 = tpu.memref_squeeze %dma_wait3A_318 : memref<1x!tpu.dma_semaphore, #tpu.memory_space<semaphore_mem>> -> memref<!tpu.dma_semaphore, #tpu.memory_space<semaphore_mem>>
      tpu.wait_indirect_dma semaphore(%dma_wait3A_319 : memref<!tpu.dma_semaphore, #tpu.memory_space<semaphore_mem>>) src(%dma_wait3A_311 : memref<192x32xf32, #tpu.memory_space<vmem>>) dst(%dma_wait3A_317 : memref<50048x32xf32, #tpu.memory_space<vmem_shared>>)
      %dma_wait3A_320 = arith.constant 1 : i32
      %dma_wait3A_321 = arith.constant 3 : i32
      %dma_wait3A_322 = arith.constant 1 : i32
      %dma_wait3A_323 = arith.constant 0 : i32
      %dma_wait3A_324 = arith.constant 0 : i32
      %dma_wait3A_325 = tpu.memref_slice %arg13[%dma_wait3A_320, %dma_wait3A_323, %dma_wait3A_324] : memref<4x192x32xf32, #tpu.memory_space<vmem>> -> memref<1x192x32xf32, #tpu.memory_space<vmem>>
      %dma_wait3A_326 = tpu.memref_squeeze %dma_wait3A_325 : memref<1x192x32xf32, #tpu.memory_space<vmem>> -> memref<192x32xf32, #tpu.memory_space<vmem>>
      %dma_wait3A_327 = arith.constant 0 : i32
      %dma_wait3A_328 = tpu.memref_slice %arg11[%dma_wait3A_321, %dma_wait3A_327] : memref<6x192xi32, #tpu.memory_space<vmem>> -> memref<1x192xi32, #tpu.memory_space<vmem>>
      %dma_wait3A_329 = tpu.memref_squeeze %dma_wait3A_328 : memref<1x192xi32, #tpu.memory_space<vmem>> -> memref<192xi32, #tpu.memory_space<vmem>>
      %dma_wait3A_330 = arith.constant 0 : i32
      %dma_wait3A_331 = arith.constant 0 : i32
      %dma_wait3A_332 = tpu.memref_slice %arg17[%dma_wait3A_330, %dma_wait3A_331] : memref<50048x32xf32, #tpu.memory_space<vmem_shared>> -> memref<50048x32xf32, #tpu.memory_space<vmem_shared>>
      %dma_wait3A_333 = tpu.memref_slice %arg15[%dma_wait3A_322] : memref<4x!tpu.dma_semaphore, #tpu.memory_space<semaphore_mem>> -> memref<1x!tpu.dma_semaphore, #tpu.memory_space<semaphore_mem>>
      %dma_wait3A_334 = tpu.memref_squeeze %dma_wait3A_333 : memref<1x!tpu.dma_semaphore, #tpu.memory_space<semaphore_mem>> -> memref<!tpu.dma_semaphore, #tpu.memory_space<semaphore_mem>>
      tpu.wait_indirect_dma semaphore(%dma_wait3A_334 : memref<!tpu.dma_semaphore, #tpu.memory_space<semaphore_mem>>) src(%dma_wait3A_326 : memref<192x32xf32, #tpu.memory_space<vmem>>) dst(%dma_wait3A_332 : memref<50048x32xf32, #tpu.memory_space<vmem_shared>>)
      %dma_wait3A_335 = arith.constant 2 : i32
      %dma_wait3A_336 = arith.constant 4 : i32
      %dma_wait3A_337 = arith.constant 2 : i32
      %dma_wait3A_338 = arith.constant 0 : i32
      %dma_wait3A_339 = arith.constant 0 : i32
      %dma_wait3A_340 = tpu.memref_slice %arg13[%dma_wait3A_335, %dma_wait3A_338, %dma_wait3A_339] : memref<4x192x32xf32, #tpu.memory_space<vmem>> -> memref<1x192x32xf32, #tpu.memory_space<vmem>>
      %dma_wait3A_341 = tpu.memref_squeeze %dma_wait3A_340 : memref<1x192x32xf32, #tpu.memory_space<vmem>> -> memref<192x32xf32, #tpu.memory_space<vmem>>
      %dma_wait3A_342 = arith.constant 0 : i32
      %dma_wait3A_343 = tpu.memref_slice %arg11[%dma_wait3A_336, %dma_wait3A_342] : memref<6x192xi32, #tpu.memory_space<vmem>> -> memref<1x192xi32, #tpu.memory_space<vmem>>
      %dma_wait3A_344 = tpu.memref_squeeze %dma_wait3A_343 : memref<1x192xi32, #tpu.memory_space<vmem>> -> memref<192xi32, #tpu.memory_space<vmem>>
      %dma_wait3A_345 = arith.constant 0 : i32
      %dma_wait3A_346 = arith.constant 0 : i32
      %dma_wait3A_347 = tpu.memref_slice %arg17[%dma_wait3A_345, %dma_wait3A_346] : memref<50048x32xf32, #tpu.memory_space<vmem_shared>> -> memref<50048x32xf32, #tpu.memory_space<vmem_shared>>
      %dma_wait3A_348 = tpu.memref_slice %arg15[%dma_wait3A_337] : memref<4x!tpu.dma_semaphore, #tpu.memory_space<semaphore_mem>> -> memref<1x!tpu.dma_semaphore, #tpu.memory_space<semaphore_mem>>
      %dma_wait3A_349 = tpu.memref_squeeze %dma_wait3A_348 : memref<1x!tpu.dma_semaphore, #tpu.memory_space<semaphore_mem>> -> memref<!tpu.dma_semaphore, #tpu.memory_space<semaphore_mem>>
      tpu.wait_indirect_dma semaphore(%dma_wait3A_349 : memref<!tpu.dma_semaphore, #tpu.memory_space<semaphore_mem>>) src(%dma_wait3A_341 : memref<192x32xf32, #tpu.memory_space<vmem>>) dst(%dma_wait3A_347 : memref<50048x32xf32, #tpu.memory_space<vmem_shared>>)
      %dma_wait3A_350 = arith.constant 3 : i32
      %dma_wait3A_351 = arith.constant 5 : i32
      %dma_wait3A_352 = arith.constant 3 : i32
      %dma_wait3A_353 = arith.constant 0 : i32
      %dma_wait3A_354 = arith.constant 0 : i32
      %dma_wait3A_355 = tpu.memref_slice %arg13[%dma_wait3A_350, %dma_wait3A_353, %dma_wait3A_354] : memref<4x192x32xf32, #tpu.memory_space<vmem>> -> memref<1x192x32xf32, #tpu.memory_space<vmem>>
      %dma_wait3A_356 = tpu.memref_squeeze %dma_wait3A_355 : memref<1x192x32xf32, #tpu.memory_space<vmem>> -> memref<192x32xf32, #tpu.memory_space<vmem>>
      %dma_wait3A_357 = arith.constant 0 : i32
      %dma_wait3A_358 = tpu.memref_slice %arg11[%dma_wait3A_351, %dma_wait3A_357] : memref<6x192xi32, #tpu.memory_space<vmem>> -> memref<1x192xi32, #tpu.memory_space<vmem>>
      %dma_wait3A_359 = tpu.memref_squeeze %dma_wait3A_358 : memref<1x192xi32, #tpu.memory_space<vmem>> -> memref<192xi32, #tpu.memory_space<vmem>>
      %dma_wait3A_360 = arith.constant 0 : i32
      %dma_wait3A_361 = arith.constant 0 : i32
      %dma_wait3A_362 = tpu.memref_slice %arg17[%dma_wait3A_360, %dma_wait3A_361] : memref<50048x32xf32, #tpu.memory_space<vmem_shared>> -> memref<50048x32xf32, #tpu.memory_space<vmem_shared>>
      %dma_wait3A_363 = tpu.memref_slice %arg15[%dma_wait3A_352] : memref<4x!tpu.dma_semaphore, #tpu.memory_space<semaphore_mem>> -> memref<1x!tpu.dma_semaphore, #tpu.memory_space<semaphore_mem>>
      %dma_wait3A_364 = tpu.memref_squeeze %dma_wait3A_363 : memref<1x!tpu.dma_semaphore, #tpu.memory_space<semaphore_mem>> -> memref<!tpu.dma_semaphore, #tpu.memory_space<semaphore_mem>>
      tpu.wait_indirect_dma semaphore(%dma_wait3A_364 : memref<!tpu.dma_semaphore, #tpu.memory_space<semaphore_mem>>) src(%dma_wait3A_356 : memref<192x32xf32, #tpu.memory_space<vmem>>) dst(%dma_wait3A_362 : memref<50048x32xf32, #tpu.memory_space<vmem_shared>>)
    } else {
    }
    %barrier3A_10 = arith.constant 0 : index
    tpu.barrier barrier_id(%barrier3A_10)
    %eq3A_11 = arith.constant 0 : i32
    %eq3A_12 = arith.cmpi eq, %arg0, %eq3A_11 : i32
    %convert_element_type3A_13 = arith.extui %eq3A_12 : i1 to i32
    %cond3A_14 = arith.constant 0 : i32
    %cond3A_15 = arith.cmpi ne, %convert_element_type3A_13, %cond3A_14 : i32
    scf.if %cond3A_15 {
      %mul3A_21 = arith.constant 3128 : i32
      %mul3A_22 = arith.muli %arg1, %mul3A_21 : i32
      %mul3A_23 = arith.constant 3128 : i32
      %mul3A_24 = arith.muli %arg1, %mul3A_23 : i32
      "tpu.region"() ({
        %run_scoped3A = tpu.sem_alloc : memref<!tpu.dma_semaphore, #tpu.memory_space<semaphore_mem>>
        %dma_start3A = arith.constant 0 : i32
        %dma_start3A_25 = tpu.memref_slice %arg8[%mul3A_24, %dma_start3A] : memref<50048x32xf32, #tpu.memory_space<hbm>> -> memref<3128x32xf32, #tpu.memory_space<hbm>>
        %dma_start3A_26 = arith.constant 0 : i32
        %dma_start3A_27 = tpu.memref_slice %arg17[%mul3A_22, %dma_start3A_26] : memref<50048x32xf32, #tpu.memory_space<vmem_shared>> -> memref<3128x32xf32, #tpu.memory_space<vmem_shared>>
        tpu.enqueue_dma source(%dma_start3A_27 : memref<3128x32xf32, #tpu.memory_space<vmem_shared>>) target(%dma_start3A_25 : memref<3128x32xf32, #tpu.memory_space<hbm>>) target_semaphore(%run_scoped3A : memref<!tpu.dma_semaphore, #tpu.memory_space<semaphore_mem>>)
        %dma_wait3A = arith.constant 0 : i32
        %dma_wait3A_28 = tpu.memref_slice %arg8[%mul3A_24, %dma_wait3A] : memref<50048x32xf32, #tpu.memory_space<hbm>> -> memref<3128x32xf32, #tpu.memory_space<hbm>>
        %dma_wait3A_29 = arith.constant 0 : i32
        %dma_wait3A_30 = tpu.memref_slice %arg17[%mul3A_22, %dma_wait3A_29] : memref<50048x32xf32, #tpu.memory_space<vmem_shared>> -> memref<3128x32xf32, #tpu.memory_space<vmem_shared>>
        tpu.wait_dma2 semaphore(%run_scoped3A : memref<!tpu.dma_semaphore, #tpu.memory_space<semaphore_mem>>) src(%dma_wait3A_30 : memref<3128x32xf32, #tpu.memory_space<vmem_shared>>) dst(%dma_wait3A_28 : memref<3128x32xf32, #tpu.memory_space<hbm>>)
        tpu.yield
      }) : () -> ()
    } else {
    }
    %eq3A_16 = arith.constant 1 : i32
    %eq3A_17 = arith.cmpi eq, %arg0, %eq3A_16 : i32
    %convert_element_type3A_18 = arith.extui %eq3A_17 : i1 to i32
    %cond3A_19 = arith.constant 0 : i32
    %cond3A_20 = arith.cmpi ne, %convert_element_type3A_18, %cond3A_19 : i32
    scf.if %cond3A_20 {
      %mul3A_21 = arith.constant 3128 : i32
      %mul3A_22 = arith.muli %arg1, %mul3A_21 : i32
      %mul3A_23 = arith.constant 3128 : i32
      %mul3A_24 = arith.muli %arg1, %mul3A_23 : i32
      "tpu.region"() ({
        %run_scoped3A = tpu.sem_alloc : memref<!tpu.dma_semaphore, #tpu.memory_space<semaphore_mem>>
        %dma_start3A = arith.constant 0 : i32
        %dma_start3A_25 = tpu.memref_slice %arg9[%mul3A_24, %dma_start3A] : memref<50048x32xf32, #tpu.memory_space<hbm>> -> memref<3128x32xf32, #tpu.memory_space<hbm>>
        %dma_start3A_26 = arith.constant 0 : i32
        %dma_start3A_27 = tpu.memref_slice %arg17[%mul3A_22, %dma_start3A_26] : memref<50048x32xf32, #tpu.memory_space<vmem_shared>> -> memref<3128x32xf32, #tpu.memory_space<vmem_shared>>
        tpu.enqueue_dma source(%dma_start3A_27 : memref<3128x32xf32, #tpu.memory_space<vmem_shared>>) target(%dma_start3A_25 : memref<3128x32xf32, #tpu.memory_space<hbm>>) target_semaphore(%run_scoped3A : memref<!tpu.dma_semaphore, #tpu.memory_space<semaphore_mem>>)
        %dma_wait3A = arith.constant 0 : i32
        %dma_wait3A_28 = tpu.memref_slice %arg9[%mul3A_24, %dma_wait3A] : memref<50048x32xf32, #tpu.memory_space<hbm>> -> memref<3128x32xf32, #tpu.memory_space<hbm>>
        %dma_wait3A_29 = arith.constant 0 : i32
        %dma_wait3A_30 = tpu.memref_slice %arg17[%mul3A_22, %dma_wait3A_29] : memref<50048x32xf32, #tpu.memory_space<vmem_shared>> -> memref<3128x32xf32, #tpu.memory_space<vmem_shared>>
        tpu.wait_dma2 semaphore(%run_scoped3A : memref<!tpu.dma_semaphore, #tpu.memory_space<semaphore_mem>>) src(%dma_wait3A_30 : memref<3128x32xf32, #tpu.memory_space<vmem_shared>>) dst(%dma_wait3A_28 : memref<3128x32xf32, #tpu.memory_space<hbm>>)
        tpu.yield
      }) : () -> ()
    } else {
    }
    return
  }
}

</mosaic_0001>

<sc_bundles>
// kernel: _sc_spmm.3.cloned.1.call-start
scs
__scs_entry_jumppad:
0x0: {  	(pc) =	sbr.rel $0x88, $3  }
0x1: {  	(tag) =	ssettag $0x0;
	lr =	simm.s32 $0x1  }
0x2: {  	[smem:$0x3F9B] =	sst lr;
	_ =	strace $0xD0000000  }
0x3: {  	_ = 	snop  }
0x4: {  	_ = 	snop  }
0x5: {  	_ = 	snop  }
0x6: {  	_ = 	snop  }
0x7: {  	_ = 	snop  }
__scs_overlays_trampoline_lowered:
0x8: {  	[smem:$0x3FAA] =	sst s0  }
0x9: {  	[smem:$0x3FAB] =	sst s1  }
0xa: {  	[smem:$0x3FAC] =	sst s2  }
0xb: {  	[smem:$0x3FAD] =	sst s3  }
0xc: {  	[smem:$0x3FAE] =	sst s4  }
0xd: {  	[smem:$0x3FAF] =	sst s5  }
0xe: {  	[smem:$0x3FB0] =	sst s6  }
0xf: {  	[smem:$0x3FB1] =	sst s7  }
0x10: {  	[smem:$0x3FB2] =	sst s8  }
0x11: {  	[smem:$0x3FB3] =	sst s9;
	s0 =	simm.s32 @!p0 $0x0  }
0x12: {  	s1 =	sld [smem:$0x3F99];
	s0 =	simm.s32 @p0 $0x1  }
0x13: {  	[smem:$0x3FB4] =	sst s0;
	s0 =	simm.s32 @!p1 $0x0  }
0x14: {  	s2 =	sld [smem:$0x3F98];
	s0 =	simm.s32 @p1 $0x1  }
0x15: {  	[smem:$0x3FB5] =	sst s0;
	s0 =	simm.s32 @!p2 $0x0  }
0x16: {  	s3 =	sld [smem:$0x3FDB];
	s0 =	simm.s32 @p2 $0x1  }
0x17: {  	s4 =	simm.s32 $0x1BF5;
	[smem:$0x3FB7] =	sst s0  }
0x18: {  	s0 =	sld [smem:$0x3F9A];
	_ =	swait.ge [sflag:s4], $0x0  }
0x19: {  	s7 =	sld [smem:$0x3F9B]  }
0x1a: {  	s8 =	sadd.s32 $0xFFFFE003, lr  }
0x1b: {  	s9 =	sadd.s32 $0xFFFFFEF7, lr;
	s5 =	simm.s32 $0xFFFFFFFF;
	p2 =	slt.u32 s8, $0xFFFFF086  }
0x1c: {  	p1 =	slt.u32 s9, $0xF7A;
	s5 =	simm.s32 @!p2 $0x0  }
0x1d: {  	s5 =	simm.s32 @p1 $0x1;
	p0 =	seq.s32 s7, s2  }
0x1e: {  	s7 =	smul.u32 @!p0 $0xF7A, s2;
	p2 =	seq.s32 @!p0 s5, $0x0  }
0x1f: {  	s9 =	smul.u32 $0xF7A, s1;
	s8 =	simm.s32 @!p0 $0x1BF5;
	p2 =	por !p2, p0  }
0x20: {  	[sflag:s8] =	ssyncset.s32 @!p0 $0xFFFFF086;
	s6 =	sadd.s32 @!p0 s3, s7;
	s7 =	simm.s32 @!p0 $0x108  }
0x21: {  	s3 =	sadd.s32 s3, s9;
	s6 =	sadd.s32 @!p0 $0x88, s6;
	s7 =	simm.s32 @p2 $0x1082  }
0x22: {  	[simem:s7], [sflag:s8] =	dma.local @!p0 [hbm:s6], $0xF7A  }
0x23: {  	s9 =	sor.u32 $0xD0000000, s2;
	s6 =	simm.s32 $0x108;
	_ =	swait.ge @!p0 [sflag:s8], $0x0  }
0x24: {  	s3 =	sadd.s32 $0x88, s3;
	s6 =	simm.s32 @!p1 $0x1082;
	[sflag:s4] =	ssyncset.s32 $0xFFFFF086  }
0x25: {  	[simem:s6], [sflag:s4] =	dma.local [hbm:s3], $0xF7A  }
0x26: {  	[smem:$0x3F9B] =	sst s1;
	(tag) =	ssettag s2;
	_ =	strace s9  }
0x27: {  	s1 =	sld [smem:$0x3FAB]  }
0x28: {  	s2 =	sld [smem:$0x3FAC]  }
0x29: {  	s4 =	sld [smem:$0x3FAE]  }
0x2a: {  	p0 =	seq.s32 s5, $0x0;
	s5 =	sld [smem:$0x3FAF]  }
0x2b: {  	s6 =	sld [smem:$0x3FB0]  }
0x2c: {  	s7 =	sld [smem:$0x3FB1]  }
0x2d: {  	s3 =	simm.s32 $0x108;
	s8 =	sld [smem:$0x3FB2]  }
0x2e: {  	s3 =	simm.s32 @!p0 $0x1082;
	s9 =	sld [smem:$0x3FB3]  }
0x2f: {  	lr =	sadd.s32 s0, s3;
	s0 =	sld [smem:$0x3FAA]  }
0x30: {  	s3 =	sld [smem:$0x3FAD]  }
0x31: {  	[smem:$0x3FB6] =	sst s10  }
0x32: {  	s10 =	sld [smem:$0x3FB4];
	_ =	sdelay $0x3  }
0x33: {  	p0 =	seq.s32 s10, $0x1;
	s10 =	sld [smem:$0x3FB6];
	_ =	sdelay $0x3  }
0x34: {  	[smem:$0x3FB6] =	sst s10  }
0x35: {  	s10 =	sld [smem:$0x3FB5];
	_ =	sdelay $0x3  }
0x36: {  	p1 =	seq.s32 s10, $0x1;
	s10 =	sld [smem:$0x3FB6];
	_ =	sdelay $0x3  }
0x37: {  	[smem:$0x3FB6] =	sst s10  }
0x38: {  	s10 =	sld [smem:$0x3FB7]  }
0x39: {  	_ = 	snop;
	(pc) =	sbr.ind lr, $3  }
0x3a: {  	_ = 	snop  }
0x3b: {  	_ = 	snop  }
0x3c: {  	p2 =	seq.s32 s10, $0x1;
	s10 =	sld [smem:$0x3FB6]  }
0x3d: {  	_ =	shalt  }
0x3e: {  	_ =	shalt  }
0x3f: {  	_ =	shalt  }
0x40: {  	_ =	shalt  }
0x41: {  	_ =	shalt  }
0x42: {  	_ =	shalt  }
0x43: {  	_ =	shalt  }
0x44: {  	_ =	shalt  }
0x45: {  	_ =	shalt  }
0x46: {  	_ =	shalt  }
0x47: {  	_ =	shalt  }
0x48: {  	_ =	shalt  }
0x49: {  	_ =	shalt  }
0x4a: {  	_ =	shalt  }
0x4b: {  	_ =	shalt  }
0x4c: {  	_ =	shalt  }
0x4d: {  	_ =	shalt  }
0x4e: {  	_ =	shalt  }
0x4f: {  	_ =	shalt  }
0x50: {  	_ =	shalt  }
0x51: {  	_ =	shalt  }
0x52: {  	_ =	shalt  }
0x53: {  	_ =	shalt  }
0x54: {  	_ =	shalt  }
0x55: {  	_ =	shalt  }
0x56: {  	_ =	shalt  }
0x57: {  	_ =	shalt  }
0x58: {  	_ =	shalt  }
0x59: {  	_ =	shalt  }
0x5a: {  	_ =	shalt  }
0x5b: {  	_ =	shalt  }
0x5c: {  	_ =	shalt  }
0x5d: {  	_ =	shalt  }
0x5e: {  	_ =	shalt  }
0x5f: {  	_ =	shalt  }
0x60: {  	_ =	shalt  }
0x61: {  	_ =	shalt  }
0x62: {  	_ =	shalt  }
0x63: {  	_ =	shalt  }
0x64: {  	_ =	shalt  }
0x65: {  	_ =	shalt  }
0x66: {  	_ =	shalt  }
0x67: {  	_ =	shalt  }
0x68: {  	_ =	shalt  }
0x69: {  	_ =	shalt  }
0x6a: {  	_ =	shalt  }
0x6b: {  	_ =	shalt  }
0x6c: {  	_ =	shalt  }
0x6d: {  	_ =	shalt  }
0x6e: {  	_ =	shalt  }
0x6f: {  	_ =	shalt  }
0x70: {  	_ =	shalt  }
0x71: {  	_ =	shalt  }
0x72: {  	_ =	shalt  }
0x73: {  	_ =	shalt  }
0x74: {  	_ =	shalt  }
0x75: {  	_ =	shalt  }
0x76: {  	_ =	shalt  }
0x77: {  	_ =	shalt  }
0x78: {  	_ =	shalt  }
0x79: {  	_ =	shalt  }
0x7a: {  	_ =	shalt  }
0x7b: {  	_ =	shalt  }
0x7c: {  	_ =	shalt  }
0x7d: {  	_ =	shalt  }
0x7e: {  	_ =	shalt  }
0x7f: {  	_ =	shalt  }
0x80: {  	_ =	shalt  }
0x81: {  	_ =	shalt  }
0x82: {  	_ =	shalt  }
0x83: {  	_ =	shalt  }
0x84: {  	_ =	shalt  }
0x85: {  	_ =	shalt  }
0x86: {  	_ =	shalt  }
0x87: {  	_ =	shalt  }
.Lfunc_end0:
.L_simem_size_0:
called_computation_lowered:
.L_overlay_start_0:
0x88: {  	s2 =	sld [smem:$0x3FD9]  }
0x89: {  	s3 =	sld [smem:$0x3FFE];
	_ =	sdelay $0x1  }
0x8a: {  	s1 =	srdreg.scid  }
0x8b: {  	s0 =	sand.u32 $0x1, s1  }
0x8c: {  	s14 =	sshll.u32 s0, $0xA;
	s2 =	sadd.s32 s3, s2  }
0x8d: {  	s2 =	sadd.s32 s2, s14  }
0x8e: {  	[smem:$0x3FC2] =	sst s2  }
0x8f: {  	_ = 	snop  }
0x90: {  	s2 =	sld [smem:$0x3FD0]  }
0x91: {  	s15 =	sld [smem:$0x3FC9]  }
0x92: {  	s4 =	sld [smem:$0x3FC8]  }
0x93: {  	s6 =	simm.s32 $0xA;
	s7 =	simm.s32 $0x10;
	s5 =	sld [smem:$0x3FC7]  }
0x94: {  	[smem:s7], [sflag:s6] =	dma.local [hbm:s2], $0x1  }
0x95: {  	_ =	swait.eq [sflag:s6], $0x1  }
0x96: {  	[sflag:s6] =	ssyncset.done $0x0  }
0x97: {  	s16 =	sld [smem:$0x10];
	[sflag:s6] =	ssyncadd.s32 $0xFFFFFFFF  }
0x98: {  	s17 =	sld [smem:$0x11];
	(tm) =	ssettm $0x1  }
0x99: {  	s18 =	sld [smem:$0x3FFB];
	_ =	sdelay $0x3  }
0x9a: {  	_ =	strace s18  }
0x9b: {  	s7 =	sld [smem:$0x3FFC];
	_ =	sdelay $0x3  }
0x9c: {  	_ =	strace s7  }
0x9d: {  	s7 =	sld [smem:$0x3FFD];
	_ =	sdelay $0x3  }
0x9e: {  	_ =	strace s7  }
0x9f: {  	_ =	strace $0x8FFFFFFF  }
0xa0: {  	s19 =	sld [smem:$0x3FDB];
	_ =	sdelay $0x1  }
0xa1: {  	s8 =	simm.s32 $_scs_section_size  }
0xa2: {  	s9 =	simm.s32 $_size__tile_overlayer_lowered;
	s10 =	simm.s32 $_tile_overlayer_lowered  }
0xa3: {  	s22 =	simm.s32 $0x1BFF;
	s21 =	sshll.u32 s10, $0x1;
	s7 =	sadd.s32 s8, s19  }
0xa4: {  	s11 =	simm.s32 $0x0;
	s20 =	sshll.u32 s9, $0x1;
	s9 =	sadd.s32 s21, s7  }
0xa5: {  	[timem:s11], [sflag:s22] =	dma.local [hbm:s9], s20  }
0xa6: {  	_ =	swait.ge [sflag:s22], s20  }
0xa7: {  	s8 =	ssub.s32 $0x0, s20;
	[sflag:s22] =	ssyncset.done $0x0  }
0xa8: {  	[sflag:s22] =	ssyncadd.s32 s8;
	_ =	sdelay $0x1  }
0xa9: {  	s23 =	simm.s32 $0x1B8B  }
0xaa: {  	_ =	swait.ge [sflag:s23], $0x1  }
0xab: {  	[sflag:s23] =	ssyncset.done $0x0  }
0xac: {  	s25 =	simm.s32 $0x1B8E;
	s24 =	sld [smem:$0x3FFE];
	[sflag:s23] =	ssyncadd.s32 $0xFFFFFFFF  }
0xad: {  	s26 =	simm.s32 $execute0_lowered;
	[smem:$0x3FD2] =	sst s25  }
0xae: {  	s9 =	sshll.u32 s26, $0x1;
	_ =	strace $0x80000046;
	[dreg:$0x1] =	wrdreg $0xFFFFFFFF  }
0xaf: {  	s28 =	simm.s32 $_size_execute0_lowered;
	s7 =	sadd.s32 s7, s9;
	[dreg:$0x0] =	wrdreg $0x0  }
0xb0: {  	s9 =	sshll.u32 s28, $0x1;
	[dreg:$0x2] =	wrdreg s7  }
0xb1: {  	[dreg:$0x3] =	wrdreg s9  }
0xb2: {  	[dreg:$0x4] =	wrdreg $0xC0  }
0xb3: {  	_ =	task [dreg:s11], $0x5FFFF  }
0xb4: {  	[dreg:$0x1] =	wrdreg $0xFFFFFFFF  }
0xb5: {  	[dreg:$0x0] =	wrdreg $0x60  }
0xb6: {  	[dreg:$0x2] =	wrdreg s15  }
0xb7: {  	[dreg:$0x3] =	wrdreg s4  }
0xb8: {  	[dreg:$0x4] =	wrdreg s5  }
0xb9: {  	[dreg:$0x5] =	wrdreg s17  }
0xba: {  	[dreg:$0x6] =	wrdreg s16  }
0xbb: {  	[dreg:$0x7] =	wrdreg s24  }
0xbc: {  	[dreg:$0x8] =	wrdreg $0x6D800  }
0xbd: {  	[dreg:$0x9] =	wrdreg $0x9  }
0xbe: {  	_ =	task.clear_ibuf [dreg:s11], $0xAFFFF;
	_ =	strace $0x90000046  }
0xbf: {  	s29 =	simm.s32 $0x9;
	_ =	strace $0x80000048  }
0xc0: {  	_ =	swait.ge [sflag:s29], $0x1  }
0xc1: {  	[sflag:s29] =	ssyncadd.s32 $0xFFFFFFFF  }
0xc2: {  	_ =	strace $0x90000048  }
0xc3: {  	_ =	sfence  }
0xc4: {  	s30 =	sld [smem:$0x0];
	_ =	sdelay $0x2  }
0xc5: {  	s31 =	sshll.u32 s1, $0xD;
	s1 =	sshrl.u32 s1, $0x2  }
0xc6: {  	s3 =	sand.u32 $0x4000, s31;
	s1 =	sadd.s32 s1, s30  }
0xc7: {  	s0 =	sor.u32 s3, s0;
	s1 =	sshll.u32 s1, $0x11  }
0xc8: {  	s0 =	sor.u32 s1, s0  }
0xc9: {  	s0 =	sadd.s32 $0x8F2B, s0  }
0xca: {  	[sflag:s0] =	ssyncadd.remote.s32 $0x1  }
0xcb: {  	_ =	sfence.sel $0xFFFF  }
0xcc: {  	[dreg:$0x0] =	wrdreg $0xFFFFFFFF;
	(pc) =	sbr.abs _section_cstart, $3  }
0xcd: {  	[dreg:$0x1] =	wrdreg $0xFFFFFFFF  }
0xce: {  	_ =	task.clear_ibuf [dreg:s11], $0x2FFFF;
	_ =	strace $0x9FFFFFFF  }
0xcf: {  	(tm) =	ssettm $0x7FFFFFFF  }
tec
execute0_lowered:
.L_overlay_start_1:
0x0: {  	(tag) =	ssettag $0x1  }
0x1: {  	s0 =	rddreg [dreg:$0x0]  }
0x2: {  	s2 =	rddreg [dreg:$0x1]  }
0x3: {  	s3 =	rddreg [dreg:$0x2]  }
0x4: {  	s1 =	rddreg [dreg:$0x3]  }
0x5: {  	s4 =	rddreg [dreg:$0x4]  }
0x6: {  	s6 =	rddreg [dreg:$0x5]  }
0x7: {  	s5 =	rddreg [dreg:$0x6]  }
0x8: {  	s7 =	simm.s32 $0x0;
	s8 =	srdreg.scid;
	s13 =	stileid.u32  }
0x9: {  	s30 =	simm.s32 $0xF;
	s31 =	simm.s32 $0x9;
	s12 =	smul.u32 $0x18700, s13  }
0xa: {  	[smem:$0x7FF] =	sst s7;
	s9 =	sand.u32 $0x1, s8;
	s28 =	smul.u32 $0x18C0, s13  }
0xb: {  	s8 =	sadd.s32 $0xC00, s6;
	s11 =	sadd.s32 $0x62800, s6;
	s19 =	smul.u32 $0xC600, s13  }
0xc: {  	s6 =	sadd.s32 $0x31A00, s6;
	s14 =	sshll.u32 s13, $0x6;
	s29 =	smul.u32 $0x108, s13  }
0xd: {  	s13 =	simm.s32 $0x8;
	_ =	strace $0x80000047;
	[dreg:$0x8] =	wrdreg s11  }
0xe: {  	[dreg:$0x9] =	wrdreg s6;
	s11 =	sshrl.u32 s12, $0x3;
	s12 =	sadd.s32 s12, s5  }
0xf: {  	s10 =	ssub.s32 $0x2, s9;
	s15 =	sadd.s32 s0, s28;
	[dreg:$0xa] =	wrdreg s12  }
0x10: {  	s14 =	sor.u32 $0x1C0F, s14;
	s16 =	sadd.s32 s2, s28;
	[dreg:$0xc] =	wrdreg s15  }
0x11: {  	p0 =	sne.s32 s9, $0x0;
	s17 =	sadd.s32 s3, s28;
	[dreg:$0xd] =	wrdreg s16  }
0x12: {  	s18 =	sor.u32 $0x18, s28;
	s1 =	sadd.s32 s1, s11;
	[dreg:$0xe] =	wrdreg s17  }
0x13: {  	s26 =	sshrl.u32 s10, $0x1;
	s15 =	sadd.s32 s0, s18;
	[dreg:$0xb] =	wrdreg s1  }
0x14: {  	s6 =	ssub.s32 s10, s26;
	s20 =	sadd.s32 s2, s18;
	[dreg:$0xf] =	wrdreg s15  }
0x15: {  	s10 =	sor.u32 $0x30, s28;
	[dreg:$0x10] =	wrdreg s20;
	s1 =	sadd.s32 s3, s18  }
0x16: {  	s9 =	simm.s32 $0x5;
	s21 =	sadd.s32 s0, s10;
	[dreg:$0x11] =	wrdreg s1  }
0x17: {  	s22 =	sshrl.u32 s19, $0x3;
	s23 =	sadd.s32 s2, s10;
	[dreg:$0x12] =	wrdreg s21  }
0x18: {  	s24 =	sadd.s32 s3, s10;
	s28 =	smax.u32 s6, $0x1;
	[dreg:$0x13] =	wrdreg s23  }
.Ltmp0:
0x19: {  	s1 =	sadd.s32 $0x48, s22;
	[dreg:$0x14] =	wrdreg s24;
	(pc) =	sbr.rel .LBB2_1-.Ltmp0, $4  }
0x1a: {  	s12 =	simm.s32 $0x7;
	[dreg:$0x18] =	wrdreg s28;
	s25 =	sadd.s32 s0, s1  }
0x1b: {  	s6 =	simm.s32 $0xC0;
	s26 =	sadd.s32 s2, s1;
	[dreg:$0x15] =	wrdreg s25  }
0x1c: {  	s10 =	simm.s32 $0x6;
	s1 =	sadd.s32 s3, s1;
	[dreg:$0x16] =	wrdreg s26  }
0x1d: {  	s15 =	simm.s32 $0x0;
	[dreg:$0x17] =	wrdreg s1;
	s1 =	simm.s32 $0xA  }
.LBB2_20:
0x1e: {  	_ =	swait.ge [sflag:s9], $0x1800  }
0x1f: {  	[sflag:s9] =	ssyncset.done $0x0  }
0x20: {  	[sflag:s9] =	ssyncadd.s32 $0xFFFFE800  }
0x21: {  	_ =	swait.ge [sflag:s10], $0x1800  }
0x22: {  	[sflag:s10] =	ssyncset.done $0x0  }
0x23: {  	[sflag:s10] =	ssyncadd.s32 $0xFFFFE800  }
0x24: {  	_ =	swait.ge [sflag:s12], $0x1800  }
0x25: {  	[sflag:s12] =	ssyncset.done $0x0  }
0x26: {  	[sflag:s12] =	ssyncadd.s32 $0xFFFFE800  }
0x27: {  	_ =	swait.ge [sflag:s13], $0x1800  }
0x28: {  	[sflag:s13] =	ssyncset.done $0x0  }
0x29: {  	[sflag:s13] =	ssyncadd.s32 $0xFFFFE800  }
0x2a: {  	s17 =	sadd.s32 s17, s11;
	[bflag:$0x0] =	sbarrier.arrive $0xFFFF  }
0x2b: {  	[hbm:s17], [sflag:s14] =	dma.local [spmem:s16], $0x30E0  }
0x2c: {  	_ =	swait.ge [sflag:s30], $0x30E0  }
0x2d: {  	s15 =	sadd.s32 $0x1, s15;
	s28 =	rddreg [dreg:$0x18]  }
0x2e: {  	p1 =	sne.s32 s15, s28  }
.Ltmp1:
0x2f: {  	_ = 	snop;
	(pc) =	sbr.rel @!p1 .LBB2_21-.Ltmp1, $3  }
0x30: {  	_ =	sdelay $0x1  }
0x31: {  	[sflag:s30] =	ssyncset.done $0x0  }
0x32: {  	[sflag:s30] =	ssyncadd.s32 $0xFFFFCF20  }
.LBB2_1:
0x33: {  	s16 =	rddreg [dreg:$0xa]  }
0x34: {  	s17 =	rddreg [dreg:$0xb];
	s16 =	sshrl.u32 s16, $0x3  }
0x35: {  	[spmem:s16], [sflag:s14] =	dma.local [hbm:s17], $0x30E0  }
0x36: {  	_ =	swait.ge [sflag:s30], $0x30E0  }
0x37: {  	[sflag:s30] =	ssyncset.done $0x0  }
0x38: {  	[sflag:s30] =	ssyncadd.s32 $0xFFFFCF20  }
0x39: {  	[bflag:$0x0] =	sbarrier.arrive $0xFFFF  }
0x3a: {  	s26 =	rddreg [dreg:$0xc]  }
0x3b: {  	[tilespmem:s7], [sflag:$0x9] =	stream.linear.gather [hbm4b:s26+s7], $0xC0, $0x38;
	[tilespmem:$0x1F480] =	vst v63  }
0x3c: {  	s18 =	simm.s32 $0x480;
	s28 =	rddreg [dreg:$0xd]  }
0x3d: {  	[tilespmem:s18], [sflag:$0x9] =	stream.linear.gather [hbm4b:s28+s7], $0xC0, $0x38;
	[tilespmem:$0x1F480] =	vst v63  }
0x3e: {  	s20 =	simm.s32 $0x900;
	s19 =	rddreg [dreg:$0xe]  }
0x3f: {  	[tilespmem:s20], [sflag:$0x9] =	stream.linear.gather [hbm4b:s19+s7], $0xC0, $0x38;
	[tilespmem:$0x1F480] =	vst v63  }
0x40: {  	s21 =	rddreg [dreg:$0xf]  }
0x41: {  	[tilespmem:s6], [sflag:$0xA] =	stream.linear.gather [hbm4b:s21+s7], $0xC0, $0x38;
	[tilespmem:$0x1F480] =	vst v63  }
0x42: {  	s23 =	simm.s32 $0x540;
	s22 =	rddreg [dreg:$0x10]  }
0x43: {  	[tilespmem:s23], [sflag:$0xA] =	stream.linear.gather [hbm4b:s22+s7], $0xC0, $0x38;
	[tilespmem:$0x1F480] =	vst v63  }
0x44: {  	s25 =	simm.s32 $0x9C0;
	s24 =	rddreg [dreg:$0x11]  }
0x45: {  	[tilespmem:s25], [sflag:$0xA] =	stream.linear.gather [hbm4b:s24+s7], $0xC0, $0x38;
	[tilespmem:$0x1F480] =	vst v63  }
0x46: {  	s26 =	rddreg [dreg:$0x12];
	s28 =	simm.s32 $0x180  }
0x47: {  	[tilespmem:s28], [sflag:$0xB] =	stream.linear.gather [hbm4b:s26+s7], $0xC0, $0x38;
	[tilespmem:$0x1F480] =	vst v63  }
0x48: {  	s18 =	rddreg [dreg:$0x13];
	s19 =	simm.s32 $0x600  }
0x49: {  	[tilespmem:s19], [sflag:$0xB] =	stream.linear.gather [hbm4b:s18+s7], $0xC0, $0x38;
	[tilespmem:$0x1F480] =	vst v63  }
0x4a: {  	s20 =	rddreg [dreg:$0x14];
	s21 =	simm.s32 $0xA80  }
0x4b: {  	[tilespmem:s21], [sflag:$0xB] =	stream.linear.gather [hbm4b:s20+s7], $0xC0, $0x38;
	[tilespmem:$0x1F480] =	vst v63  }
0x4c: {  	s22 =	rddreg [dreg:$0x15];
	s23 =	simm.s32 $0x240  }
0x4d: {  	[tilespmem:s23], [sflag:$0xC] =	stream.linear.gather [hbm4b:s22+s7], $0xC0, $0x38;
	[tilespmem:$0x1F480] =	vst v63  }
0x4e: {  	s24 =	rddreg [dreg:$0x16];
	s25 =	simm.s32 $0x6C0  }
0x4f: {  	[tilespmem:s25], [sflag:$0xC] =	stream.linear.gather [hbm4b:s24+s7], $0xC0, $0x38;
	[tilespmem:$0x1F480] =	vst v63  }
0x50: {  	s26 =	rddreg [dreg:$0x17];
	s28 =	simm.s32 $0xB40  }
0x51: {  	[tilespmem:s28], [sflag:$0xC] =	stream.linear.gather [hbm4b:s26+s7], $0xC0, $0x38;
	[tilespmem:$0x1F480] =	vst v63  }
0x52: {  	_ =	swait.ge [sflag:s31], $0xC0  }
0x53: {  	[sflag:s31] =	ssyncset.done $0x0  }
0x54: {  	[sflag:s31] =	ssyncadd.s32 $0xFFFFFF40  }
0x55: {  	_ =	swait.ge [sflag:s31], $0xC0  }
.Ltmp2:
0x56: {  	[sflag:s31] =	ssyncset.done $0x0;
	(pc) =	sbr.rel @p0 .LBB2_11-.Ltmp2, $4  }
0x57: {  	[sflag:s31] =	ssyncadd.s32 $0xFFFFFF40  }
0x58: {  	_ =	swait.ge [sflag:s31], $0xC0  }
0x59: {  	[sflag:s31] =	ssyncset.done $0x0  }
0x5a: {  	s17 =	simm.s32 $0x0;
	s18 =	simm.s32 $0xD80;
	[sflag:s31] =	ssyncadd.s32 $0xFFFFFF40  }
0x5b: {  	[tilespmem:s18], [sflag:$0x1] =	stream.indirect.gather [hbm4b:s4+s6], $0x20, s17, s6, $0xb8;
	[tilespmem:$0x1F480] =	vst v63  }
0x5c: {  	_ =	swait.ge [sflag:s1], $0xC0  }
0x5d: {  	[sflag:s1] =	ssyncset.done $0x0  }
0x5e: {  	[sflag:s1] =	ssyncadd.s32 $0xFFFFFF40  }
0x5f: {  	_ =	swait.ge [sflag:s1], $0xC0  }
0x60: {  	[sflag:s1] =	ssyncset.done $0x0  }
0x61: {  	[sflag:s1] =	ssyncadd.s32 $0xFFFFFF40  }
0x62: {  	_ =	swait.ge [sflag:s1], $0xC0  }
0x63: {  	s28 =	simm.s32 $0x2580;
	s18 =	simm.s32 $0x0;
	[sflag:s1] =	ssyncset.done $0x0  }
0x64: {  	s19 =	simm.s32 $0x0;
	s20 =	simm.s32 $0x0;
	[sflag:s1] =	ssyncadd.s32 $0xFFFFFF40  }
0x65: {  	[tilespmem:s28], [sflag:$0x2] =	stream.indirect.gather [hbm4b:s4+s6], $0x20, s6, s6, $0xb8;
	[tilespmem:$0x1F480] =	vst v63  }
.LBB2_3:
0x66: {  	s21 =	sadd.s32 $0xFFFFFFFE, s20  }
0x67: {  	p1 =	sgt.u32 s21, $0x103  }
.Ltmp3:
0x68: {  	_ = 	snop;
	(pc) =	sbr.rel @p1 .LBB2_5-.Ltmp3, $3  }
0x69: {  	_ =	sdelay $0x1  }
0x6a: {  	s22 =	sadd.s32 $0x2, s20  }
0x6b: {  	s23 =	smul.u32 $0xAAAB, s20;
	s21 =	sand.u32 $0x3, s22  }
.Ltmp4:
0x6c: {  	(pc) =	sbr.rel .LBB2_6-.Ltmp4, $4  }
0x6d: {  	s24 =	sadd.s32 $0x5, s21  }
0x6e: {  	_ =	swait.ge [sflag:s24], $0x1800  }
0x6f: {  	[sflag:s24] =	ssyncset.done $0x0  }
0x70: {  	[sflag:s24] =	ssyncadd.s32 $0xFFFFE800  }
.LBB2_5:
0x71: {  	p1 =	sgt.u32 s20, $0x105  }
.Ltmp5:
0x72: {  	_ = 	snop;
	(pc) =	sbr.rel @p1 .LBB2_7-.Ltmp5, $1  }
0x73: {  	_ =	sdelay $0x3  }
.LBB2_6:
0x74: {  	s24 =	sadd.s32 $0x15556, s23  }
0x75: {  	s24 =	sshrl.u32 s24, $0x12  }
0x76: {  	s24 =	smul.u32 $0x6, s24;
	_ =	sdelay $0x1  }
0x77: {  	s22 =	ssub.s32 s22, s24  }
0x78: {  	s22 =	sand.u32 $0xFFFF, s22  }
0x79: {  	s24 =	sadd.s32 $0x9, s22  }
0x7a: {  	_ =	swait.ge [sflag:s24], $0xC0  }
0x7b: {  	[sflag:s24] =	ssyncset.done $0x0  }
0x7c: {  	[sflag:s24] =	ssyncadd.s32 $0xFFFFFF40  }
0x7d: {  	_ =	swait.ge [sflag:s24], $0xC0  }
0x7e: {  	p1 =	sgt.u32 s20, $0x103;
	s25 =	smul.u32 $0x6000, s21;
	[sflag:s24] =	ssyncset.done $0x0  }
0x7f: {  	s26 =	sadd.s32 @!p1 $0x4, s20;
	s22 =	smul.u32 $0x300, s22;
	[sflag:s24] =	ssyncadd.s32 $0xFFFFFF40  }
0x80: {  	s28 =	smul.u32 @!p1 $0xAAAB, s26;
	_ =	swait.ge [sflag:s24], $0xC0  }
0x81: {  	s22 =	sshrl.u32 s22, $0x2;
	[sflag:s24] =	ssyncset.done $0x0  }
0x82: {  	[sflag:s24] =	ssyncadd.s32 $0xFFFFFF40;
	s24 =	sshrl.u32 s25, $0x2;
	s25 =	sshrl.u32 @!p1 s28, $0x12  }
0x83: {  	s28 =	sadd.s32 $0x1, s21;
	s24 =	sadd.s32 $0xD80, s24;
	s25 =	smul.u32 @!p1 $0x6, s25  }
0x84: {  	[tilespmem:s24], [sflag:s28] =	stream.indirect.gather [hbm4b:s4+s6], $0x20, s22, s6, $0xb8;
	[tilespmem:$0x1F480] =	vst v63  }
0x85: {  	s22 =	sadd.s32 @!p1 s29, s26;
	s21 =	ssub.s32 @!p1 s26, s25  }
0x86: {  	s22 =	smul.u32 @!p1 $0x18, s22;
	s21 =	sand.u32 @!p1 $0xFFFF, s21  }
0x87: {  	s24 =	smul.u32 @!p1 $0xC0, s21  }
0x88: {  	s26 =	simm.s32 @!p1 $0x0;
	s21 =	sadd.s32 @!p1 $0x9, s21;
	s25 =	sadd.s32 @!p1 s0, s22  }
0x89: {  	[tilespmem:s24], [sflag:s21] =	stream.linear.gather @!p1 [hbm4b:s25+s26], $0xC0, $0x38;
	[tilespmem:$0x1F480] =	vst v63  }
0x8a: {  	s28 =	sadd.s32 @!p1 s2, s22;
	s25 =	sadd.s32 @!p1 $0x480, s24  }
0x8b: {  	[tilespmem:s25], [sflag:s21] =	stream.linear.gather @!p1 [hbm4b:s28+s26], $0xC0, $0x38;
	[tilespmem:$0x1F480] =	vst v63  }
0x8c: {  	s22 =	sadd.s32 @!p1 s3, s22;
	s24 =	sadd.s32 @!p1 $0x900, s24  }
0x8d: {  	[tilespmem:s24], [sflag:s21] =	stream.linear.gather @!p1 [hbm4b:s22+s26], $0xC0, $0x38;
	[tilespmem:$0x1F480] =	vst v63  }
.LBB2_7:
0x8e: {  	s21 =	sand.u32 $0xFFFF, s18  }
0x8f: {  	s22 =	smul.u32 $0xAAAB, s21  }
0x90: {  	s24 =	sand.u32 $0x3, s17;
	s21 =	sand.u32 $0x3, s20  }
0x91: {  	s24 =	smul.u32 $0x6000, s24;
	s25 =	sadd.s32 $0x1, s21;
	s22 =	sshrl.u32 s22, $0x12  }
0x92: {  	_ =	swait.ge [sflag:s25], $0x1800;
	s22 =	smul.u32 $0x1200, s22  }
0x93: {  	s24 =	sshrl.u32 s24, $0x2;
	[sflag:s25] =	ssyncset.done $0x0  }
0x94: {  	[sflag:s25] =	ssyncadd.s32 $0xFFFFE800;
	s26 =	ssub.s32 s19, s22;
	s22 =	sadd.s32 $0xE80, s24  }
0x95: {  	v5 =	vld [tilespmem:s22+$0xFFFFFFA0]  }
0x96: {  	s28 =	sand.u32 $0xFFFC, s26;
	v3 =	vld [tilespmem:s22+$0xFFFFFFF0]  }
0x97: {  	v0 =	vld [tilespmem:s22+$0xFFFFFF60];
	s24 =	sshrl.u32 s28, $0x2  }
0x98: {  	v7 =	vld [tilespmem:s22+$0xFFFFFFD0];
	s24 =	sadd.s32 $0x900, s24  }
0x99: {  	v8 =	vld [tilespmem:s22+$0x80];
	v4 =	vmov s24  }
0x9a: {  	v11 =	vld [tilespmem:s22+$0xFFFFFF10]  }
0x9b: {  	v15 =	vld [tilespmem:s22+$0xE0]  }
0x9c: {  	v10 =	vld [tilespmem:s22+$0xFFFFFF40]  }
0x9d: {  	s25 =	simm.s32 $0x0;
	v2 =	vld [tilespmem:s22+$0xFFFFFF90]  }
0x9e: {  	v1 =	vld.idx.msk [tilespmem:v4+s25+$0x0 ss:$0x1], $0xffff  }
0x9f: {  	v9 =	vld [tilespmem:s22+$0xFFFFFFC0]  }
0xa0: {  	s23 =	sshrl.u32 s23, $0x12;
	v13 =	vld [tilespmem:s22+$0xFFFFFF00]  }
0xa1: {  	s23 =	smul.u32 $0x6, s23;
	v12 =	vld [tilespmem:s22+$0xD0]  }
0xa2: {  	v22 =	vld [tilespmem:s22+$0xC0]  }
0xa3: {  	s23 =	ssub.s32 s20, s23;
	s26 =	smul.u32 $0x6000, s21;
	v20 =	vld [tilespmem:s22+$0x90];
	v18 =	vbroadcast v1, $0x0;
	v6 =	vbroadcast v1, $0xF  }
0xa4: {  	s23 =	smul.u32 $0x300, s23;
	v21 =	vld [tilespmem:s22+$0xFFFFFF50];
	v19 =	vbroadcast v1, $0x2;
	v16 =	vbroadcast v1, $0xE  }
0xa5: {  	v17 =	vld [tilespmem:s22+$0xB0];
	s28 =	sshrl.u32 s26, $0x2;
	s26 =	smov.u32 s22;
	v14 =	vbroadcast v1, $0xC;
	v24 =	vmul.f32 v18, v13  }
0xa6: {  	s24 =	sand.u32 $0xFF00, s23;
	s23 =	sadd.s32 $0xD80, s28;
	s25 =	simm.s32 $0x40;
	v13 =	vbroadcast v1, $0xD;
	v23 =	vmul.f32 v10, v19;
	v10 =	vld [tilespmem:s22+$0x60]  }
.LBB2_8:
0xa7: {  	p1 =	sne.s32 s25, $0x2C0  }
0xa8: {  	[tilespmem:s22+$0xFFFFFF00] =	vst v24;
	v24 =	vld [tilespmem:s22+$0xFFFFFFB0];
	v22 =	vmul.f32 v22, v16;
	v15 =	vmul.f32 v15, v6;
	s26 =	sadd.s32 $0x200, s26;
	s28 =	smov.u32 s25;
	s25 =	sadd.s32 $0x40, s25  }
0xa9: {  	[tilespmem:s22+$0xFFFFFF40] =	vst v23;
	v23 =	vbroadcast v1, $0xA;
	v20 =	vmul.f32 v20, v14;
	v25 =	vld [tilespmem:s22+$0xA0]  }
0xaa: {  	v11 =	vmul.f32 v11, v18;
	v18 =	vmul.f32 v21, v19;
	v19 =	vld [tilespmem:s22+$0x70];
	[tilespmem:s22+$0xE0] =	vst v15  }
0xab: {  	v15 =	vbroadcast v1, $0x5;
	v21 =	vld [tilespmem:s22+$0xFFFFFFE0];
	v17 =	vmul.f32 v17, v13;
	[tilespmem:s22+$0xC0] =	vst v22  }
0xac: {  	v12 =	vmul.f32 v12, v16;
	[tilespmem:s22+$0xFFFFFF10] =	vst v11;
	v11 =	vbroadcast v1, $0x6;
	v22 =	vld [tilespmem:s22+$0x40]  }
0xad: {  	v26 =	vbroadcast v1, $0xB;
	v5 =	vmul.f32 v5, v15;
	v16 =	vld [tilespmem:s22+$0xFFFFFF20];
	[tilespmem:s22+$0x90] =	vst v20  }
0xae: {  	v20 =	vbroadcast v1, $0x9;
	[tilespmem:s22+$0xFFFFFF50] =	vst v18;
	v18 =	vld [tilespmem:s22+$0x20];
	v13 =	vmul.f32 v25, v13  }
0xaf: {  	v15 =	vmul.f32 v24, v15;
	v24 =	vld [tilespmem:s22+$0x50];
	v19 =	vmul.f32 v19, v26;
	[tilespmem:s22+$0xD0] =	vst v12  }
0xb0: {  	v8 =	vmul.f32 v8, v14;
	v12 =	vbroadcast v1, $0x7;
	v25 =	vld [tilespmem:s22+$0x30];
	[tilespmem:s22+$0xA0] =	vst v13  }
0xb1: {  	v9 =	vmul.f32 v9, v11;
	v13 =	vbroadcast v1, $0x3;
	v14 =	vld [tilespmem:s22+$0x0];
	[tilespmem:s22+$0x70] =	vst v19  }
0xb2: {  	v10 =	vmul.f32 v10, v26;
	v7 =	vmul.f32 v7, v11;
	v11 =	vld [tilespmem:s22+$0x10];
	[tilespmem:s22+$0x80] =	vst v8  }
0xb3: {  	v19 =	vbroadcast v1, $0x8;
	v22 =	vmul.f32 v22, v23;
	v8 =	vld [tilespmem:s22+$0xFFFFFF30];
	[tilespmem:s22+$0xB0] =	vst v17  }
0xb4: {  	v17 =	vbroadcast v1, $0x1;
	v26 =	vld [tilespmem:s22+$0xFFFFFF70];
	[tilespmem:s22+$0xFFFFFFD0] =	vst v7;
	v23 =	vmul.f32 v24, v23  }
0xb5: {  	v3 =	vmul.f32 v3, v12;
	v7 =	vmul.f32 v21, v12;
	[tilespmem:s22+$0xFFFFFFC0] =	vst v9;
	v9 =	vld [tilespmem:s22+$0xF0]  }
0xb6: {  	v21 =	vmul.f32 v25, v20;
	v12 =	vld [tilespmem:s22+$0xFFFFFF80];
	[tilespmem:s22+$0xFFFFFFA0] =	vst v5;
	v14 =	vmul.f32 v14, v19  }
0xb7: {  	v5 =	vld [tilespmem:s26+$0xFFFFFFA0];
	[tilespmem:s22+$0xFFFFFFF0] =	vst v3;
	v19 =	vmul.f32 v11, v19;
	v11 =	vmul.f32 v18, v20  }
0xb8: {  	v3 =	vmul.f32 v16, v17;
	v16 =	vmul.f32 v8, v17;
	[tilespmem:s22+$0x60] =	vst v10  }
0xb9: {  	v0 =	vmul.f32 v0, v13;
	v8 =	vmul.f32 v26, v13;
	[tilespmem:s22+$0xFFFFFFB0] =	vst v15  }
0xba: {  	v1 =	vbroadcast v1, $0x4;
	[tilespmem:s22+$0xFFFFFF20] =	vst v3;
	v3 =	vmul.f32 v9, v6  }
0xbb: {  	[tilespmem:s22+$0xFFFFFF60] =	vst v0  }
0xbc: {  	v6 =	vmul.f32 v12, v1;
	v0 =	vmul.f32 v2, v1;
	[tilespmem:s22+$0x40] =	vst v22  }
0xbd: {  	[tilespmem:s22+$0xFFFFFFE0] =	vst v7  }
0xbe: {  	[tilespmem:s22+$0xF0] =	vst v3  }
0xbf: {  	[tilespmem:s22+$0xFFFFFF90] =	vst v0  }
0xc0: {  	[tilespmem:s22+$0xFFFFFF70] =	vst v8  }
0xc1: {  	v3 =	vld [tilespmem:s26+$0xFFFFFFF0];
	[tilespmem:s22+$0x20] =	vst v11  }
0xc2: {  	v0 =	vld [tilespmem:s26+$0xFFFFFF60];
	[tilespmem:s22+$0x30] =	vst v21  }
0xc3: {  	v7 =	vld [tilespmem:s26+$0xFFFFFFD0];
	[tilespmem:s22+$0xFFFFFF80] =	vst v6  }
0xc4: {  	v8 =	vld [tilespmem:s26+$0x80];
	[tilespmem:s22+$0x50] =	vst v23  }
0xc5: {  	v11 =	vld [tilespmem:s26+$0xFFFFFF10];
	[tilespmem:s22+$0x0] =	vst v14  }
0xc6: {  	v15 =	vld [tilespmem:s26+$0xE0];
	[tilespmem:s22+$0xFFFFFF30] =	vst v16  }
0xc7: {  	s28 =	sshra.s32 s28, $0x2;
	v10 =	vld [tilespmem:s26+$0xFFFFFF40];
	[tilespmem:s22+$0x10] =	vst v19;
	s22 =	smov.u32 s26  }
0xc8: {  	v1 =	vld.idx.msk [tilespmem:v4+s28+$0x0 ss:$0x1], $0xffff  }
0xc9: {  	v2 =	vld [tilespmem:s26+$0xFFFFFF90]  }
0xca: {  	v9 =	vld [tilespmem:s26+$0xFFFFFFC0]  }
0xcb: {  	v13 =	vld [tilespmem:s26+$0xFFFFFF00]  }
0xcc: {  	v12 =	vld [tilespmem:s26+$0xD0]  }
.Ltmp6:
0xcd: {  	v22 =	vld [tilespmem:s26+$0xC0];
	(pc) =	sbr.rel @p1 .LBB2_8-.Ltmp6, $4  }
0xce: {  	v18 =	vbroadcast v1, $0x0;
	v6 =	vbroadcast v1, $0xF;
	v20 =	vld [tilespmem:s26+$0x90]  }
0xcf: {  	v19 =	vbroadcast v1, $0x2;
	v16 =	vbroadcast v1, $0xE;
	v21 =	vld [tilespmem:s26+$0xFFFFFF50]  }
0xd0: {  	v24 =	vmul.f32 v18, v13;
	v13 =	vbroadcast v1, $0xD;
	v17 =	vld [tilespmem:s26+$0xB0]  }
0xd1: {  	v14 =	vbroadcast v1, $0xC;
	v23 =	vmul.f32 v10, v19;
	v10 =	vld [tilespmem:s26+$0x60]  }
0xd2: {  	[tilespmem:s22+$0xFFFFFF00] =	vst v24;
	v4 =	vmul.f32 v15, v6  }
0xd3: {  	v63 =	vmul.f32 v22, v16;
	[tilespmem:s22+$0xFFFFFF40] =	vst v23  }
0xd4: {  	v11 =	vmul.f32 v11, v18;
	[tilespmem:s22+$0xE0] =	vst v4  }
0xd5: {  	v28 =	vmul.f32 v12, v16;
	[tilespmem:s22+$0xC0] =	vst v63  }
0xd6: {  	v26 =	vmul.f32 v20, v14;
	[tilespmem:s22+$0xFFFFFF10] =	vst v11  }
0xd7: {  	v34 =	vbroadcast v1, $0x6;
	v8 =	vmul.f32 v8, v14;
	[tilespmem:s22+$0xD0] =	vst v28  }
0xd8: {  	v19 =	vmul.f32 v21, v19;
	[tilespmem:s22+$0x90] =	vst v26  }
0xd9: {  	v38 =	vbroadcast v1, $0x5;
	v7 =	vmul.f32 v7, v34;
	[tilespmem:s22+$0x80] =	vst v8  }
0xda: {  	v40 =	vbroadcast v1, $0x7;
	v9 =	vmul.f32 v9, v34;
	[tilespmem:s22+$0xFFFFFF50] =	vst v19  }
0xdb: {  	v47 =	vbroadcast v1, $0x3;
	v5 =	vmul.f32 v5, v38;
	[tilespmem:s22+$0xFFFFFFD0] =	vst v7  }
0xdc: {  	v24 =	vld [tilespmem:s22+$0xA0];
	v52 =	vbroadcast v1, $0x4;
	v3 =	vmul.f32 v3, v40;
	[tilespmem:s22+$0xFFFFFFC0] =	vst v9  }
0xdd: {  	v25 =	vld [tilespmem:s22+$0x70];
	v0 =	vmul.f32 v0, v47;
	[tilespmem:s22+$0xFFFFFFA0] =	vst v5  }
0xde: {  	v27 =	vld [tilespmem:s22+$0xFFFFFFB0];
	v30 =	vbroadcast v1, $0xB;
	v2 =	vmul.f32 v2, v52;
	[tilespmem:s22+$0xFFFFFFF0] =	vst v3  }
0xdf: {  	v29 =	vld [tilespmem:s22+$0xFFFFFF20];
	v36 =	vmul.f32 v17, v13;
	[tilespmem:s22+$0xFFFFFF60] =	vst v0  }
0xe0: {  	v33 =	vld [tilespmem:s22+$0x40];
	v10 =	vmul.f32 v10, v30;
	[tilespmem:s22+$0xFFFFFF90] =	vst v2  }
0xe1: {  	v31 =	vld [tilespmem:s22+$0xFFFFFFE0];
	v32 =	vmul.f32 v24, v13;
	[tilespmem:s22+$0xB0] =	vst v36  }
0xe2: {  	v45 =	vbroadcast v1, $0x1;
	v48 =	vld [tilespmem:s22+$0xF0];
	v18 =	vmul.f32 v25, v30;
	[tilespmem:s22+$0x60] =	vst v10  }
0xe3: {  	v42 =	vld [tilespmem:s22+$0xFFFFFF70];
	v49 =	vbroadcast v1, $0xA;
	v46 =	vmul.f32 v27, v38;
	[tilespmem:s22+$0xA0] =	vst v32  }
0xe4: {  	v37 =	vld [tilespmem:s22+$0x20];
	v12 =	vmul.f32 v29, v45;
	[tilespmem:s22+$0x70] =	vst v18  }
0xe5: {  	v39 =	vld [tilespmem:s22+$0x30];
	v51 =	vmul.f32 v33, v49;
	[tilespmem:s22+$0xFFFFFFB0] =	vst v46  }
0xe6: {  	v43 =	vld [tilespmem:s22+$0xFFFFFF80];
	v4 =	vmul.f32 v31, v40;
	[tilespmem:s22+$0xFFFFFF20] =	vst v12  }
0xe7: {  	v35 =	vld [tilespmem:s22+$0x50];
	v54 =	vbroadcast v1, $0x9;
	v53 =	vmul.f32 v48, v6;
	[tilespmem:s22+$0x40] =	vst v51  }
0xe8: {  	v41 =	vld [tilespmem:s22+$0x0];
	v55 =	vmul.f32 v42, v47;
	[tilespmem:s22+$0xFFFFFFE0] =	vst v4  }
0xe9: {  	v50 =	vld [tilespmem:s22+$0xFFFFFF30];
	v56 =	vmul.f32 v37, v54;
	[tilespmem:s22+$0xF0] =	vst v53  }
0xea: {  	v44 =	vld [tilespmem:s22+$0x10];
	v57 =	vmul.f32 v39, v54;
	[tilespmem:s22+$0xFFFFFF70] =	vst v55  }
0xeb: {  	v58 =	vbroadcast v1, $0x8;
	v59 =	vmul.f32 v43, v52;
	[tilespmem:s22+$0x20] =	vst v56  }
0xec: {  	s20 =	sadd.s32 $0x1, s20;
	v60 =	vmul.f32 v35, v49;
	[tilespmem:s22+$0x30] =	vst v57  }
0xed: {  	p1 =	seq.s32 s20, $0x108;
	v61 =	vmul.f32 v41, v58;
	[tilespmem:s22+$0xFFFFFF80] =	vst v59  }
.Ltmp7:
0xee: {  	v62 =	vmul.f32 v50, v45;
	[tilespmem:s22+$0x50] =	vst v60;
	(pc) =	sbr.rel @!p1 .LBB2_3-.Ltmp7, $4  }
0xef: {  	v63 =	vmul.f32 v44, v58;
	[tilespmem:s22+$0x0] =	vst v61  }
0xf0: {  	s24 =	sshrl.u32 s24, $0x2;
	s21 =	sadd.s32 $0x5, s21;
	s19 =	sadd.s32 $0x300, s19;
	[tilespmem:s22+$0xFFFFFF30] =	vst v62  }
0xf1: {  	s18 =	sadd.s32 $0x1, s18;
	s17 =	sadd.s32 $0x1, s17;
	s28 =	sadd.s32 $0x480, s24;
	[tilespmem:s22+$0x10] =	vst v63  }
0xf2: {  	[spmem:s5] =	stream.indirect.scatter.add.f32 [tilespmem:s23], [sflag:s21], $0x20, s28, s6, $0xb8;
	[tilespmem:$0x1F480] =	vst v63  }
.Ltmp8:
0xf3: {  	(pc) =	sbr.rel .LBB2_20-.Ltmp8, $2  }
0xf4: {  	_ =	sdelay $0x2  }
0xf5: {  	s17 =	rddreg [dreg:$0x8]  }
.LBB2_11:
0xf6: {  	[tilespmem:s18], [sflag:$0x1] =	stream.indirect.gather [hbm4b:s8+s6], $0x20, s17, s6, $0xb8;
	[tilespmem:$0x1F480] =	vst v63  }
0xf7: {  	_ =	swait.ge [sflag:s1], $0xC0  }
0xf8: {  	[sflag:s1] =	ssyncset.done $0x0  }
0xf9: {  	[sflag:s1] =	ssyncadd.s32 $0xFFFFFF40  }
0xfa: {  	_ =	swait.ge [sflag:s1], $0xC0  }
0xfb: {  	[sflag:s1] =	ssyncset.done $0x0  }
0xfc: {  	[sflag:s1] =	ssyncadd.s32 $0xFFFFFF40  }
0xfd: {  	_ =	swait.ge [sflag:s1], $0xC0  }
0xfe: {  	s28 =	simm.s32 $0x2580;
	s18 =	simm.s32 $0x0;
	[sflag:s1] =	ssyncset.done $0x0  }
0xff: {  	s19 =	simm.s32 $0x0;
	s20 =	simm.s32 $0x0;
	[sflag:s1] =	ssyncadd.s32 $0xFFFFFF40  }
0x100: {  	[tilespmem:s28], [sflag:$0x2] =	stream.indirect.gather [hbm4b:s8+s6], $0x20, s6, s6, $0xb8;
	[tilespmem:$0x1F480] =	vst v63  }
.LBB2_12:
0x101: {  	s21 =	sadd.s32 $0xFFFFFFFE, s20  }
0x102: {  	p1 =	sgt.u32 s21, $0x103  }
.Ltmp9:
0x103: {  	_ = 	snop;
	(pc) =	sbr.rel @p1 .LBB2_14-.Ltmp9, $3  }
0x104: {  	_ =	sdelay $0x1  }
0x105: {  	s22 =	sadd.s32 $0x2, s20  }
0x106: {  	s23 =	smul.u32 $0xAAAB, s20;
	s21 =	sand.u32 $0x3, s22  }
.Ltmp10:
0x107: {  	(pc) =	sbr.rel .LBB2_15-.Ltmp10, $4  }
0x108: {  	s24 =	sadd.s32 $0x5, s21  }
0x109: {  	_ =	swait.ge [sflag:s24], $0x1800  }
0x10a: {  	[sflag:s24] =	ssyncset.done $0x0  }
0x10b: {  	[sflag:s24] =	ssyncadd.s32 $0xFFFFE800  }
.LBB2_14:
0x10c: {  	p1 =	sgt.u32 s20, $0x105  }
.Ltmp11:
0x10d: {  	_ = 	snop;
	(pc) =	sbr.rel @p1 .LBB2_16-.Ltmp11, $1  }
0x10e: {  	_ =	sdelay $0x3  }
.LBB2_15:
0x10f: {  	s24 =	sadd.s32 $0x15556, s23  }
0x110: {  	s24 =	sshrl.u32 s24, $0x12  }
0x111: {  	s24 =	smul.u32 $0x6, s24;
	_ =	sdelay $0x1  }
0x112: {  	s22 =	ssub.s32 s22, s24  }
0x113: {  	s22 =	sand.u32 $0xFFFF, s22  }
0x114: {  	s24 =	sadd.s32 $0x9, s22  }
0x115: {  	_ =	swait.ge [sflag:s24], $0xC0  }
0x116: {  	[sflag:s24] =	ssyncset.done $0x0  }
0x117: {  	[sflag:s24] =	ssyncadd.s32 $0xFFFFFF40  }
0x118: {  	_ =	swait.ge [sflag:s24], $0xC0  }
0x119: {  	p1 =	sgt.u32 s20, $0x103;
	s25 =	smul.u32 $0x6000, s21;
	[sflag:s24] =	ssyncset.done $0x0  }
0x11a: {  	s26 =	sadd.s32 @!p1 $0x4, s20;
	s22 =	smul.u32 $0x300, s22;
	[sflag:s24] =	ssyncadd.s32 $0xFFFFFF40  }
0x11b: {  	s28 =	smul.u32 @!p1 $0xAAAB, s26;
	_ =	swait.ge [sflag:s24], $0xC0  }
0x11c: {  	s22 =	sshrl.u32 s22, $0x2;
	[sflag:s24] =	ssyncset.done $0x0  }
0x11d: {  	[sflag:s24] =	ssyncadd.s32 $0xFFFFFF40;
	s24 =	sshrl.u32 s25, $0x2;
	s25 =	sshrl.u32 @!p1 s28, $0x12  }
0x11e: {  	s28 =	sadd.s32 $0x1, s21;
	s24 =	sadd.s32 $0xD80, s24;
	s25 =	smul.u32 @!p1 $0x6, s25  }
0x11f: {  	[tilespmem:s24], [sflag:s28] =	stream.indirect.gather [hbm4b:s8+s6], $0x20, s22, s6, $0xb8;
	[tilespmem:$0x1F480] =	vst v63  }
0x120: {  	s22 =	sadd.s32 @!p1 s29, s26;
	s21 =	ssub.s32 @!p1 s26, s25  }
0x121: {  	s22 =	smul.u32 @!p1 $0x18, s22;
	s21 =	sand.u32 @!p1 $0xFFFF, s21  }
0x122: {  	s24 =	smul.u32 @!p1 $0xC0, s21  }
0x123: {  	s26 =	simm.s32 @!p1 $0x0;
	s21 =	sadd.s32 @!p1 $0x9, s21;
	s25 =	sadd.s32 @!p1 s0, s22  }
0x124: {  	[tilespmem:s24], [sflag:s21] =	stream.linear.gather @!p1 [hbm4b:s25+s26], $0xC0, $0x38;
	[tilespmem:$0x1F480] =	vst v63  }
0x125: {  	s28 =	sadd.s32 @!p1 s2, s22;
	s25 =	sadd.s32 @!p1 $0x480, s24  }
0x126: {  	[tilespmem:s25], [sflag:s21] =	stream.linear.gather @!p1 [hbm4b:s28+s26], $0xC0, $0x38;
	[tilespmem:$0x1F480] =	vst v63  }
0x127: {  	s22 =	sadd.s32 @!p1 s3, s22;
	s24 =	sadd.s32 @!p1 $0x900, s24  }
0x128: {  	[tilespmem:s24], [sflag:s21] =	stream.linear.gather @!p1 [hbm4b:s22+s26], $0xC0, $0x38;
	[tilespmem:$0x1F480] =	vst v63  }
.LBB2_16:
0x129: {  	s21 =	sand.u32 $0xFFFF, s18  }
0x12a: {  	s22 =	smul.u32 $0xAAAB, s21  }
0x12b: {  	s24 =	sand.u32 $0x3, s17;
	s21 =	sand.u32 $0x3, s20  }
0x12c: {  	s24 =	smul.u32 $0x6000, s24;
	s25 =	sadd.s32 $0x1, s21;
	s22 =	sshrl.u32 s22, $0x12  }
0x12d: {  	_ =	swait.ge [sflag:s25], $0x1800;
	s22 =	smul.u32 $0x1200, s22  }
0x12e: {  	s24 =	sshrl.u32 s24, $0x2;
	[sflag:s25] =	ssyncset.done $0x0  }
0x12f: {  	[sflag:s25] =	ssyncadd.s32 $0xFFFFE800;
	s26 =	ssub.s32 s19, s22;
	s22 =	sadd.s32 $0xE80, s24  }
0x130: {  	v5 =	vld [tilespmem:s22+$0xFFFFFFA0]  }
0x131: {  	s28 =	sand.u32 $0xFFFC, s26;
	v3 =	vld [tilespmem:s22+$0xFFFFFFF0]  }
0x132: {  	v0 =	vld [tilespmem:s22+$0xFFFFFF60];
	s24 =	sshrl.u32 s28, $0x2  }
0x133: {  	v7 =	vld [tilespmem:s22+$0xFFFFFFD0];
	s24 =	sadd.s32 $0x900, s24  }
0x134: {  	v8 =	vld [tilespmem:s22+$0x80];
	v4 =	vmov s24  }
0x135: {  	v11 =	vld [tilespmem:s22+$0xFFFFFF10]  }
0x136: {  	v15 =	vld [tilespmem:s22+$0xE0]  }
0x137: {  	v10 =	vld [tilespmem:s22+$0xFFFFFF40]  }
0x138: {  	s25 =	simm.s32 $0x0;
	v2 =	vld [tilespmem:s22+$0xFFFFFF90]  }
0x139: {  	v1 =	vld.idx.msk [tilespmem:v4+s25+$0x0 ss:$0x1], $0xffff  }
0x13a: {  	v9 =	vld [tilespmem:s22+$0xFFFFFFC0]  }
0x13b: {  	s23 =	sshrl.u32 s23, $0x12;
	v13 =	vld [tilespmem:s22+$0xFFFFFF00]  }
0x13c: {  	s23 =	smul.u32 $0x6, s23;
	v12 =	vld [tilespmem:s22+$0xD0]  }
0x13d: {  	v22 =	vld [tilespmem:s22+$0xC0]  }
0x13e: {  	s23 =	ssub.s32 s20, s23;
	s26 =	smul.u32 $0x6000, s21;
	v20 =	vld [tilespmem:s22+$0x90];
	v18 =	vbroadcast v1, $0x0;
	v6 =	vbroadcast v1, $0xF  }
0x13f: {  	s23 =	smul.u32 $0x300, s23;
	v21 =	vld [tilespmem:s22+$0xFFFFFF50];
	v19 =	vbroadcast v1, $0x2;
	v16 =	vbroadcast v1, $0xE  }
0x140: {  	v17 =	vld [tilespmem:s22+$0xB0];
	s28 =	sshrl.u32 s26, $0x2;
	s26 =	smov.u32 s22;
	v14 =	vbroadcast v1, $0xC;
	v24 =	vmul.f32 v18, v13  }
0x141: {  	s24 =	sand.u32 $0xFF00, s23;
	s23 =	sadd.s32 $0xD80, s28;
	s25 =	simm.s32 $0x40;
	v13 =	vbroadcast v1, $0xD;
	v23 =	vmul.f32 v10, v19;
	v10 =	vld [tilespmem:s22+$0x60]  }
.LBB2_17:
0x142: {  	p1 =	sne.s32 s25, $0x2C0  }
0x143: {  	[tilespmem:s22+$0xFFFFFF00] =	vst v24;
	v24 =	vld [tilespmem:s22+$0xFFFFFFB0];
	v22 =	vmul.f32 v22, v16;
	v15 =	vmul.f32 v15, v6;
	s26 =	sadd.s32 $0x200, s26;
	s28 =	smov.u32 s25;
	s25 =	sadd.s32 $0x40, s25  }
0x144: {  	[tilespmem:s22+$0xFFFFFF40] =	vst v23;
	v23 =	vbroadcast v1, $0xA;
	v20 =	vmul.f32 v20, v14;
	v25 =	vld [tilespmem:s22+$0xA0]  }
0x145: {  	v11 =	vmul.f32 v11, v18;
	v18 =	vmul.f32 v21, v19;
	v19 =	vld [tilespmem:s22+$0x70];
	[tilespmem:s22+$0xE0] =	vst v15  }
0x146: {  	v15 =	vbroadcast v1, $0x5;
	v21 =	vld [tilespmem:s22+$0xFFFFFFE0];
	v17 =	vmul.f32 v17, v13;
	[tilespmem:s22+$0xC0] =	vst v22  }
0x147: {  	v12 =	vmul.f32 v12, v16;
	[tilespmem:s22+$0xFFFFFF10] =	vst v11;
	v11 =	vbroadcast v1, $0x6;
	v22 =	vld [tilespmem:s22+$0x40]  }
0x148: {  	v26 =	vbroadcast v1, $0xB;
	v5 =	vmul.f32 v5, v15;
	v16 =	vld [tilespmem:s22+$0xFFFFFF20];
	[tilespmem:s22+$0x90] =	vst v20  }
0x149: {  	v20 =	vbroadcast v1, $0x9;
	[tilespmem:s22+$0xFFFFFF50] =	vst v18;
	v18 =	vld [tilespmem:s22+$0x20];
	v13 =	vmul.f32 v25, v13  }
0x14a: {  	v15 =	vmul.f32 v24, v15;
	v24 =	vld [tilespmem:s22+$0x50];
	v19 =	vmul.f32 v19, v26;
	[tilespmem:s22+$0xD0] =	vst v12  }
0x14b: {  	v8 =	vmul.f32 v8, v14;
	v12 =	vbroadcast v1, $0x7;
	v25 =	vld [tilespmem:s22+$0x30];
	[tilespmem:s22+$0xA0] =	vst v13  }
0x14c: {  	v9 =	vmul.f32 v9, v11;
	v13 =	vbroadcast v1, $0x3;
	v14 =	vld [tilespmem:s22+$0x0];
	[tilespmem:s22+$0x70] =	vst v19  }
0x14d: {  	v10 =	vmul.f32 v10, v26;
	v7 =	vmul.f32 v7, v11;
	v11 =	vld [tilespmem:s22+$0x10];
	[tilespmem:s22+$0x80] =	vst v8  }
0x14e: {  	v19 =	vbroadcast v1, $0x8;
	v22 =	vmul.f32 v22, v23;
	v8 =	vld [tilespmem:s22+$0xFFFFFF30];
	[tilespmem:s22+$0xB0] =	vst v17  }
0x14f: {  	v17 =	vbroadcast v1, $0x1;
	v26 =	vld [tilespmem:s22+$0xFFFFFF70];
	[tilespmem:s22+$0xFFFFFFD0] =	vst v7;
	v23 =	vmul.f32 v24, v23  }
0x150: {  	v3 =	vmul.f32 v3, v12;
	v7 =	vmul.f32 v21, v12;
	[tilespmem:s22+$0xFFFFFFC0] =	vst v9;
	v9 =	vld [tilespmem:s22+$0xF0]  }
0x151: {  	v21 =	vmul.f32 v25, v20;
	v12 =	vld [tilespmem:s22+$0xFFFFFF80];
	[tilespmem:s22+$0xFFFFFFA0] =	vst v5;
	v14 =	vmul.f32 v14, v19  }
0x152: {  	v5 =	vld [tilespmem:s26+$0xFFFFFFA0];
	[tilespmem:s22+$0xFFFFFFF0] =	vst v3;
	v19 =	vmul.f32 v11, v19;
	v11 =	vmul.f32 v18, v20  }
0x153: {  	v3 =	vmul.f32 v16, v17;
	v16 =	vmul.f32 v8, v17;
	[tilespmem:s22+$0x60] =	vst v10  }
0x154: {  	v0 =	vmul.f32 v0, v13;
	v8 =	vmul.f32 v26, v13;
	[tilespmem:s22+$0xFFFFFFB0] =	vst v15  }
0x155: {  	v1 =	vbroadcast v1, $0x4;
	[tilespmem:s22+$0xFFFFFF20] =	vst v3;
	v3 =	vmul.f32 v9, v6  }
0x156: {  	[tilespmem:s22+$0xFFFFFF60] =	vst v0  }
0x157: {  	v6 =	vmul.f32 v12, v1;
	v0 =	vmul.f32 v2, v1;
	[tilespmem:s22+$0x40] =	vst v22  }
0x158: {  	[tilespmem:s22+$0xFFFFFFE0] =	vst v7  }
0x159: {  	[tilespmem:s22+$0xF0] =	vst v3  }
0x15a: {  	[tilespmem:s22+$0xFFFFFF90] =	vst v0  }
0x15b: {  	[tilespmem:s22+$0xFFFFFF70] =	vst v8  }
0x15c: {  	v3 =	vld [tilespmem:s26+$0xFFFFFFF0];
	[tilespmem:s22+$0x20] =	vst v11  }
0x15d: {  	v0 =	vld [tilespmem:s26+$0xFFFFFF60];
	[tilespmem:s22+$0x30] =	vst v21  }
0x15e: {  	v7 =	vld [tilespmem:s26+$0xFFFFFFD0];
	[tilespmem:s22+$0xFFFFFF80] =	vst v6  }
0x15f: {  	v8 =	vld [tilespmem:s26+$0x80];
	[tilespmem:s22+$0x50] =	vst v23  }
0x160: {  	v11 =	vld [tilespmem:s26+$0xFFFFFF10];
	[tilespmem:s22+$0x0] =	vst v14  }
0x161: {  	v15 =	vld [tilespmem:s26+$0xE0];
	[tilespmem:s22+$0xFFFFFF30] =	vst v16  }
0x162: {  	s28 =	sshra.s32 s28, $0x2;
	v10 =	vld [tilespmem:s26+$0xFFFFFF40];
	[tilespmem:s22+$0x10] =	vst v19;
	s22 =	smov.u32 s26  }
0x163: {  	v1 =	vld.idx.msk [tilespmem:v4+s28+$0x0 ss:$0x1], $0xffff  }
0x164: {  	v2 =	vld [tilespmem:s26+$0xFFFFFF90]  }
0x165: {  	v9 =	vld [tilespmem:s26+$0xFFFFFFC0]  }
0x166: {  	v13 =	vld [tilespmem:s26+$0xFFFFFF00]  }
0x167: {  	v12 =	vld [tilespmem:s26+$0xD0]  }
.Ltmp12:
0x168: {  	v22 =	vld [tilespmem:s26+$0xC0];
	(pc) =	sbr.rel @p1 .LBB2_17-.Ltmp12, $4  }
0x169: {  	v18 =	vbroadcast v1, $0x0;
	v6 =	vbroadcast v1, $0xF;
	v20 =	vld [tilespmem:s26+$0x90]  }
0x16a: {  	v19 =	vbroadcast v1, $0x2;
	v16 =	vbroadcast v1, $0xE;
	v21 =	vld [tilespmem:s26+$0xFFFFFF50]  }
0x16b: {  	v24 =	vmul.f32 v18, v13;
	v13 =	vbroadcast v1, $0xD;
	v17 =	vld [tilespmem:s26+$0xB0]  }
0x16c: {  	v14 =	vbroadcast v1, $0xC;
	v23 =	vmul.f32 v10, v19;
	v10 =	vld [tilespmem:s26+$0x60]  }
0x16d: {  	[tilespmem:s22+$0xFFFFFF00] =	vst v24;
	v4 =	vmul.f32 v15, v6  }
0x16e: {  	v63 =	vmul.f32 v22, v16;
	[tilespmem:s22+$0xFFFFFF40] =	vst v23  }
0x16f: {  	v11 =	vmul.f32 v11, v18;
	[tilespmem:s22+$0xE0] =	vst v4  }
0x170: {  	v28 =	vmul.f32 v12, v16;
	[tilespmem:s22+$0xC0] =	vst v63  }
0x171: {  	v26 =	vmul.f32 v20, v14;
	[tilespmem:s22+$0xFFFFFF10] =	vst v11  }
0x172: {  	v34 =	vbroadcast v1, $0x6;
	v8 =	vmul.f32 v8, v14;
	[tilespmem:s22+$0xD0] =	vst v28  }
0x173: {  	v19 =	vmul.f32 v21, v19;
	[tilespmem:s22+$0x90] =	vst v26  }
0x174: {  	v38 =	vbroadcast v1, $0x5;
	v7 =	vmul.f32 v7, v34;
	[tilespmem:s22+$0x80] =	vst v8  }
0x175: {  	v40 =	vbroadcast v1, $0x7;
	v9 =	vmul.f32 v9, v34;
	[tilespmem:s22+$0xFFFFFF50] =	vst v19  }
0x176: {  	v47 =	vbroadcast v1, $0x3;
	v5 =	vmul.f32 v5, v38;
	[tilespmem:s22+$0xFFFFFFD0] =	vst v7  }
0x177: {  	v24 =	vld [tilespmem:s22+$0xA0];
	v52 =	vbroadcast v1, $0x4;
	v3 =	vmul.f32 v3, v40;
	[tilespmem:s22+$0xFFFFFFC0] =	vst v9  }
0x178: {  	v25 =	vld [tilespmem:s22+$0x70];
	v0 =	vmul.f32 v0, v47;
	[tilespmem:s22+$0xFFFFFFA0] =	vst v5  }
0x179: {  	v27 =	vld [tilespmem:s22+$0xFFFFFFB0];
	v30 =	vbroadcast v1, $0xB;
	v2 =	vmul.f32 v2, v52;
	[tilespmem:s22+$0xFFFFFFF0] =	vst v3  }
0x17a: {  	v29 =	vld [tilespmem:s22+$0xFFFFFF20];
	v36 =	vmul.f32 v17, v13;
	[tilespmem:s22+$0xFFFFFF60] =	vst v0  }
0x17b: {  	v33 =	vld [tilespmem:s22+$0x40];
	v10 =	vmul.f32 v10, v30;
	[tilespmem:s22+$0xFFFFFF90] =	vst v2  }
0x17c: {  	v31 =	vld [tilespmem:s22+$0xFFFFFFE0];
	v32 =	vmul.f32 v24, v13;
	[tilespmem:s22+$0xB0] =	vst v36  }
0x17d: {  	v45 =	vbroadcast v1, $0x1;
	v48 =	vld [tilespmem:s22+$0xF0];
	v18 =	vmul.f32 v25, v30;
	[tilespmem:s22+$0x60] =	vst v10  }
0x17e: {  	v42 =	vld [tilespmem:s22+$0xFFFFFF70];
	v49 =	vbroadcast v1, $0xA;
	v46 =	vmul.f32 v27, v38;
	[tilespmem:s22+$0xA0] =	vst v32  }
0x17f: {  	v37 =	vld [tilespmem:s22+$0x20];
	v12 =	vmul.f32 v29, v45;
	[tilespmem:s22+$0x70] =	vst v18  }
0x180: {  	v39 =	vld [tilespmem:s22+$0x30];
	v51 =	vmul.f32 v33, v49;
	[tilespmem:s22+$0xFFFFFFB0] =	vst v46  }
0x181: {  	v43 =	vld [tilespmem:s22+$0xFFFFFF80];
	v4 =	vmul.f32 v31, v40;
	[tilespmem:s22+$0xFFFFFF20] =	vst v12  }
0x182: {  	v35 =	vld [tilespmem:s22+$0x50];
	v54 =	vbroadcast v1, $0x9;
	v53 =	vmul.f32 v48, v6;
	[tilespmem:s22+$0x40] =	vst v51  }
0x183: {  	v41 =	vld [tilespmem:s22+$0x0];
	v55 =	vmul.f32 v42, v47;
	[tilespmem:s22+$0xFFFFFFE0] =	vst v4  }
0x184: {  	v50 =	vld [tilespmem:s22+$0xFFFFFF30];
	v56 =	vmul.f32 v37, v54;
	[tilespmem:s22+$0xF0] =	vst v53  }
0x185: {  	v44 =	vld [tilespmem:s22+$0x10];
	v57 =	vmul.f32 v39, v54;
	[tilespmem:s22+$0xFFFFFF70] =	vst v55  }
0x186: {  	v58 =	vbroadcast v1, $0x8;
	v59 =	vmul.f32 v43, v52;
	[tilespmem:s22+$0x20] =	vst v56  }
0x187: {  	s20 =	sadd.s32 $0x1, s20;
	v60 =	vmul.f32 v35, v49;
	[tilespmem:s22+$0x30] =	vst v57  }
0x188: {  	p1 =	sne.s32 s20, $0x108;
	v61 =	vmul.f32 v41, v58;
	[tilespmem:s22+$0xFFFFFF80] =	vst v59  }
.Ltmp13:
0x189: {  	v62 =	vmul.f32 v50, v45;
	[tilespmem:s22+$0x50] =	vst v60;
	(pc) =	sbr.rel @p1 .LBB2_12-.Ltmp13, $4  }
0x18a: {  	v63 =	vmul.f32 v44, v58;
	[tilespmem:s22+$0x0] =	vst v61  }
0x18b: {  	s24 =	sshrl.u32 s24, $0x2;
	s21 =	sadd.s32 $0x5, s21;
	s19 =	sadd.s32 $0x300, s19;
	[tilespmem:s22+$0xFFFFFF30] =	vst v62  }
0x18c: {  	s18 =	sadd.s32 $0x1, s18;
	s17 =	sadd.s32 $0x1, s17;
	s28 =	sadd.s32 $0x480, s24;
	[tilespmem:s22+$0x10] =	vst v63  }
0x18d: {  	[spmem:s5] =	stream.indirect.scatter.add.f32 [tilespmem:s23], [sflag:s21], $0x20, s28, s6, $0xb8;
	[tilespmem:$0x1F480] =	vst v63  }
.Ltmp14:
0x18e: {  	(pc) =	sbr.rel .LBB2_20-.Ltmp14, $2  }
0x18f: {  	_ =	sdelay $0x2  }
0x190: {  	s17 =	rddreg [dreg:$0x9]  }
.LBB2_21:
0x191: {  	_ =	sfence.sel $0x180000  }
0x192: {  	[bflag:$0x0] =	sbarrier.arrive $0xFFFF  }
0x193: {  	_ =	strace $0x90000047  }
0x194: {  	s0 =	stileid.u32;
	[bflag:$0x2] =	sbarrier.arrive $0xFFFF  }
0x195: {  	p0 =	sne.s32 s0, $0x0;
	s0 =	rddreg [dreg:$0x7]  }
0x196: {  	s0 =	sadd.s32 @!p0 $0x100000, s0  }
0x197: {  	[sflag:s0] =	ssyncadd.tile.s32 @!p0 $0x1;
	_ =	shalt  }
.Lfunc_end2:
_tile_overlayer_lowered:
.L_overlay_start_2:
0x198: {  	(tag) =	ssettag $0x2  }
0x199: {  	s0 =	rddreg [dreg:$0x0];
	s2 =	stileid.u32  }
0x19a: {  	s1 =	rddreg [dreg:$0x1];
	p0 =	sne.s32 s2, $0x0  }
0x19b: {  	s3 =	rddreg [dreg:$0x2];
	[bflag:$0x3] =	sbarrier.arrive $0xFFFF;
	s2 =	simm.s32 @!p0 $0x1C0F  }
0x19c: {  	[timem:s3], [sflag:s2] =	dma.local @!p0 [hbm:s0], s1  }
0x19d: {  	s0 =	simm.s32 @!p0 $0xF  }
0x19e: {  	_ =	swait.ge @!p0 [sflag:s0], s1  }
0x19f: {  	s1 =	ssub.s32 @!p0 $0x0, s1;
	[sflag:s0] =	ssyncset.done @!p0 $0x0  }
0x1a0: {  	[sflag:s0] =	ssyncadd.s32 @!p0 s1  }
0x1a1: {  	[bflag:$0x3] =	sbarrier.arrive $0xFFFF  }
0x1a2: {  	_ =	shalt  }

</sc_bundles>
